<compile_context>
chip_gen: v7x
topology: tpu7x:2x2x1
jax: 0.10.2.dev20260603
libtpu: 0.0.44.dev20260713+nightly
codegen_flags: <defaults>
</compile_context>

<pallas_src>
import functools

import jax
import jax.numpy as jnp
from jax import lax
from jax.experimental import pallas as pl
from jax.experimental.pallas import tpu as pltpu
from jax.experimental.pallas import tpu_sc as plsc

MAXLEN = 8000
HEAD_DIM = 64
SEQ = 2048
N = SEQ * SEQ

NUM_CORES = 2
NUM_SUBCORES = 16
NUM_WORKERS = NUM_CORES * NUM_SUBCORES

IDX_MINOR = 128
ROWS_PER_STEP = 2
CHUNK = ROWS_PER_STEP * IDX_MINOR
NBUF = 2
GROUP_ROWS = ROWS_PER_STEP * NBUF
IDX_ROWS = N // IDX_MINOR
ROWS_PER_WORKER = IDX_ROWS // NUM_WORKERS
STEPS = ROWS_PER_WORKER // ROWS_PER_STEP
GROUPS = STEPS // NBUF
PER_WORKER_OUT = N // NUM_WORKERS


def _sc_body(idx_hbm, table_hbm, out_hbm, idx_v, rows_v, isems, gsems, wsems):
    wid = lax.axis_index("s") * NUM_CORES + lax.axis_index("c")
    row_base = wid * ROWS_PER_WORKER
    out_base = wid * PER_WORKER_OUT

    def out_slice(i):
        flat = out_base + i * CHUNK
        return out_hbm.at[flat // SEQ, pl.ds(flat % SEQ, CHUNK)]

    def idx_fetch(g, p):
        pltpu.async_copy(
            idx_hbm.at[pl.ds(row_base + g * GROUP_ROWS, GROUP_ROWS)],
            idx_v.at[p], isems[p])

    def idx_wait(p):
        pltpu.make_async_copy(
            idx_hbm.at[pl.ds(0, GROUP_ROWS)], idx_v.at[p], isems[p]).wait()

    def drain_write(i, b):
        pltpu.make_async_copy(rows_v.at[b], out_slice(i), wsems[b]).wait()

    def group(g, p):
        idx_wait(p)

        @pl.when(g + 1 < GROUPS)
        def _():
            idx_fetch(g + 1, 1 - p)

        for j in range(GROUP_ROWS):
            for k in range(IDX_MINOR // 16):
                v = idx_v[p, j, pl.ds(k * 16, 16)]
                v = jnp.minimum(jnp.maximum(v, -MAXLEN), MAXLEN - 1) + MAXLEN
                idx_v[p, j, pl.ds(k * 16, 16)] = v

        gathers = []
        for b in range(NBUF):
            i = g * NBUF + b
            @pl.when(g > 0)
            def _():
                drain_write(i, b)
            gathers.append([
                pltpu.async_copy(
                    table_hbm.at[idx_v.at[p, b * ROWS_PER_STEP + j]],
                    rows_v.at[b, pl.ds(j * IDX_MINOR, IDX_MINOR)],
                    gsems[b])
                for j in range(ROWS_PER_STEP)
            ])
        for b in range(NBUF):
            i = g * NBUF + b
            for cp in gathers[b]:
                cp.wait()
            pltpu.async_copy(rows_v.at[b], out_slice(i), wsems[b])

    def pair(t, c):
        group(2 * t, 0)
        group(2 * t + 1, 1)
        return c

    idx_fetch(0, 0)
    lax.fori_loop(0, GROUPS // 2, pair, 0)
    for b in range(NBUF):
        drain_write((GROUPS - 1) * NBUF + b, b)


@functools.partial(
    pl.kernel,
    out_type=jax.ShapeDtypeStruct((SEQ, SEQ, 2 * HEAD_DIM), jnp.float32),
    mesh=plsc.VectorSubcoreMesh(core_axis_name="c", subcore_axis_name="s"),
    scratch_types=[
        pltpu.VMEM((2, GROUP_ROWS, IDX_MINOR), jnp.int32),
        pltpu.VMEM((NBUF, CHUNK, 2 * HEAD_DIM), jnp.float32),
        [pltpu.SemaphoreType.DMA] * 2,
        [pltpu.SemaphoreType.DMA] * NBUF,
        [pltpu.SemaphoreType.DMA] * NBUF,
    ],
    compiler_params=pltpu.CompilerParams(use_tc_tiling_on_sc=True),
)
def _sc_gather(idx_hbm, table_hbm, out_hbm, idx_v, rows_v, isems, gsems, wsems):
    _sc_body(idx_hbm, table_hbm, out_hbm, idx_v, rows_v, isems, gsems, wsems)


def kernel(pos_seq, pe_k):
    idx2d = pos_seq.astype(jnp.int32).reshape(IDX_ROWS, IDX_MINOR)
    table = jnp.pad(pe_k, ((0, 0), (0, HEAD_DIM)))
    return _sc_gather(idx2d, table)[:, :, :HEAD_DIM]

# --- scband reference (transcript-rebuilt; emitter-appended) ---
"""Pipeline reference for scband-relative-positional-encoding-89343909691674 (READ-ONLY COPY).

The authoritative reference and input builder live on the scoring server;
editing this copy changes nothing except your own understanding.
"""

import jax, jax.numpy as jnp
import numpy as np

MAXLEN = 8000
D_MODEL = 1024
N_HEAD = 16
HEAD_DIM = D_MODEL // N_HEAD
SEQ = 2048


def setup_inputs(seed: int = 0) -> dict:
    key = jax.random.key(seed)
    k1, k2 = jax.random.split(key)
    pos_seq = jax.random.randint(k1, (SEQ, SEQ), 0, 8000)
    pe_k = jax.random.normal(k2, (2 * MAXLEN, HEAD_DIM), dtype=jnp.float32)
    return {"pos_seq": pos_seq, "pe_k": pe_k}


def reference(pos_seq, pe_k):
    # clamp_(-maxlen, maxlen-1) then shift by +maxlen, then embedding lookup
    pos = jnp.clip(pos_seq, -MAXLEN, MAXLEN - 1) + MAXLEN
    out_k = jnp.take(pe_k, pos, axis=0)
    # embed_v=False -> second output is None in torch; return the pe_k embedding
    return out_k

if __name__ == "__main__":
    import jax
    _d = setup_inputs()
    print(jax.jit(kernel)(*tuple(_d.values())))

</pallas_src>

<mosaic_0001>
#map = affine_map<(d0, d1) -> (0, 0)>
#map1 = affine_map<(d0, d1) -> (0, 0, 0)>
module attributes {stable_mosaic.version = 14 : i64} {
  func.func @_sc_gather(%arg0: i32, %arg1: i32, %arg2: memref<32768x128xi32, #tpu.memory_space<hbm>>, %arg3: memref<16000x128xf32, #tpu.memory_space<hbm>>, %arg4: memref<2048x2048x128xf32, #tpu.memory_space<hbm>>, %arg5: memref<2x4x128xi32, #tpu.memory_space<vmem>>, %arg6: memref<2x256x128xf32, #tpu.memory_space<vmem>>, %arg7: memref<!tpu.dma_semaphore, #tpu.memory_space<semaphore_mem>>, %arg8: memref<!tpu.dma_semaphore, #tpu.memory_space<semaphore_mem>>, %arg9: memref<!tpu.dma_semaphore, #tpu.memory_space<semaphore_mem>>, %arg10: memref<!tpu.dma_semaphore, #tpu.memory_space<semaphore_mem>>, %arg11: memref<!tpu.dma_semaphore, #tpu.memory_space<semaphore_mem>>, %arg12: memref<!tpu.dma_semaphore, #tpu.memory_space<semaphore_mem>>) attributes {dimension_semantics = [#tpu.dimension_semantics<core_parallel>, #tpu.dimension_semantics<subcore_parallel>], iteration_bounds = array<i64: 2, 16>, scalar_prefetch = 0 : i64, scratch_operands = 8 : i64, tpu.core_type = #tpu.core_type<sc_vector_subcore>, window_params = [{transform_indices = #map}, {transform_indices = #map}, {transform_indices = #map1}]} {
    %mul3A = arith.constant 2 : i32
    %mul3A_0 = arith.muli %arg1, %mul3A : i32
    %add3A = arith.addi %mul3A_0, %arg0 : i32
    %mul3A_1 = arith.constant 1024 : i32
    %mul3A_2 = arith.muli %add3A, %mul3A_1 : i32
    %mul3A_3 = arith.constant 131072 : i32
    %mul3A_4 = arith.muli %add3A, %mul3A_3 : i32
    %add3A_5 = arith.constant 0 : i32
    %add3A_6 = arith.addi %mul3A_2, %add3A_5 : i32
    %dma_start3A = arith.constant 0 : i32
    %dma_start3A_7 = arith.constant 0 : i32
    %dma_start3A_8 = arith.constant 0 : i32
    %dma_start3A_9 = tpu.memref_slice %arg5[%dma_start3A, %dma_start3A_7, %dma_start3A_8] : memref<2x4x128xi32, #tpu.memory_space<vmem>> -> memref<1x4x128xi32, #tpu.memory_space<vmem>>
    %dma_start3A_10 = tpu.memref_squeeze %dma_start3A_9 : memref<1x4x128xi32, #tpu.memory_space<vmem>> -> memref<4x128xi32, #tpu.memory_space<vmem>>
    %dma_start3A_11 = arith.constant 0 : i32
    %dma_start3A_12 = tpu.memref_slice %arg2[%add3A_6, %dma_start3A_11] : memref<32768x128xi32, #tpu.memory_space<hbm>> -> memref<4x128xi32, #tpu.memory_space<hbm>>
    %dma_start3A_13 = arith.constant 0 : i32
    %dma_start3A_14 = arith.constant 0 : i32
    %dma_start3A_15 = tpu.memref_slice %arg5[%dma_start3A, %dma_start3A_13, %dma_start3A_14] : memref<2x4x128xi32, #tpu.memory_space<vmem>> -> memref<1x4x128xi32, #tpu.memory_space<vmem>>
    %dma_start3A_16 = tpu.memref_squeeze %dma_start3A_15 : memref<1x4x128xi32, #tpu.memory_space<vmem>> -> memref<4x128xi32, #tpu.memory_space<vmem>>
    %dma_start3A_17 = arith.constant 0 : i32
    %dma_start3A_18 = tpu.memref_slice %arg2[%add3A_6, %dma_start3A_17] : memref<32768x128xi32, #tpu.memory_space<hbm>> -> memref<4x128xi32, #tpu.memory_space<hbm>>
    tpu.enqueue_dma source(%dma_start3A_18 : memref<4x128xi32, #tpu.memory_space<hbm>>) target(%dma_start3A_16 : memref<4x128xi32, #tpu.memory_space<vmem>>) target_semaphore(%arg7 : memref<!tpu.dma_semaphore, #tpu.memory_space<semaphore_mem>>)
    %scan3A = arith.constant 0 : i32
    %scan3A_19 = arith.constant 0 : i32
    %scan3A_20 = arith.constant 128 : i32
    %scan3A_21 = arith.addi %scan3A_19, %scan3A_20 : i32
    %scan3A_22 = arith.constant 1 : i32
    scf.for %scan3A_127 = %scan3A_19 to %scan3A_21 step %scan3A_22  : i32 {
      %mul3A_128 = arith.constant 2 : i32
      %mul3A_129 = arith.muli %mul3A_128, %scan3A_127 : i32
      %dma_wait3A_130 = arith.constant 0 : i32
      %dma_wait3A_131 = arith.constant 0 : i32
      %dma_wait3A_132 = arith.constant 0 : i32
      %dma_wait3A_133 = tpu.memref_slice %arg5[%dma_wait3A_130, %dma_wait3A_131, %dma_wait3A_132] : memref<2x4x128xi32, #tpu.memory_space<vmem>> -> memref<1x4x128xi32, #tpu.memory_space<vmem>>
      %dma_wait3A_134 = tpu.memref_squeeze %dma_wait3A_133 : memref<1x4x128xi32, #tpu.memory_space<vmem>> -> memref<4x128xi32, #tpu.memory_space<vmem>>
      %dma_wait3A_135 = arith.constant 0 : i32
      %dma_wait3A_136 = arith.constant 0 : i32
      %dma_wait3A_137 = tpu.memref_slice %arg2[%dma_wait3A_135, %dma_wait3A_136] : memref<32768x128xi32, #tpu.memory_space<hbm>> -> memref<4x128xi32, #tpu.memory_space<hbm>>
      %dma_wait3A_138 = arith.constant 0 : i32
      %dma_wait3A_139 = arith.constant 0 : i32
      %dma_wait3A_140 = tpu.memref_slice %arg5[%dma_wait3A_130, %dma_wait3A_138, %dma_wait3A_139] : memref<2x4x128xi32, #tpu.memory_space<vmem>> -> memref<1x4x128xi32, #tpu.memory_space<vmem>>
      %dma_wait3A_141 = tpu.memref_squeeze %dma_wait3A_140 : memref<1x4x128xi32, #tpu.memory_space<vmem>> -> memref<4x128xi32, #tpu.memory_space<vmem>>
      %dma_wait3A_142 = arith.constant 0 : i32
      %dma_wait3A_143 = arith.constant 0 : i32
      %dma_wait3A_144 = tpu.memref_slice %arg2[%dma_wait3A_142, %dma_wait3A_143] : memref<32768x128xi32, #tpu.memory_space<hbm>> -> memref<4x128xi32, #tpu.memory_space<hbm>>
      tpu.wait_dma2 semaphore(%arg7 : memref<!tpu.dma_semaphore, #tpu.memory_space<semaphore_mem>>) src(%dma_wait3A_144 : memref<4x128xi32, #tpu.memory_space<hbm>>) dst(%dma_wait3A_141 : memref<4x128xi32, #tpu.memory_space<vmem>>)
      %add3A_145 = arith.constant 1 : i32
      %add3A_146 = arith.addi %mul3A_129, %add3A_145 : i32
      %lt3A_147 = arith.constant 256 : i32
      %lt3A_148 = arith.cmpi slt, %add3A_146, %lt3A_147 : i32
      %convert_element_type3A = arith.extui %lt3A_148 : i1 to i32
      %cond3A = arith.constant 0 : i32
      %cond3A_149 = arith.cmpi ne, %convert_element_type3A, %cond3A : i32
      scf.if %cond3A_149 {
        %add3A_2199 = arith.constant 1 : i32
        %add3A_2200 = arith.addi %mul3A_129, %add3A_2199 : i32
        %mul3A_2201 = arith.constant 4 : i32
        %mul3A_2202 = arith.muli %add3A_2200, %mul3A_2201 : i32
        %add3A_2203 = arith.addi %mul3A_2, %mul3A_2202 : i32
        %dma_start3A_2204 = arith.constant 1 : i32
        %dma_start3A_2205 = arith.constant 0 : i32
        %dma_start3A_2206 = arith.constant 0 : i32
        %dma_start3A_2207 = tpu.memref_slice %arg5[%dma_start3A_2204, %dma_start3A_2205, %dma_start3A_2206] : memref<2x4x128xi32, #tpu.memory_space<vmem>> -> memref<1x4x128xi32, #tpu.memory_space<vmem>>
        %dma_start3A_2208 = tpu.memref_squeeze %dma_start3A_2207 : memref<1x4x128xi32, #tpu.memory_space<vmem>> -> memref<4x128xi32, #tpu.memory_space<vmem>>
        %dma_start3A_2209 = arith.constant 0 : i32
        %dma_start3A_2210 = tpu.memref_slice %arg2[%add3A_2203, %dma_start3A_2209] : memref<32768x128xi32, #tpu.memory_space<hbm>> -> memref<4x128xi32, #tpu.memory_space<hbm>>
        %dma_start3A_2211 = arith.constant 0 : i32
        %dma_start3A_2212 = arith.constant 0 : i32
        %dma_start3A_2213 = tpu.memref_slice %arg5[%dma_start3A_2204, %dma_start3A_2211, %dma_start3A_2212] : memref<2x4x128xi32, #tpu.memory_space<vmem>> -> memref<1x4x128xi32, #tpu.memory_space<vmem>>
        %dma_start3A_2214 = tpu.memref_squeeze %dma_start3A_2213 : memref<1x4x128xi32, #tpu.memory_space<vmem>> -> memref<4x128xi32, #tpu.memory_space<vmem>>
        %dma_start3A_2215 = arith.constant 0 : i32
        %dma_start3A_2216 = tpu.memref_slice %arg2[%add3A_2203, %dma_start3A_2215] : memref<32768x128xi32, #tpu.memory_space<hbm>> -> memref<4x128xi32, #tpu.memory_space<hbm>>
        tpu.enqueue_dma source(%dma_start3A_2216 : memref<4x128xi32, #tpu.memory_space<hbm>>) target(%dma_start3A_2214 : memref<4x128xi32, #tpu.memory_space<vmem>>) target_semaphore(%arg8 : memref<!tpu.dma_semaphore, #tpu.memory_space<semaphore_mem>>)
      } else {
      }
      %get3A = arith.constant 0 : i32
      %get3A_150 = arith.constant 0 : i32
      %get3A_151 = arith.index_cast %get3A : i32 to index
      %get3A_152 = arith.index_cast %get3A_150 : i32 to index
      %get3A_153 = arith.constant 0 : index
      %get3A_154 = tpu.vector_load %arg5[%get3A_151, %get3A_152, %get3A_153] {strides = array<i32>} : memref<2x4x128xi32, #tpu.memory_space<vmem>>, vector<1x1x16xi32>,
      %get3A_155 = vector.shape_cast %get3A_154 : vector<1x1x16xi32> to vector<16xi32>
      %max3A = arith.constant -8000 : i32
      %max3A_156 = vector.broadcast %max3A : i32 to vector<16xi32>
      %max3A_157 = arith.maxsi %get3A_155, %max3A_156 : vector<16xi32>
      %min3A = arith.constant 7999 : i32
      %min3A_158 = vector.broadcast %min3A : i32 to vector<16xi32>
      %min3A_159 = arith.minsi %max3A_157, %min3A_158 : vector<16xi32>
      %add3A_160 = arith.constant 8000 : i32
      %add3A_161 = vector.broadcast %add3A_160 : i32 to vector<16xi32>
      %add3A_162 = arith.addi %min3A_159, %add3A_161 : vector<16xi32>
      %swap3A = arith.constant 0 : i32
      %swap3A_163 = arith.constant 0 : i32
      %swap3A_164 = arith.index_cast %swap3A : i32 to index
      %swap3A_165 = arith.index_cast %swap3A_163 : i32 to index
      %swap3A_166 = arith.constant 0 : index
      %swap3A_167 = tpu.vector_load %arg5[%swap3A_164, %swap3A_165, %swap3A_166] {strides = array<i32>} : memref<2x4x128xi32, #tpu.memory_space<vmem>>, vector<1x1x16xi32>,
      %swap3A_168 = vector.shape_cast %swap3A_167 : vector<1x1x16xi32> to vector<16xi32>
      %swap3A_169 = vector.shape_cast %add3A_162 : vector<16xi32> to vector<1x1x16xi32>
      tpu.vector_store %arg5[%swap3A_164, %swap3A_165, %swap3A_166], %swap3A_169 {strides = array<i32>} : memref<2x4x128xi32, #tpu.memory_space<vmem>>, vector<1x1x16xi32>,
      %get3A_170 = arith.constant 0 : i32
      %get3A_171 = arith.constant 0 : i32
      %get3A_172 = arith.index_cast %get3A_170 : i32 to index
      %get3A_173 = arith.index_cast %get3A_171 : i32 to index
      %get3A_174 = arith.constant 16 : index
      %get3A_175 = tpu.vector_load %arg5[%get3A_172, %get3A_173, %get3A_174] {strides = array<i32>} : memref<2x4x128xi32, #tpu.memory_space<vmem>>, vector<1x1x16xi32>,
      %get3A_176 = vector.shape_cast %get3A_175 : vector<1x1x16xi32> to vector<16xi32>
      %max3A_177 = arith.constant -8000 : i32
      %max3A_178 = vector.broadcast %max3A_177 : i32 to vector<16xi32>
      %max3A_179 = arith.maxsi %get3A_176, %max3A_178 : vector<16xi32>
      %min3A_180 = arith.constant 7999 : i32
      %min3A_181 = vector.broadcast %min3A_180 : i32 to vector<16xi32>
      %min3A_182 = arith.minsi %max3A_179, %min3A_181 : vector<16xi32>
      %add3A_183 = arith.constant 8000 : i32
      %add3A_184 = vector.broadcast %add3A_183 : i32 to vector<16xi32>
      %add3A_185 = arith.addi %min3A_182, %add3A_184 : vector<16xi32>
      %swap3A_186 = arith.constant 0 : i32
      %swap3A_187 = arith.constant 0 : i32
      %swap3A_188 = arith.index_cast %swap3A_186 : i32 to index
      %swap3A_189 = arith.index_cast %swap3A_187 : i32 to index
      %swap3A_190 = arith.constant 16 : index
      %swap3A_191 = tpu.vector_load %arg5[%swap3A_188, %swap3A_189, %swap3A_190] {strides = array<i32>} : memref<2x4x128xi32, #tpu.memory_space<vmem>>, vector<1x1x16xi32>,
      %swap3A_192 = vector.shape_cast %swap3A_191 : vector<1x1x16xi32> to vector<16xi32>
      %swap3A_193 = vector.shape_cast %add3A_185 : vector<16xi32> to vector<1x1x16xi32>
      tpu.vector_store %arg5[%swap3A_188, %swap3A_189, %swap3A_190], %swap3A_193 {strides = array<i32>} : memref<2x4x128xi32, #tpu.memory_space<vmem>>, vector<1x1x16xi32>,
      %get3A_194 = arith.constant 0 : i32
      %get3A_195 = arith.constant 0 : i32
      %get3A_196 = arith.index_cast %get3A_194 : i32 to index
      %get3A_197 = arith.index_cast %get3A_195 : i32 to index
      %get3A_198 = arith.constant 32 : index
      %get3A_199 = tpu.vector_load %arg5[%get3A_196, %get3A_197, %get3A_198] {strides = array<i32>} : memref<2x4x128xi32, #tpu.memory_space<vmem>>, vector<1x1x16xi32>,
      %get3A_200 = vector.shape_cast %get3A_199 : vector<1x1x16xi32> to vector<16xi32>
      %max3A_201 = arith.constant -8000 : i32
      %max3A_202 = vector.broadcast %max3A_201 : i32 to vector<16xi32>
      %max3A_203 = arith.maxsi %get3A_200, %max3A_202 : vector<16xi32>
      %min3A_204 = arith.constant 7999 : i32
      %min3A_205 = vector.broadcast %min3A_204 : i32 to vector<16xi32>
      %min3A_206 = arith.minsi %max3A_203, %min3A_205 : vector<16xi32>
      %add3A_207 = arith.constant 8000 : i32
      %add3A_208 = vector.broadcast %add3A_207 : i32 to vector<16xi32>
      %add3A_209 = arith.addi %min3A_206, %add3A_208 : vector<16xi32>
      %swap3A_210 = arith.constant 0 : i32
      %swap3A_211 = arith.constant 0 : i32
      %swap3A_212 = arith.index_cast %swap3A_210 : i32 to index
      %swap3A_213 = arith.index_cast %swap3A_211 : i32 to index
      %swap3A_214 = arith.constant 32 : index
      %swap3A_215 = tpu.vector_load %arg5[%swap3A_212, %swap3A_213, %swap3A_214] {strides = array<i32>} : memref<2x4x128xi32, #tpu.memory_space<vmem>>, vector<1x1x16xi32>,
      %swap3A_216 = vector.shape_cast %swap3A_215 : vector<1x1x16xi32> to vector<16xi32>
      %swap3A_217 = vector.shape_cast %add3A_209 : vector<16xi32> to vector<1x1x16xi32>
      tpu.vector_store %arg5[%swap3A_212, %swap3A_213, %swap3A_214], %swap3A_217 {strides = array<i32>} : memref<2x4x128xi32, #tpu.memory_space<vmem>>, vector<1x1x16xi32>,
      %get3A_218 = arith.constant 0 : i32
      %get3A_219 = arith.constant 0 : i32
      %get3A_220 = arith.index_cast %get3A_218 : i32 to index
      %get3A_221 = arith.index_cast %get3A_219 : i32 to index
      %get3A_222 = arith.constant 48 : index
      %get3A_223 = tpu.vector_load %arg5[%get3A_220, %get3A_221, %get3A_222] {strides = array<i32>} : memref<2x4x128xi32, #tpu.memory_space<vmem>>, vector<1x1x16xi32>,
      %get3A_224 = vector.shape_cast %get3A_223 : vector<1x1x16xi32> to vector<16xi32>
      %max3A_225 = arith.constant -8000 : i32
      %max3A_226 = vector.broadcast %max3A_225 : i32 to vector<16xi32>
      %max3A_227 = arith.maxsi %get3A_224, %max3A_226 : vector<16xi32>
      %min3A_228 = arith.constant 7999 : i32
      %min3A_229 = vector.broadcast %min3A_228 : i32 to vector<16xi32>
      %min3A_230 = arith.minsi %max3A_227, %min3A_229 : vector<16xi32>
      %add3A_231 = arith.constant 8000 : i32
      %add3A_232 = vector.broadcast %add3A_231 : i32 to vector<16xi32>
      %add3A_233 = arith.addi %min3A_230, %add3A_232 : vector<16xi32>
      %swap3A_234 = arith.constant 0 : i32
      %swap3A_235 = arith.constant 0 : i32
      %swap3A_236 = arith.index_cast %swap3A_234 : i32 to index
      %swap3A_237 = arith.index_cast %swap3A_235 : i32 to index
      %swap3A_238 = arith.constant 48 : index
      %swap3A_239 = tpu.vector_load %arg5[%swap3A_236, %swap3A_237, %swap3A_238] {strides = array<i32>} : memref<2x4x128xi32, #tpu.memory_space<vmem>>, vector<1x1x16xi32>,
      %swap3A_240 = vector.shape_cast %swap3A_239 : vector<1x1x16xi32> to vector<16xi32>
      %swap3A_241 = vector.shape_cast %add3A_233 : vector<16xi32> to vector<1x1x16xi32>
      tpu.vector_store %arg5[%swap3A_236, %swap3A_237, %swap3A_238], %swap3A_241 {strides = array<i32>} : memref<2x4x128xi32, #tpu.memory_space<vmem>>, vector<1x1x16xi32>,
      %get3A_242 = arith.constant 0 : i32
      %get3A_243 = arith.constant 0 : i32
      %get3A_244 = arith.index_cast %get3A_242 : i32 to index
      %get3A_245 = arith.index_cast %get3A_243 : i32 to index
      %get3A_246 = arith.constant 64 : index
      %get3A_247 = tpu.vector_load %arg5[%get3A_244, %get3A_245, %get3A_246] {strides = array<i32>} : memref<2x4x128xi32, #tpu.memory_space<vmem>>, vector<1x1x16xi32>,
      %get3A_248 = vector.shape_cast %get3A_247 : vector<1x1x16xi32> to vector<16xi32>
      %max3A_249 = arith.constant -8000 : i32
      %max3A_250 = vector.broadcast %max3A_249 : i32 to vector<16xi32>
      %max3A_251 = arith.maxsi %get3A_248, %max3A_250 : vector<16xi32>
      %min3A_252 = arith.constant 7999 : i32
      %min3A_253 = vector.broadcast %min3A_252 : i32 to vector<16xi32>
      %min3A_254 = arith.minsi %max3A_251, %min3A_253 : vector<16xi32>
      %add3A_255 = arith.constant 8000 : i32
      %add3A_256 = vector.broadcast %add3A_255 : i32 to vector<16xi32>
      %add3A_257 = arith.addi %min3A_254, %add3A_256 : vector<16xi32>
      %swap3A_258 = arith.constant 0 : i32
      %swap3A_259 = arith.constant 0 : i32
      %swap3A_260 = arith.index_cast %swap3A_258 : i32 to index
      %swap3A_261 = arith.index_cast %swap3A_259 : i32 to index
      %swap3A_262 = arith.constant 64 : index
      %swap3A_263 = tpu.vector_load %arg5[%swap3A_260, %swap3A_261, %swap3A_262] {strides = array<i32>} : memref<2x4x128xi32, #tpu.memory_space<vmem>>, vector<1x1x16xi32>,
      %swap3A_264 = vector.shape_cast %swap3A_263 : vector<1x1x16xi32> to vector<16xi32>
      %swap3A_265 = vector.shape_cast %add3A_257 : vector<16xi32> to vector<1x1x16xi32>
      tpu.vector_store %arg5[%swap3A_260, %swap3A_261, %swap3A_262], %swap3A_265 {strides = array<i32>} : memref<2x4x128xi32, #tpu.memory_space<vmem>>, vector<1x1x16xi32>,
      %get3A_266 = arith.constant 0 : i32
      %get3A_267 = arith.constant 0 : i32
      %get3A_268 = arith.index_cast %get3A_266 : i32 to index
      %get3A_269 = arith.index_cast %get3A_267 : i32 to index
      %get3A_270 = arith.constant 80 : index
      %get3A_271 = tpu.vector_load %arg5[%get3A_268, %get3A_269, %get3A_270] {strides = array<i32>} : memref<2x4x128xi32, #tpu.memory_space<vmem>>, vector<1x1x16xi32>,
      %get3A_272 = vector.shape_cast %get3A_271 : vector<1x1x16xi32> to vector<16xi32>
      %max3A_273 = arith.constant -8000 : i32
      %max3A_274 = vector.broadcast %max3A_273 : i32 to vector<16xi32>
      %max3A_275 = arith.maxsi %get3A_272, %max3A_274 : vector<16xi32>
      %min3A_276 = arith.constant 7999 : i32
      %min3A_277 = vector.broadcast %min3A_276 : i32 to vector<16xi32>
      %min3A_278 = arith.minsi %max3A_275, %min3A_277 : vector<16xi32>
      %add3A_279 = arith.constant 8000 : i32
      %add3A_280 = vector.broadcast %add3A_279 : i32 to vector<16xi32>
      %add3A_281 = arith.addi %min3A_278, %add3A_280 : vector<16xi32>
      %swap3A_282 = arith.constant 0 : i32
      %swap3A_283 = arith.constant 0 : i32
      %swap3A_284 = arith.index_cast %swap3A_282 : i32 to index
      %swap3A_285 = arith.index_cast %swap3A_283 : i32 to index
      %swap3A_286 = arith.constant 80 : index
      %swap3A_287 = tpu.vector_load %arg5[%swap3A_284, %swap3A_285, %swap3A_286] {strides = array<i32>} : memref<2x4x128xi32, #tpu.memory_space<vmem>>, vector<1x1x16xi32>,
      %swap3A_288 = vector.shape_cast %swap3A_287 : vector<1x1x16xi32> to vector<16xi32>
      %swap3A_289 = vector.shape_cast %add3A_281 : vector<16xi32> to vector<1x1x16xi32>
      tpu.vector_store %arg5[%swap3A_284, %swap3A_285, %swap3A_286], %swap3A_289 {strides = array<i32>} : memref<2x4x128xi32, #tpu.memory_space<vmem>>, vector<1x1x16xi32>,
      %get3A_290 = arith.constant 0 : i32
      %get3A_291 = arith.constant 0 : i32
      %get3A_292 = arith.index_cast %get3A_290 : i32 to index
      %get3A_293 = arith.index_cast %get3A_291 : i32 to index
      %get3A_294 = arith.constant 96 : index
      %get3A_295 = tpu.vector_load %arg5[%get3A_292, %get3A_293, %get3A_294] {strides = array<i32>} : memref<2x4x128xi32, #tpu.memory_space<vmem>>, vector<1x1x16xi32>,
      %get3A_296 = vector.shape_cast %get3A_295 : vector<1x1x16xi32> to vector<16xi32>
      %max3A_297 = arith.constant -8000 : i32
      %max3A_298 = vector.broadcast %max3A_297 : i32 to vector<16xi32>
      %max3A_299 = arith.maxsi %get3A_296, %max3A_298 : vector<16xi32>
      %min3A_300 = arith.constant 7999 : i32
      %min3A_301 = vector.broadcast %min3A_300 : i32 to vector<16xi32>
      %min3A_302 = arith.minsi %max3A_299, %min3A_301 : vector<16xi32>
      %add3A_303 = arith.constant 8000 : i32
      %add3A_304 = vector.broadcast %add3A_303 : i32 to vector<16xi32>
      %add3A_305 = arith.addi %min3A_302, %add3A_304 : vector<16xi32>
      %swap3A_306 = arith.constant 0 : i32
      %swap3A_307 = arith.constant 0 : i32
      %swap3A_308 = arith.index_cast %swap3A_306 : i32 to index
      %swap3A_309 = arith.index_cast %swap3A_307 : i32 to index
      %swap3A_310 = arith.constant 96 : index
      %swap3A_311 = tpu.vector_load %arg5[%swap3A_308, %swap3A_309, %swap3A_310] {strides = array<i32>} : memref<2x4x128xi32, #tpu.memory_space<vmem>>, vector<1x1x16xi32>,
      %swap3A_312 = vector.shape_cast %swap3A_311 : vector<1x1x16xi32> to vector<16xi32>
      %swap3A_313 = vector.shape_cast %add3A_305 : vector<16xi32> to vector<1x1x16xi32>
      tpu.vector_store %arg5[%swap3A_308, %swap3A_309, %swap3A_310], %swap3A_313 {strides = array<i32>} : memref<2x4x128xi32, #tpu.memory_space<vmem>>, vector<1x1x16xi32>,
      %get3A_314 = arith.constant 0 : i32
      %get3A_315 = arith.constant 0 : i32
      %get3A_316 = arith.index_cast %get3A_314 : i32 to index
      %get3A_317 = arith.index_cast %get3A_315 : i32 to index
      %get3A_318 = arith.constant 112 : index
      %get3A_319 = tpu.vector_load %arg5[%get3A_316, %get3A_317, %get3A_318] {strides = array<i32>} : memref<2x4x128xi32, #tpu.memory_space<vmem>>, vector<1x1x16xi32>,
      %get3A_320 = vector.shape_cast %get3A_319 : vector<1x1x16xi32> to vector<16xi32>
      %max3A_321 = arith.constant -8000 : i32
      %max3A_322 = vector.broadcast %max3A_321 : i32 to vector<16xi32>
      %max3A_323 = arith.maxsi %get3A_320, %max3A_322 : vector<16xi32>
      %min3A_324 = arith.constant 7999 : i32
      %min3A_325 = vector.broadcast %min3A_324 : i32 to vector<16xi32>
      %min3A_326 = arith.minsi %max3A_323, %min3A_325 : vector<16xi32>
      %add3A_327 = arith.constant 8000 : i32
      %add3A_328 = vector.broadcast %add3A_327 : i32 to vector<16xi32>
      %add3A_329 = arith.addi %min3A_326, %add3A_328 : vector<16xi32>
      %swap3A_330 = arith.constant 0 : i32
      %swap3A_331 = arith.constant 0 : i32
      %swap3A_332 = arith.index_cast %swap3A_330 : i32 to index
      %swap3A_333 = arith.index_cast %swap3A_331 : i32 to index
      %swap3A_334 = arith.constant 112 : index
      %swap3A_335 = tpu.vector_load %arg5[%swap3A_332, %swap3A_333, %swap3A_334] {strides = array<i32>} : memref<2x4x128xi32, #tpu.memory_space<vmem>>, vector<1x1x16xi32>,
      %swap3A_336 = vector.shape_cast %swap3A_335 : vector<1x1x16xi32> to vector<16xi32>
      %swap3A_337 = vector.shape_cast %add3A_329 : vector<16xi32> to vector<1x1x16xi32>
      tpu.vector_store %arg5[%swap3A_332, %swap3A_333, %swap3A_334], %swap3A_337 {strides = array<i32>} : memref<2x4x128xi32, #tpu.memory_space<vmem>>, vector<1x1x16xi32>,
      %get3A_338 = arith.constant 0 : i32
      %get3A_339 = arith.constant 1 : i32
      %get3A_340 = arith.index_cast %get3A_338 : i32 to index
      %get3A_341 = arith.index_cast %get3A_339 : i32 to index
      %get3A_342 = arith.constant 0 : index
      %get3A_343 = tpu.vector_load %arg5[%get3A_340, %get3A_341, %get3A_342] {strides = array<i32>} : memref<2x4x128xi32, #tpu.memory_space<vmem>>, vector<1x1x16xi32>,
      %get3A_344 = vector.shape_cast %get3A_343 : vector<1x1x16xi32> to vector<16xi32>
      %max3A_345 = arith.constant -8000 : i32
      %max3A_346 = vector.broadcast %max3A_345 : i32 to vector<16xi32>
      %max3A_347 = arith.maxsi %get3A_344, %max3A_346 : vector<16xi32>
      %min3A_348 = arith.constant 7999 : i32
      %min3A_349 = vector.broadcast %min3A_348 : i32 to vector<16xi32>
      %min3A_350 = arith.minsi %max3A_347, %min3A_349 : vector<16xi32>
      %add3A_351 = arith.constant 8000 : i32
      %add3A_352 = vector.broadcast %add3A_351 : i32 to vector<16xi32>
      %add3A_353 = arith.addi %min3A_350, %add3A_352 : vector<16xi32>
      %swap3A_354 = arith.constant 0 : i32
      %swap3A_355 = arith.constant 1 : i32
      %swap3A_356 = arith.index_cast %swap3A_354 : i32 to index
      %swap3A_357 = arith.index_cast %swap3A_355 : i32 to index
      %swap3A_358 = arith.constant 0 : index
      %swap3A_359 = tpu.vector_load %arg5[%swap3A_356, %swap3A_357, %swap3A_358] {strides = array<i32>} : memref<2x4x128xi32, #tpu.memory_space<vmem>>, vector<1x1x16xi32>,
      %swap3A_360 = vector.shape_cast %swap3A_359 : vector<1x1x16xi32> to vector<16xi32>
      %swap3A_361 = vector.shape_cast %add3A_353 : vector<16xi32> to vector<1x1x16xi32>
      tpu.vector_store %arg5[%swap3A_356, %swap3A_357, %swap3A_358], %swap3A_361 {strides = array<i32>} : memref<2x4x128xi32, #tpu.memory_space<vmem>>, vector<1x1x16xi32>,
      %get3A_362 = arith.constant 0 : i32
      %get3A_363 = arith.constant 1 : i32
      %get3A_364 = arith.index_cast %get3A_362 : i32 to index
      %get3A_365 = arith.index_cast %get3A_363 : i32 to index
      %get3A_366 = arith.constant 16 : index
      %get3A_367 = tpu.vector_load %arg5[%get3A_364, %get3A_365, %get3A_366] {strides = array<i32>} : memref<2x4x128xi32, #tpu.memory_space<vmem>>, vector<1x1x16xi32>,
      %get3A_368 = vector.shape_cast %get3A_367 : vector<1x1x16xi32> to vector<16xi32>
      %max3A_369 = arith.constant -8000 : i32
      %max3A_370 = vector.broadcast %max3A_369 : i32 to vector<16xi32>
      %max3A_371 = arith.maxsi %get3A_368, %max3A_370 : vector<16xi32>
      %min3A_372 = arith.constant 7999 : i32
      %min3A_373 = vector.broadcast %min3A_372 : i32 to vector<16xi32>
      %min3A_374 = arith.minsi %max3A_371, %min3A_373 : vector<16xi32>
      %add3A_375 = arith.constant 8000 : i32
      %add3A_376 = vector.broadcast %add3A_375 : i32 to vector<16xi32>
      %add3A_377 = arith.addi %min3A_374, %add3A_376 : vector<16xi32>
      %swap3A_378 = arith.constant 0 : i32
      %swap3A_379 = arith.constant 1 : i32
      %swap3A_380 = arith.index_cast %swap3A_378 : i32 to index
      %swap3A_381 = arith.index_cast %swap3A_379 : i32 to index
      %swap3A_382 = arith.constant 16 : index
      %swap3A_383 = tpu.vector_load %arg5[%swap3A_380, %swap3A_381, %swap3A_382] {strides = array<i32>} : memref<2x4x128xi32, #tpu.memory_space<vmem>>, vector<1x1x16xi32>,
      %swap3A_384 = vector.shape_cast %swap3A_383 : vector<1x1x16xi32> to vector<16xi32>
      %swap3A_385 = vector.shape_cast %add3A_377 : vector<16xi32> to vector<1x1x16xi32>
      tpu.vector_store %arg5[%swap3A_380, %swap3A_381, %swap3A_382], %swap3A_385 {strides = array<i32>} : memref<2x4x128xi32, #tpu.memory_space<vmem>>, vector<1x1x16xi32>,
      %get3A_386 = arith.constant 0 : i32
      %get3A_387 = arith.constant 1 : i32
      %get3A_388 = arith.index_cast %get3A_386 : i32 to index
      %get3A_389 = arith.index_cast %get3A_387 : i32 to index
      %get3A_390 = arith.constant 32 : index
      %get3A_391 = tpu.vector_load %arg5[%get3A_388, %get3A_389, %get3A_390] {strides = array<i32>} : memref<2x4x128xi32, #tpu.memory_space<vmem>>, vector<1x1x16xi32>,
      %get3A_392 = vector.shape_cast %get3A_391 : vector<1x1x16xi32> to vector<16xi32>
      %max3A_393 = arith.constant -8000 : i32
      %max3A_394 = vector.broadcast %max3A_393 : i32 to vector<16xi32>
      %max3A_395 = arith.maxsi %get3A_392, %max3A_394 : vector<16xi32>
      %min3A_396 = arith.constant 7999 : i32
      %min3A_397 = vector.broadcast %min3A_396 : i32 to vector<16xi32>
      %min3A_398 = arith.minsi %max3A_395, %min3A_397 : vector<16xi32>
      %add3A_399 = arith.constant 8000 : i32
      %add3A_400 = vector.broadcast %add3A_399 : i32 to vector<16xi32>
      %add3A_401 = arith.addi %min3A_398, %add3A_400 : vector<16xi32>
      %swap3A_402 = arith.constant 0 : i32
      %swap3A_403 = arith.constant 1 : i32
      %swap3A_404 = arith.index_cast %swap3A_402 : i32 to index
      %swap3A_405 = arith.index_cast %swap3A_403 : i32 to index
      %swap3A_406 = arith.constant 32 : index
      %swap3A_407 = tpu.vector_load %arg5[%swap3A_404, %swap3A_405, %swap3A_406] {strides = array<i32>} : memref<2x4x128xi32, #tpu.memory_space<vmem>>, vector<1x1x16xi32>,
      %swap3A_408 = vector.shape_cast %swap3A_407 : vector<1x1x16xi32> to vector<16xi32>
      %swap3A_409 = vector.shape_cast %add3A_401 : vector<16xi32> to vector<1x1x16xi32>
      tpu.vector_store %arg5[%swap3A_404, %swap3A_405, %swap3A_406], %swap3A_409 {strides = array<i32>} : memref<2x4x128xi32, #tpu.memory_space<vmem>>, vector<1x1x16xi32>,
      %get3A_410 = arith.constant 0 : i32
      %get3A_411 = arith.constant 1 : i32
      %get3A_412 = arith.index_cast %get3A_410 : i32 to index
      %get3A_413 = arith.index_cast %get3A_411 : i32 to index
      %get3A_414 = arith.constant 48 : index
      %get3A_415 = tpu.vector_load %arg5[%get3A_412, %get3A_413, %get3A_414] {strides = array<i32>} : memref<2x4x128xi32, #tpu.memory_space<vmem>>, vector<1x1x16xi32>,
      %get3A_416 = vector.shape_cast %get3A_415 : vector<1x1x16xi32> to vector<16xi32>
      %max3A_417 = arith.constant -8000 : i32
      %max3A_418 = vector.broadcast %max3A_417 : i32 to vector<16xi32>
      %max3A_419 = arith.maxsi %get3A_416, %max3A_418 : vector<16xi32>
      %min3A_420 = arith.constant 7999 : i32
      %min3A_421 = vector.broadcast %min3A_420 : i32 to vector<16xi32>
      %min3A_422 = arith.minsi %max3A_419, %min3A_421 : vector<16xi32>
      %add3A_423 = arith.constant 8000 : i32
      %add3A_424 = vector.broadcast %add3A_423 : i32 to vector<16xi32>
      %add3A_425 = arith.addi %min3A_422, %add3A_424 : vector<16xi32>
      %swap3A_426 = arith.constant 0 : i32
      %swap3A_427 = arith.constant 1 : i32
      %swap3A_428 = arith.index_cast %swap3A_426 : i32 to index
      %swap3A_429 = arith.index_cast %swap3A_427 : i32 to index
      %swap3A_430 = arith.constant 48 : index
      %swap3A_431 = tpu.vector_load %arg5[%swap3A_428, %swap3A_429, %swap3A_430] {strides = array<i32>} : memref<2x4x128xi32, #tpu.memory_space<vmem>>, vector<1x1x16xi32>,
      %swap3A_432 = vector.shape_cast %swap3A_431 : vector<1x1x16xi32> to vector<16xi32>
      %swap3A_433 = vector.shape_cast %add3A_425 : vector<16xi32> to vector<1x1x16xi32>
      tpu.vector_store %arg5[%swap3A_428, %swap3A_429, %swap3A_430], %swap3A_433 {strides = array<i32>} : memref<2x4x128xi32, #tpu.memory_space<vmem>>, vector<1x1x16xi32>,
      %get3A_434 = arith.constant 0 : i32
      %get3A_435 = arith.constant 1 : i32
      %get3A_436 = arith.index_cast %get3A_434 : i32 to index
      %get3A_437 = arith.index_cast %get3A_435 : i32 to index
      %get3A_438 = arith.constant 64 : index
      %get3A_439 = tpu.vector_load %arg5[%get3A_436, %get3A_437, %get3A_438] {strides = array<i32>} : memref<2x4x128xi32, #tpu.memory_space<vmem>>, vector<1x1x16xi32>,
      %get3A_440 = vector.shape_cast %get3A_439 : vector<1x1x16xi32> to vector<16xi32>
      %max3A_441 = arith.constant -8000 : i32
      %max3A_442 = vector.broadcast %max3A_441 : i32 to vector<16xi32>
      %max3A_443 = arith.maxsi %get3A_440, %max3A_442 : vector<16xi32>
      %min3A_444 = arith.constant 7999 : i32
      %min3A_445 = vector.broadcast %min3A_444 : i32 to vector<16xi32>
      %min3A_446 = arith.minsi %max3A_443, %min3A_445 : vector<16xi32>
      %add3A_447 = arith.constant 8000 : i32
      %add3A_448 = vector.broadcast %add3A_447 : i32 to vector<16xi32>
      %add3A_449 = arith.addi %min3A_446, %add3A_448 : vector<16xi32>
      %swap3A_450 = arith.constant 0 : i32
      %swap3A_451 = arith.constant 1 : i32
      %swap3A_452 = arith.index_cast %swap3A_450 : i32 to index
      %swap3A_453 = arith.index_cast %swap3A_451 : i32 to index
      %swap3A_454 = arith.constant 64 : index
      %swap3A_455 = tpu.vector_load %arg5[%swap3A_452, %swap3A_453, %swap3A_454] {strides = array<i32>} : memref<2x4x128xi32, #tpu.memory_space<vmem>>, vector<1x1x16xi32>,
      %swap3A_456 = vector.shape_cast %swap3A_455 : vector<1x1x16xi32> to vector<16xi32>
      %swap3A_457 = vector.shape_cast %add3A_449 : vector<16xi32> to vector<1x1x16xi32>
      tpu.vector_store %arg5[%swap3A_452, %swap3A_453, %swap3A_454], %swap3A_457 {strides = array<i32>} : memref<2x4x128xi32, #tpu.memory_space<vmem>>, vector<1x1x16xi32>,
      %get3A_458 = arith.constant 0 : i32
      %get3A_459 = arith.constant 1 : i32
      %get3A_460 = arith.index_cast %get3A_458 : i32 to index
      %get3A_461 = arith.index_cast %get3A_459 : i32 to index
      %get3A_462 = arith.constant 80 : index
      %get3A_463 = tpu.vector_load %arg5[%get3A_460, %get3A_461, %get3A_462] {strides = array<i32>} : memref<2x4x128xi32, #tpu.memory_space<vmem>>, vector<1x1x16xi32>,
      %get3A_464 = vector.shape_cast %get3A_463 : vector<1x1x16xi32> to vector<16xi32>
      %max3A_465 = arith.constant -8000 : i32
      %max3A_466 = vector.broadcast %max3A_465 : i32 to vector<16xi32>
      %max3A_467 = arith.maxsi %get3A_464, %max3A_466 : vector<16xi32>
      %min3A_468 = arith.constant 7999 : i32
      %min3A_469 = vector.broadcast %min3A_468 : i32 to vector<16xi32>
      %min3A_470 = arith.minsi %max3A_467, %min3A_469 : vector<16xi32>
      %add3A_471 = arith.constant 8000 : i32
      %add3A_472 = vector.broadcast %add3A_471 : i32 to vector<16xi32>
      %add3A_473 = arith.addi %min3A_470, %add3A_472 : vector<16xi32>
      %swap3A_474 = arith.constant 0 : i32
      %swap3A_475 = arith.constant 1 : i32
      %swap3A_476 = arith.index_cast %swap3A_474 : i32 to index
      %swap3A_477 = arith.index_cast %swap3A_475 : i32 to index
      %swap3A_478 = arith.constant 80 : index
      %swap3A_479 = tpu.vector_load %arg5[%swap3A_476, %swap3A_477, %swap3A_478] {strides = array<i32>} : memref<2x4x128xi32, #tpu.memory_space<vmem>>, vector<1x1x16xi32>,
      %swap3A_480 = vector.shape_cast %swap3A_479 : vector<1x1x16xi32> to vector<16xi32>
      %swap3A_481 = vector.shape_cast %add3A_473 : vector<16xi32> to vector<1x1x16xi32>
      tpu.vector_store %arg5[%swap3A_476, %swap3A_477, %swap3A_478], %swap3A_481 {strides = array<i32>} : memref<2x4x128xi32, #tpu.memory_space<vmem>>, vector<1x1x16xi32>,
      %get3A_482 = arith.constant 0 : i32
      %get3A_483 = arith.constant 1 : i32
      %get3A_484 = arith.index_cast %get3A_482 : i32 to index
      %get3A_485 = arith.index_cast %get3A_483 : i32 to index
      %get3A_486 = arith.constant 96 : index
      %get3A_487 = tpu.vector_load %arg5[%get3A_484, %get3A_485, %get3A_486] {strides = array<i32>} : memref<2x4x128xi32, #tpu.memory_space<vmem>>, vector<1x1x16xi32>,
      %get3A_488 = vector.shape_cast %get3A_487 : vector<1x1x16xi32> to vector<16xi32>
      %max3A_489 = arith.constant -8000 : i32
      %max3A_490 = vector.broadcast %max3A_489 : i32 to vector<16xi32>
      %max3A_491 = arith.maxsi %get3A_488, %max3A_490 : vector<16xi32>
      %min3A_492 = arith.constant 7999 : i32
      %min3A_493 = vector.broadcast %min3A_492 : i32 to vector<16xi32>
      %min3A_494 = arith.minsi %max3A_491, %min3A_493 : vector<16xi32>
      %add3A_495 = arith.constant 8000 : i32
      %add3A_496 = vector.broadcast %add3A_495 : i32 to vector<16xi32>
      %add3A_497 = arith.addi %min3A_494, %add3A_496 : vector<16xi32>
      %swap3A_498 = arith.constant 0 : i32
      %swap3A_499 = arith.constant 1 : i32
      %swap3A_500 = arith.index_cast %swap3A_498 : i32 to index
      %swap3A_501 = arith.index_cast %swap3A_499 : i32 to index
      %swap3A_502 = arith.constant 96 : index
      %swap3A_503 = tpu.vector_load %arg5[%swap3A_500, %swap3A_501, %swap3A_502] {strides = array<i32>} : memref<2x4x128xi32, #tpu.memory_space<vmem>>, vector<1x1x16xi32>,
      %swap3A_504 = vector.shape_cast %swap3A_503 : vector<1x1x16xi32> to vector<16xi32>
      %swap3A_505 = vector.shape_cast %add3A_497 : vector<16xi32> to vector<1x1x16xi32>
      tpu.vector_store %arg5[%swap3A_500, %swap3A_501, %swap3A_502], %swap3A_505 {strides = array<i32>} : memref<2x4x128xi32, #tpu.memory_space<vmem>>, vector<1x1x16xi32>,
      %get3A_506 = arith.constant 0 : i32
      %get3A_507 = arith.constant 1 : i32
      %get3A_508 = arith.index_cast %get3A_506 : i32 to index
      %get3A_509 = arith.index_cast %get3A_507 : i32 to index
      %get3A_510 = arith.constant 112 : index
      %get3A_511 = tpu.vector_load %arg5[%get3A_508, %get3A_509, %get3A_510] {strides = array<i32>} : memref<2x4x128xi32, #tpu.memory_space<vmem>>, vector<1x1x16xi32>,
      %get3A_512 = vector.shape_cast %get3A_511 : vector<1x1x16xi32> to vector<16xi32>
      %max3A_513 = arith.constant -8000 : i32
      %max3A_514 = vector.broadcast %max3A_513 : i32 to vector<16xi32>
      %max3A_515 = arith.maxsi %get3A_512, %max3A_514 : vector<16xi32>
      %min3A_516 = arith.constant 7999 : i32
      %min3A_517 = vector.broadcast %min3A_516 : i32 to vector<16xi32>
      %min3A_518 = arith.minsi %max3A_515, %min3A_517 : vector<16xi32>
      %add3A_519 = arith.constant 8000 : i32
      %add3A_520 = vector.broadcast %add3A_519 : i32 to vector<16xi32>
      %add3A_521 = arith.addi %min3A_518, %add3A_520 : vector<16xi32>
      %swap3A_522 = arith.constant 0 : i32
      %swap3A_523 = arith.constant 1 : i32
      %swap3A_524 = arith.index_cast %swap3A_522 : i32 to index
      %swap3A_525 = arith.index_cast %swap3A_523 : i32 to index
      %swap3A_526 = arith.constant 112 : index
      %swap3A_527 = tpu.vector_load %arg5[%swap3A_524, %swap3A_525, %swap3A_526] {strides = array<i32>} : memref<2x4x128xi32, #tpu.memory_space<vmem>>, vector<1x1x16xi32>,
      %swap3A_528 = vector.shape_cast %swap3A_527 : vector<1x1x16xi32> to vector<16xi32>
      %swap3A_529 = vector.shape_cast %add3A_521 : vector<16xi32> to vector<1x1x16xi32>
      tpu.vector_store %arg5[%swap3A_524, %swap3A_525, %swap3A_526], %swap3A_529 {strides = array<i32>} : memref<2x4x128xi32, #tpu.memory_space<vmem>>, vector<1x1x16xi32>,
      %get3A_530 = arith.constant 0 : i32
      %get3A_531 = arith.constant 2 : i32
      %get3A_532 = arith.index_cast %get3A_530 : i32 to index
      %get3A_533 = arith.index_cast %get3A_531 : i32 to index
      %get3A_534 = arith.constant 0 : index
      %get3A_535 = tpu.vector_load %arg5[%get3A_532, %get3A_533, %get3A_534] {strides = array<i32>} : memref<2x4x128xi32, #tpu.memory_space<vmem>>, vector<1x1x16xi32>,
      %get3A_536 = vector.shape_cast %get3A_535 : vector<1x1x16xi32> to vector<16xi32>
      %max3A_537 = arith.constant -8000 : i32
      %max3A_538 = vector.broadcast %max3A_537 : i32 to vector<16xi32>
      %max3A_539 = arith.maxsi %get3A_536, %max3A_538 : vector<16xi32>
      %min3A_540 = arith.constant 7999 : i32
      %min3A_541 = vector.broadcast %min3A_540 : i32 to vector<16xi32>
      %min3A_542 = arith.minsi %max3A_539, %min3A_541 : vector<16xi32>
      %add3A_543 = arith.constant 8000 : i32
      %add3A_544 = vector.broadcast %add3A_543 : i32 to vector<16xi32>
      %add3A_545 = arith.addi %min3A_542, %add3A_544 : vector<16xi32>
      %swap3A_546 = arith.constant 0 : i32
      %swap3A_547 = arith.constant 2 : i32
      %swap3A_548 = arith.index_cast %swap3A_546 : i32 to index
      %swap3A_549 = arith.index_cast %swap3A_547 : i32 to index
      %swap3A_550 = arith.constant 0 : index
      %swap3A_551 = tpu.vector_load %arg5[%swap3A_548, %swap3A_549, %swap3A_550] {strides = array<i32>} : memref<2x4x128xi32, #tpu.memory_space<vmem>>, vector<1x1x16xi32>,
      %swap3A_552 = vector.shape_cast %swap3A_551 : vector<1x1x16xi32> to vector<16xi32>
      %swap3A_553 = vector.shape_cast %add3A_545 : vector<16xi32> to vector<1x1x16xi32>
      tpu.vector_store %arg5[%swap3A_548, %swap3A_549, %swap3A_550], %swap3A_553 {strides = array<i32>} : memref<2x4x128xi32, #tpu.memory_space<vmem>>, vector<1x1x16xi32>,
      %get3A_554 = arith.constant 0 : i32
      %get3A_555 = arith.constant 2 : i32
      %get3A_556 = arith.index_cast %get3A_554 : i32 to index
      %get3A_557 = arith.index_cast %get3A_555 : i32 to index
      %get3A_558 = arith.constant 16 : index
      %get3A_559 = tpu.vector_load %arg5[%get3A_556, %get3A_557, %get3A_558] {strides = array<i32>} : memref<2x4x128xi32, #tpu.memory_space<vmem>>, vector<1x1x16xi32>,
      %get3A_560 = vector.shape_cast %get3A_559 : vector<1x1x16xi32> to vector<16xi32>
      %max3A_561 = arith.constant -8000 : i32
      %max3A_562 = vector.broadcast %max3A_561 : i32 to vector<16xi32>
      %max3A_563 = arith.maxsi %get3A_560, %max3A_562 : vector<16xi32>
      %min3A_564 = arith.constant 7999 : i32
      %min3A_565 = vector.broadcast %min3A_564 : i32 to vector<16xi32>
      %min3A_566 = arith.minsi %max3A_563, %min3A_565 : vector<16xi32>
      %add3A_567 = arith.constant 8000 : i32
      %add3A_568 = vector.broadcast %add3A_567 : i32 to vector<16xi32>
      %add3A_569 = arith.addi %min3A_566, %add3A_568 : vector<16xi32>
      %swap3A_570 = arith.constant 0 : i32
      %swap3A_571 = arith.constant 2 : i32
      %swap3A_572 = arith.index_cast %swap3A_570 : i32 to index
      %swap3A_573 = arith.index_cast %swap3A_571 : i32 to index
      %swap3A_574 = arith.constant 16 : index
      %swap3A_575 = tpu.vector_load %arg5[%swap3A_572, %swap3A_573, %swap3A_574] {strides = array<i32>} : memref<2x4x128xi32, #tpu.memory_space<vmem>>, vector<1x1x16xi32>,
      %swap3A_576 = vector.shape_cast %swap3A_575 : vector<1x1x16xi32> to vector<16xi32>
      %swap3A_577 = vector.shape_cast %add3A_569 : vector<16xi32> to vector<1x1x16xi32>
      tpu.vector_store %arg5[%swap3A_572, %swap3A_573, %swap3A_574], %swap3A_577 {strides = array<i32>} : memref<2x4x128xi32, #tpu.memory_space<vmem>>, vector<1x1x16xi32>,
      %get3A_578 = arith.constant 0 : i32
      %get3A_579 = arith.constant 2 : i32
      %get3A_580 = arith.index_cast %get3A_578 : i32 to index
      %get3A_581 = arith.index_cast %get3A_579 : i32 to index
      %get3A_582 = arith.constant 32 : index
      %get3A_583 = tpu.vector_load %arg5[%get3A_580, %get3A_581, %get3A_582] {strides = array<i32>} : memref<2x4x128xi32, #tpu.memory_space<vmem>>, vector<1x1x16xi32>,
      %get3A_584 = vector.shape_cast %get3A_583 : vector<1x1x16xi32> to vector<16xi32>
      %max3A_585 = arith.constant -8000 : i32
      %max3A_586 = vector.broadcast %max3A_585 : i32 to vector<16xi32>
      %max3A_587 = arith.maxsi %get3A_584, %max3A_586 : vector<16xi32>
      %min3A_588 = arith.constant 7999 : i32
      %min3A_589 = vector.broadcast %min3A_588 : i32 to vector<16xi32>
      %min3A_590 = arith.minsi %max3A_587, %min3A_589 : vector<16xi32>
      %add3A_591 = arith.constant 8000 : i32
      %add3A_592 = vector.broadcast %add3A_591 : i32 to vector<16xi32>
      %add3A_593 = arith.addi %min3A_590, %add3A_592 : vector<16xi32>
      %swap3A_594 = arith.constant 0 : i32
      %swap3A_595 = arith.constant 2 : i32
      %swap3A_596 = arith.index_cast %swap3A_594 : i32 to index
      %swap3A_597 = arith.index_cast %swap3A_595 : i32 to index
      %swap3A_598 = arith.constant 32 : index
      %swap3A_599 = tpu.vector_load %arg5[%swap3A_596, %swap3A_597, %swap3A_598] {strides = array<i32>} : memref<2x4x128xi32, #tpu.memory_space<vmem>>, vector<1x1x16xi32>,
      %swap3A_600 = vector.shape_cast %swap3A_599 : vector<1x1x16xi32> to vector<16xi32>
      %swap3A_601 = vector.shape_cast %add3A_593 : vector<16xi32> to vector<1x1x16xi32>
      tpu.vector_store %arg5[%swap3A_596, %swap3A_597, %swap3A_598], %swap3A_601 {strides = array<i32>} : memref<2x4x128xi32, #tpu.memory_space<vmem>>, vector<1x1x16xi32>,
      %get3A_602 = arith.constant 0 : i32
      %get3A_603 = arith.constant 2 : i32
      %get3A_604 = arith.index_cast %get3A_602 : i32 to index
      %get3A_605 = arith.index_cast %get3A_603 : i32 to index
      %get3A_606 = arith.constant 48 : index
      %get3A_607 = tpu.vector_load %arg5[%get3A_604, %get3A_605, %get3A_606] {strides = array<i32>} : memref<2x4x128xi32, #tpu.memory_space<vmem>>, vector<1x1x16xi32>,
      %get3A_608 = vector.shape_cast %get3A_607 : vector<1x1x16xi32> to vector<16xi32>
      %max3A_609 = arith.constant -8000 : i32
      %max3A_610 = vector.broadcast %max3A_609 : i32 to vector<16xi32>
      %max3A_611 = arith.maxsi %get3A_608, %max3A_610 : vector<16xi32>
      %min3A_612 = arith.constant 7999 : i32
      %min3A_613 = vector.broadcast %min3A_612 : i32 to vector<16xi32>
      %min3A_614 = arith.minsi %max3A_611, %min3A_613 : vector<16xi32>
      %add3A_615 = arith.constant 8000 : i32
      %add3A_616 = vector.broadcast %add3A_615 : i32 to vector<16xi32>
      %add3A_617 = arith.addi %min3A_614, %add3A_616 : vector<16xi32>
      %swap3A_618 = arith.constant 0 : i32
      %swap3A_619 = arith.constant 2 : i32
      %swap3A_620 = arith.index_cast %swap3A_618 : i32 to index
      %swap3A_621 = arith.index_cast %swap3A_619 : i32 to index
      %swap3A_622 = arith.constant 48 : index
      %swap3A_623 = tpu.vector_load %arg5[%swap3A_620, %swap3A_621, %swap3A_622] {strides = array<i32>} : memref<2x4x128xi32, #tpu.memory_space<vmem>>, vector<1x1x16xi32>,
      %swap3A_624 = vector.shape_cast %swap3A_623 : vector<1x1x16xi32> to vector<16xi32>
      %swap3A_625 = vector.shape_cast %add3A_617 : vector<16xi32> to vector<1x1x16xi32>
      tpu.vector_store %arg5[%swap3A_620, %swap3A_621, %swap3A_622], %swap3A_625 {strides = array<i32>} : memref<2x4x128xi32, #tpu.memory_space<vmem>>, vector<1x1x16xi32>,
      %get3A_626 = arith.constant 0 : i32
      %get3A_627 = arith.constant 2 : i32
      %get3A_628 = arith.index_cast %get3A_626 : i32 to index
      %get3A_629 = arith.index_cast %get3A_627 : i32 to index
      %get3A_630 = arith.constant 64 : index
      %get3A_631 = tpu.vector_load %arg5[%get3A_628, %get3A_629, %get3A_630] {strides = array<i32>} : memref<2x4x128xi32, #tpu.memory_space<vmem>>, vector<1x1x16xi32>,
      %get3A_632 = vector.shape_cast %get3A_631 : vector<1x1x16xi32> to vector<16xi32>
      %max3A_633 = arith.constant -8000 : i32
      %max3A_634 = vector.broadcast %max3A_633 : i32 to vector<16xi32>
      %max3A_635 = arith.maxsi %get3A_632, %max3A_634 : vector<16xi32>
      %min3A_636 = arith.constant 7999 : i32
      %min3A_637 = vector.broadcast %min3A_636 : i32 to vector<16xi32>
      %min3A_638 = arith.minsi %max3A_635, %min3A_637 : vector<16xi32>
      %add3A_639 = arith.constant 8000 : i32
      %add3A_640 = vector.broadcast %add3A_639 : i32 to vector<16xi32>
      %add3A_641 = arith.addi %min3A_638, %add3A_640 : vector<16xi32>
      %swap3A_642 = arith.constant 0 : i32
      %swap3A_643 = arith.constant 2 : i32
      %swap3A_644 = arith.index_cast %swap3A_642 : i32 to index
      %swap3A_645 = arith.index_cast %swap3A_643 : i32 to index
      %swap3A_646 = arith.constant 64 : index
      %swap3A_647 = tpu.vector_load %arg5[%swap3A_644, %swap3A_645, %swap3A_646] {strides = array<i32>} : memref<2x4x128xi32, #tpu.memory_space<vmem>>, vector<1x1x16xi32>,
      %swap3A_648 = vector.shape_cast %swap3A_647 : vector<1x1x16xi32> to vector<16xi32>
      %swap3A_649 = vector.shape_cast %add3A_641 : vector<16xi32> to vector<1x1x16xi32>
      tpu.vector_store %arg5[%swap3A_644, %swap3A_645, %swap3A_646], %swap3A_649 {strides = array<i32>} : memref<2x4x128xi32, #tpu.memory_space<vmem>>, vector<1x1x16xi32>,
      %get3A_650 = arith.constant 0 : i32
      %get3A_651 = arith.constant 2 : i32
      %get3A_652 = arith.index_cast %get3A_650 : i32 to index
      %get3A_653 = arith.index_cast %get3A_651 : i32 to index
      %get3A_654 = arith.constant 80 : index
      %get3A_655 = tpu.vector_load %arg5[%get3A_652, %get3A_653, %get3A_654] {strides = array<i32>} : memref<2x4x128xi32, #tpu.memory_space<vmem>>, vector<1x1x16xi32>,
      %get3A_656 = vector.shape_cast %get3A_655 : vector<1x1x16xi32> to vector<16xi32>
      %max3A_657 = arith.constant -8000 : i32
      %max3A_658 = vector.broadcast %max3A_657 : i32 to vector<16xi32>
      %max3A_659 = arith.maxsi %get3A_656, %max3A_658 : vector<16xi32>
      %min3A_660 = arith.constant 7999 : i32
      %min3A_661 = vector.broadcast %min3A_660 : i32 to vector<16xi32>
      %min3A_662 = arith.minsi %max3A_659, %min3A_661 : vector<16xi32>
      %add3A_663 = arith.constant 8000 : i32
      %add3A_664 = vector.broadcast %add3A_663 : i32 to vector<16xi32>
      %add3A_665 = arith.addi %min3A_662, %add3A_664 : vector<16xi32>
      %swap3A_666 = arith.constant 0 : i32
      %swap3A_667 = arith.constant 2 : i32
      %swap3A_668 = arith.index_cast %swap3A_666 : i32 to index
      %swap3A_669 = arith.index_cast %swap3A_667 : i32 to index
      %swap3A_670 = arith.constant 80 : index
      %swap3A_671 = tpu.vector_load %arg5[%swap3A_668, %swap3A_669, %swap3A_670] {strides = array<i32>} : memref<2x4x128xi32, #tpu.memory_space<vmem>>, vector<1x1x16xi32>,
      %swap3A_672 = vector.shape_cast %swap3A_671 : vector<1x1x16xi32> to vector<16xi32>
      %swap3A_673 = vector.shape_cast %add3A_665 : vector<16xi32> to vector<1x1x16xi32>
      tpu.vector_store %arg5[%swap3A_668, %swap3A_669, %swap3A_670], %swap3A_673 {strides = array<i32>} : memref<2x4x128xi32, #tpu.memory_space<vmem>>, vector<1x1x16xi32>,
      %get3A_674 = arith.constant 0 : i32
      %get3A_675 = arith.constant 2 : i32
      %get3A_676 = arith.index_cast %get3A_674 : i32 to index
      %get3A_677 = arith.index_cast %get3A_675 : i32 to index
      %get3A_678 = arith.constant 96 : index
      %get3A_679 = tpu.vector_load %arg5[%get3A_676, %get3A_677, %get3A_678] {strides = array<i32>} : memref<2x4x128xi32, #tpu.memory_space<vmem>>, vector<1x1x16xi32>,
      %get3A_680 = vector.shape_cast %get3A_679 : vector<1x1x16xi32> to vector<16xi32>
      %max3A_681 = arith.constant -8000 : i32
      %max3A_682 = vector.broadcast %max3A_681 : i32 to vector<16xi32>
      %max3A_683 = arith.maxsi %get3A_680, %max3A_682 : vector<16xi32>
      %min3A_684 = arith.constant 7999 : i32
      %min3A_685 = vector.broadcast %min3A_684 : i32 to vector<16xi32>
      %min3A_686 = arith.minsi %max3A_683, %min3A_685 : vector<16xi32>
      %add3A_687 = arith.constant 8000 : i32
      %add3A_688 = vector.broadcast %add3A_687 : i32 to vector<16xi32>
      %add3A_689 = arith.addi %min3A_686, %add3A_688 : vector<16xi32>
      %swap3A_690 = arith.constant 0 : i32
      %swap3A_691 = arith.constant 2 : i32
      %swap3A_692 = arith.index_cast %swap3A_690 : i32 to index
      %swap3A_693 = arith.index_cast %swap3A_691 : i32 to index
      %swap3A_694 = arith.constant 96 : index
      %swap3A_695 = tpu.vector_load %arg5[%swap3A_692, %swap3A_693, %swap3A_694] {strides = array<i32>} : memref<2x4x128xi32, #tpu.memory_space<vmem>>, vector<1x1x16xi32>,
      %swap3A_696 = vector.shape_cast %swap3A_695 : vector<1x1x16xi32> to vector<16xi32>
      %swap3A_697 = vector.shape_cast %add3A_689 : vector<16xi32> to vector<1x1x16xi32>
      tpu.vector_store %arg5[%swap3A_692, %swap3A_693, %swap3A_694], %swap3A_697 {strides = array<i32>} : memref<2x4x128xi32, #tpu.memory_space<vmem>>, vector<1x1x16xi32>,
      %get3A_698 = arith.constant 0 : i32
      %get3A_699 = arith.constant 2 : i32
      %get3A_700 = arith.index_cast %get3A_698 : i32 to index
      %get3A_701 = arith.index_cast %get3A_699 : i32 to index
      %get3A_702 = arith.constant 112 : index
      %get3A_703 = tpu.vector_load %arg5[%get3A_700, %get3A_701, %get3A_702] {strides = array<i32>} : memref<2x4x128xi32, #tpu.memory_space<vmem>>, vector<1x1x16xi32>,
      %get3A_704 = vector.shape_cast %get3A_703 : vector<1x1x16xi32> to vector<16xi32>
      %max3A_705 = arith.constant -8000 : i32
      %max3A_706 = vector.broadcast %max3A_705 : i32 to vector<16xi32>
      %max3A_707 = arith.maxsi %get3A_704, %max3A_706 : vector<16xi32>
      %min3A_708 = arith.constant 7999 : i32
      %min3A_709 = vector.broadcast %min3A_708 : i32 to vector<16xi32>
      %min3A_710 = arith.minsi %max3A_707, %min3A_709 : vector<16xi32>
      %add3A_711 = arith.constant 8000 : i32
      %add3A_712 = vector.broadcast %add3A_711 : i32 to vector<16xi32>
      %add3A_713 = arith.addi %min3A_710, %add3A_712 : vector<16xi32>
      %swap3A_714 = arith.constant 0 : i32
      %swap3A_715 = arith.constant 2 : i32
      %swap3A_716 = arith.index_cast %swap3A_714 : i32 to index
      %swap3A_717 = arith.index_cast %swap3A_715 : i32 to index
      %swap3A_718 = arith.constant 112 : index
      %swap3A_719 = tpu.vector_load %arg5[%swap3A_716, %swap3A_717, %swap3A_718] {strides = array<i32>} : memref<2x4x128xi32, #tpu.memory_space<vmem>>, vector<1x1x16xi32>,
      %swap3A_720 = vector.shape_cast %swap3A_719 : vector<1x1x16xi32> to vector<16xi32>
      %swap3A_721 = vector.shape_cast %add3A_713 : vector<16xi32> to vector<1x1x16xi32>
      tpu.vector_store %arg5[%swap3A_716, %swap3A_717, %swap3A_718], %swap3A_721 {strides = array<i32>} : memref<2x4x128xi32, #tpu.memory_space<vmem>>, vector<1x1x16xi32>,
      %get3A_722 = arith.constant 0 : i32
      %get3A_723 = arith.constant 3 : i32
      %get3A_724 = arith.index_cast %get3A_722 : i32 to index
      %get3A_725 = arith.index_cast %get3A_723 : i32 to index
      %get3A_726 = arith.constant 0 : index
      %get3A_727 = tpu.vector_load %arg5[%get3A_724, %get3A_725, %get3A_726] {strides = array<i32>} : memref<2x4x128xi32, #tpu.memory_space<vmem>>, vector<1x1x16xi32>,
      %get3A_728 = vector.shape_cast %get3A_727 : vector<1x1x16xi32> to vector<16xi32>
      %max3A_729 = arith.constant -8000 : i32
      %max3A_730 = vector.broadcast %max3A_729 : i32 to vector<16xi32>
      %max3A_731 = arith.maxsi %get3A_728, %max3A_730 : vector<16xi32>
      %min3A_732 = arith.constant 7999 : i32
      %min3A_733 = vector.broadcast %min3A_732 : i32 to vector<16xi32>
      %min3A_734 = arith.minsi %max3A_731, %min3A_733 : vector<16xi32>
      %add3A_735 = arith.constant 8000 : i32
      %add3A_736 = vector.broadcast %add3A_735 : i32 to vector<16xi32>
      %add3A_737 = arith.addi %min3A_734, %add3A_736 : vector<16xi32>
      %swap3A_738 = arith.constant 0 : i32
      %swap3A_739 = arith.constant 3 : i32
      %swap3A_740 = arith.index_cast %swap3A_738 : i32 to index
      %swap3A_741 = arith.index_cast %swap3A_739 : i32 to index
      %swap3A_742 = arith.constant 0 : index
      %swap3A_743 = tpu.vector_load %arg5[%swap3A_740, %swap3A_741, %swap3A_742] {strides = array<i32>} : memref<2x4x128xi32, #tpu.memory_space<vmem>>, vector<1x1x16xi32>,
      %swap3A_744 = vector.shape_cast %swap3A_743 : vector<1x1x16xi32> to vector<16xi32>
      %swap3A_745 = vector.shape_cast %add3A_737 : vector<16xi32> to vector<1x1x16xi32>
      tpu.vector_store %arg5[%swap3A_740, %swap3A_741, %swap3A_742], %swap3A_745 {strides = array<i32>} : memref<2x4x128xi32, #tpu.memory_space<vmem>>, vector<1x1x16xi32>,
      %get3A_746 = arith.constant 0 : i32
      %get3A_747 = arith.constant 3 : i32
      %get3A_748 = arith.index_cast %get3A_746 : i32 to index
      %get3A_749 = arith.index_cast %get3A_747 : i32 to index
      %get3A_750 = arith.constant 16 : index
      %get3A_751 = tpu.vector_load %arg5[%get3A_748, %get3A_749, %get3A_750] {strides = array<i32>} : memref<2x4x128xi32, #tpu.memory_space<vmem>>, vector<1x1x16xi32>,
      %get3A_752 = vector.shape_cast %get3A_751 : vector<1x1x16xi32> to vector<16xi32>
      %max3A_753 = arith.constant -8000 : i32
      %max3A_754 = vector.broadcast %max3A_753 : i32 to vector<16xi32>
      %max3A_755 = arith.maxsi %get3A_752, %max3A_754 : vector<16xi32>
      %min3A_756 = arith.constant 7999 : i32
      %min3A_757 = vector.broadcast %min3A_756 : i32 to vector<16xi32>
      %min3A_758 = arith.minsi %max3A_755, %min3A_757 : vector<16xi32>
      %add3A_759 = arith.constant 8000 : i32
      %add3A_760 = vector.broadcast %add3A_759 : i32 to vector<16xi32>
      %add3A_761 = arith.addi %min3A_758, %add3A_760 : vector<16xi32>
      %swap3A_762 = arith.constant 0 : i32
      %swap3A_763 = arith.constant 3 : i32
      %swap3A_764 = arith.index_cast %swap3A_762 : i32 to index
      %swap3A_765 = arith.index_cast %swap3A_763 : i32 to index
      %swap3A_766 = arith.constant 16 : index
      %swap3A_767 = tpu.vector_load %arg5[%swap3A_764, %swap3A_765, %swap3A_766] {strides = array<i32>} : memref<2x4x128xi32, #tpu.memory_space<vmem>>, vector<1x1x16xi32>,
      %swap3A_768 = vector.shape_cast %swap3A_767 : vector<1x1x16xi32> to vector<16xi32>
      %swap3A_769 = vector.shape_cast %add3A_761 : vector<16xi32> to vector<1x1x16xi32>
      tpu.vector_store %arg5[%swap3A_764, %swap3A_765, %swap3A_766], %swap3A_769 {strides = array<i32>} : memref<2x4x128xi32, #tpu.memory_space<vmem>>, vector<1x1x16xi32>,
      %get3A_770 = arith.constant 0 : i32
      %get3A_771 = arith.constant 3 : i32
      %get3A_772 = arith.index_cast %get3A_770 : i32 to index
      %get3A_773 = arith.index_cast %get3A_771 : i32 to index
      %get3A_774 = arith.constant 32 : index
      %get3A_775 = tpu.vector_load %arg5[%get3A_772, %get3A_773, %get3A_774] {strides = array<i32>} : memref<2x4x128xi32, #tpu.memory_space<vmem>>, vector<1x1x16xi32>,
      %get3A_776 = vector.shape_cast %get3A_775 : vector<1x1x16xi32> to vector<16xi32>
      %max3A_777 = arith.constant -8000 : i32
      %max3A_778 = vector.broadcast %max3A_777 : i32 to vector<16xi32>
      %max3A_779 = arith.maxsi %get3A_776, %max3A_778 : vector<16xi32>
      %min3A_780 = arith.constant 7999 : i32
      %min3A_781 = vector.broadcast %min3A_780 : i32 to vector<16xi32>
      %min3A_782 = arith.minsi %max3A_779, %min3A_781 : vector<16xi32>
      %add3A_783 = arith.constant 8000 : i32
      %add3A_784 = vector.broadcast %add3A_783 : i32 to vector<16xi32>
      %add3A_785 = arith.addi %min3A_782, %add3A_784 : vector<16xi32>
      %swap3A_786 = arith.constant 0 : i32
      %swap3A_787 = arith.constant 3 : i32
      %swap3A_788 = arith.index_cast %swap3A_786 : i32 to index
      %swap3A_789 = arith.index_cast %swap3A_787 : i32 to index
      %swap3A_790 = arith.constant 32 : index
      %swap3A_791 = tpu.vector_load %arg5[%swap3A_788, %swap3A_789, %swap3A_790] {strides = array<i32>} : memref<2x4x128xi32, #tpu.memory_space<vmem>>, vector<1x1x16xi32>,
      %swap3A_792 = vector.shape_cast %swap3A_791 : vector<1x1x16xi32> to vector<16xi32>
      %swap3A_793 = vector.shape_cast %add3A_785 : vector<16xi32> to vector<1x1x16xi32>
      tpu.vector_store %arg5[%swap3A_788, %swap3A_789, %swap3A_790], %swap3A_793 {strides = array<i32>} : memref<2x4x128xi32, #tpu.memory_space<vmem>>, vector<1x1x16xi32>,
      %get3A_794 = arith.constant 0 : i32
      %get3A_795 = arith.constant 3 : i32
      %get3A_796 = arith.index_cast %get3A_794 : i32 to index
      %get3A_797 = arith.index_cast %get3A_795 : i32 to index
      %get3A_798 = arith.constant 48 : index
      %get3A_799 = tpu.vector_load %arg5[%get3A_796, %get3A_797, %get3A_798] {strides = array<i32>} : memref<2x4x128xi32, #tpu.memory_space<vmem>>, vector<1x1x16xi32>,
      %get3A_800 = vector.shape_cast %get3A_799 : vector<1x1x16xi32> to vector<16xi32>
      %max3A_801 = arith.constant -8000 : i32
      %max3A_802 = vector.broadcast %max3A_801 : i32 to vector<16xi32>
      %max3A_803 = arith.maxsi %get3A_800, %max3A_802 : vector<16xi32>
      %min3A_804 = arith.constant 7999 : i32
      %min3A_805 = vector.broadcast %min3A_804 : i32 to vector<16xi32>
      %min3A_806 = arith.minsi %max3A_803, %min3A_805 : vector<16xi32>
      %add3A_807 = arith.constant 8000 : i32
      %add3A_808 = vector.broadcast %add3A_807 : i32 to vector<16xi32>
      %add3A_809 = arith.addi %min3A_806, %add3A_808 : vector<16xi32>
      %swap3A_810 = arith.constant 0 : i32
      %swap3A_811 = arith.constant 3 : i32
      %swap3A_812 = arith.index_cast %swap3A_810 : i32 to index
      %swap3A_813 = arith.index_cast %swap3A_811 : i32 to index
      %swap3A_814 = arith.constant 48 : index
      %swap3A_815 = tpu.vector_load %arg5[%swap3A_812, %swap3A_813, %swap3A_814] {strides = array<i32>} : memref<2x4x128xi32, #tpu.memory_space<vmem>>, vector<1x1x16xi32>,
      %swap3A_816 = vector.shape_cast %swap3A_815 : vector<1x1x16xi32> to vector<16xi32>
      %swap3A_817 = vector.shape_cast %add3A_809 : vector<16xi32> to vector<1x1x16xi32>
      tpu.vector_store %arg5[%swap3A_812, %swap3A_813, %swap3A_814], %swap3A_817 {strides = array<i32>} : memref<2x4x128xi32, #tpu.memory_space<vmem>>, vector<1x1x16xi32>,
      %get3A_818 = arith.constant 0 : i32
      %get3A_819 = arith.constant 3 : i32
      %get3A_820 = arith.index_cast %get3A_818 : i32 to index
      %get3A_821 = arith.index_cast %get3A_819 : i32 to index
      %get3A_822 = arith.constant 64 : index
      %get3A_823 = tpu.vector_load %arg5[%get3A_820, %get3A_821, %get3A_822] {strides = array<i32>} : memref<2x4x128xi32, #tpu.memory_space<vmem>>, vector<1x1x16xi32>,
      %get3A_824 = vector.shape_cast %get3A_823 : vector<1x1x16xi32> to vector<16xi32>
      %max3A_825 = arith.constant -8000 : i32
      %max3A_826 = vector.broadcast %max3A_825 : i32 to vector<16xi32>
      %max3A_827 = arith.maxsi %get3A_824, %max3A_826 : vector<16xi32>
      %min3A_828 = arith.constant 7999 : i32
      %min3A_829 = vector.broadcast %min3A_828 : i32 to vector<16xi32>
      %min3A_830 = arith.minsi %max3A_827, %min3A_829 : vector<16xi32>
      %add3A_831 = arith.constant 8000 : i32
      %add3A_832 = vector.broadcast %add3A_831 : i32 to vector<16xi32>
      %add3A_833 = arith.addi %min3A_830, %add3A_832 : vector<16xi32>
      %swap3A_834 = arith.constant 0 : i32
      %swap3A_835 = arith.constant 3 : i32
      %swap3A_836 = arith.index_cast %swap3A_834 : i32 to index
      %swap3A_837 = arith.index_cast %swap3A_835 : i32 to index
      %swap3A_838 = arith.constant 64 : index
      %swap3A_839 = tpu.vector_load %arg5[%swap3A_836, %swap3A_837, %swap3A_838] {strides = array<i32>} : memref<2x4x128xi32, #tpu.memory_space<vmem>>, vector<1x1x16xi32>,
      %swap3A_840 = vector.shape_cast %swap3A_839 : vector<1x1x16xi32> to vector<16xi32>
      %swap3A_841 = vector.shape_cast %add3A_833 : vector<16xi32> to vector<1x1x16xi32>
      tpu.vector_store %arg5[%swap3A_836, %swap3A_837, %swap3A_838], %swap3A_841 {strides = array<i32>} : memref<2x4x128xi32, #tpu.memory_space<vmem>>, vector<1x1x16xi32>,
      %get3A_842 = arith.constant 0 : i32
      %get3A_843 = arith.constant 3 : i32
      %get3A_844 = arith.index_cast %get3A_842 : i32 to index
      %get3A_845 = arith.index_cast %get3A_843 : i32 to index
      %get3A_846 = arith.constant 80 : index
      %get3A_847 = tpu.vector_load %arg5[%get3A_844, %get3A_845, %get3A_846] {strides = array<i32>} : memref<2x4x128xi32, #tpu.memory_space<vmem>>, vector<1x1x16xi32>,
      %get3A_848 = vector.shape_cast %get3A_847 : vector<1x1x16xi32> to vector<16xi32>
      %max3A_849 = arith.constant -8000 : i32
      %max3A_850 = vector.broadcast %max3A_849 : i32 to vector<16xi32>
      %max3A_851 = arith.maxsi %get3A_848, %max3A_850 : vector<16xi32>
      %min3A_852 = arith.constant 7999 : i32
      %min3A_853 = vector.broadcast %min3A_852 : i32 to vector<16xi32>
      %min3A_854 = arith.minsi %max3A_851, %min3A_853 : vector<16xi32>
      %add3A_855 = arith.constant 8000 : i32
      %add3A_856 = vector.broadcast %add3A_855 : i32 to vector<16xi32>
      %add3A_857 = arith.addi %min3A_854, %add3A_856 : vector<16xi32>
      %swap3A_858 = arith.constant 0 : i32
      %swap3A_859 = arith.constant 3 : i32
      %swap3A_860 = arith.index_cast %swap3A_858 : i32 to index
      %swap3A_861 = arith.index_cast %swap3A_859 : i32 to index
      %swap3A_862 = arith.constant 80 : index
      %swap3A_863 = tpu.vector_load %arg5[%swap3A_860, %swap3A_861, %swap3A_862] {strides = array<i32>} : memref<2x4x128xi32, #tpu.memory_space<vmem>>, vector<1x1x16xi32>,
      %swap3A_864 = vector.shape_cast %swap3A_863 : vector<1x1x16xi32> to vector<16xi32>
      %swap3A_865 = vector.shape_cast %add3A_857 : vector<16xi32> to vector<1x1x16xi32>
      tpu.vector_store %arg5[%swap3A_860, %swap3A_861, %swap3A_862], %swap3A_865 {strides = array<i32>} : memref<2x4x128xi32, #tpu.memory_space<vmem>>, vector<1x1x16xi32>,
      %get3A_866 = arith.constant 0 : i32
      %get3A_867 = arith.constant 3 : i32
      %get3A_868 = arith.index_cast %get3A_866 : i32 to index
      %get3A_869 = arith.index_cast %get3A_867 : i32 to index
      %get3A_870 = arith.constant 96 : index
      %get3A_871 = tpu.vector_load %arg5[%get3A_868, %get3A_869, %get3A_870] {strides = array<i32>} : memref<2x4x128xi32, #tpu.memory_space<vmem>>, vector<1x1x16xi32>,
      %get3A_872 = vector.shape_cast %get3A_871 : vector<1x1x16xi32> to vector<16xi32>
      %max3A_873 = arith.constant -8000 : i32
      %max3A_874 = vector.broadcast %max3A_873 : i32 to vector<16xi32>
      %max3A_875 = arith.maxsi %get3A_872, %max3A_874 : vector<16xi32>
      %min3A_876 = arith.constant 7999 : i32
      %min3A_877 = vector.broadcast %min3A_876 : i32 to vector<16xi32>
      %min3A_878 = arith.minsi %max3A_875, %min3A_877 : vector<16xi32>
      %add3A_879 = arith.constant 8000 : i32
      %add3A_880 = vector.broadcast %add3A_879 : i32 to vector<16xi32>
      %add3A_881 = arith.addi %min3A_878, %add3A_880 : vector<16xi32>
      %swap3A_882 = arith.constant 0 : i32
      %swap3A_883 = arith.constant 3 : i32
      %swap3A_884 = arith.index_cast %swap3A_882 : i32 to index
      %swap3A_885 = arith.index_cast %swap3A_883 : i32 to index
      %swap3A_886 = arith.constant 96 : index
      %swap3A_887 = tpu.vector_load %arg5[%swap3A_884, %swap3A_885, %swap3A_886] {strides = array<i32>} : memref<2x4x128xi32, #tpu.memory_space<vmem>>, vector<1x1x16xi32>,
      %swap3A_888 = vector.shape_cast %swap3A_887 : vector<1x1x16xi32> to vector<16xi32>
      %swap3A_889 = vector.shape_cast %add3A_881 : vector<16xi32> to vector<1x1x16xi32>
      tpu.vector_store %arg5[%swap3A_884, %swap3A_885, %swap3A_886], %swap3A_889 {strides = array<i32>} : memref<2x4x128xi32, #tpu.memory_space<vmem>>, vector<1x1x16xi32>,
      %get3A_890 = arith.constant 0 : i32
      %get3A_891 = arith.constant 3 : i32
      %get3A_892 = arith.index_cast %get3A_890 : i32 to index
      %get3A_893 = arith.index_cast %get3A_891 : i32 to index
      %get3A_894 = arith.constant 112 : index
      %get3A_895 = tpu.vector_load %arg5[%get3A_892, %get3A_893, %get3A_894] {strides = array<i32>} : memref<2x4x128xi32, #tpu.memory_space<vmem>>, vector<1x1x16xi32>,
      %get3A_896 = vector.shape_cast %get3A_895 : vector<1x1x16xi32> to vector<16xi32>
      %max3A_897 = arith.constant -8000 : i32
      %max3A_898 = vector.broadcast %max3A_897 : i32 to vector<16xi32>
      %max3A_899 = arith.maxsi %get3A_896, %max3A_898 : vector<16xi32>
      %min3A_900 = arith.constant 7999 : i32
      %min3A_901 = vector.broadcast %min3A_900 : i32 to vector<16xi32>
      %min3A_902 = arith.minsi %max3A_899, %min3A_901 : vector<16xi32>
      %add3A_903 = arith.constant 8000 : i32
      %add3A_904 = vector.broadcast %add3A_903 : i32 to vector<16xi32>
      %add3A_905 = arith.addi %min3A_902, %add3A_904 : vector<16xi32>
      %swap3A_906 = arith.constant 0 : i32
      %swap3A_907 = arith.constant 3 : i32
      %swap3A_908 = arith.index_cast %swap3A_906 : i32 to index
      %swap3A_909 = arith.index_cast %swap3A_907 : i32 to index
      %swap3A_910 = arith.constant 112 : index
      %swap3A_911 = tpu.vector_load %arg5[%swap3A_908, %swap3A_909, %swap3A_910] {strides = array<i32>} : memref<2x4x128xi32, #tpu.memory_space<vmem>>, vector<1x1x16xi32>,
      %swap3A_912 = vector.shape_cast %swap3A_911 : vector<1x1x16xi32> to vector<16xi32>
      %swap3A_913 = vector.shape_cast %add3A_905 : vector<16xi32> to vector<1x1x16xi32>
      tpu.vector_store %arg5[%swap3A_908, %swap3A_909, %swap3A_910], %swap3A_913 {strides = array<i32>} : memref<2x4x128xi32, #tpu.memory_space<vmem>>, vector<1x1x16xi32>,
      %mul3A_914 = arith.constant 2 : i32
      %mul3A_915 = arith.muli %mul3A_129, %mul3A_914 : i32
      %add3A_916 = arith.constant 0 : i32
      %add3A_917 = arith.addi %mul3A_915, %add3A_916 : i32
      %gt3A = arith.constant 0 : i32
      %gt3A_918 = arith.cmpi sgt, %mul3A_129, %gt3A : i32
      %convert_element_type3A_919 = arith.extui %gt3A_918 : i1 to i32
      %cond3A_920 = arith.constant 0 : i32
      %cond3A_921 = arith.cmpi ne, %convert_element_type3A_919, %cond3A_920 : i32
      scf.if %cond3A_921 {
        %mul3A_2199 = arith.constant 256 : i32
        %mul3A_2200 = arith.muli %add3A_917, %mul3A_2199 : i32
        %add3A_2201 = arith.addi %mul3A_4, %mul3A_2200 : i32
        %jit3A_2202 = arith.constant 2048 : i32
        %div3A_2203 = arith.divsi %add3A_2201, %jit3A_2202 : i32
        %sign3A_2204 = arith.constant 0 : i32
        %sign3A_2205 = arith.cmpi sgt, %add3A_2201, %sign3A_2204 : i32
        %sign3A_2206 = arith.extui %sign3A_2205 : i1 to i32
        %sign3A_2207 = arith.constant 0 : i32
        %sign3A_2208 = arith.cmpi slt, %add3A_2201, %sign3A_2207 : i32
        %sign3A_2209 = arith.extui %sign3A_2208 : i1 to i32
        %sign3A_2210 = arith.subi %sign3A_2206, %sign3A_2209 : i32
        %sign3A_2211 = arith.constant 0 : i32
        %sign3A_2212 = arith.cmpi sgt, %jit3A_2202, %sign3A_2211 : i32
        %sign3A_2213 = arith.extui %sign3A_2212 : i1 to i32
        %sign3A_2214 = arith.constant 0 : i32
        %sign3A_2215 = arith.cmpi slt, %jit3A_2202, %sign3A_2214 : i32
        %sign3A_2216 = arith.extui %sign3A_2215 : i1 to i32
        %sign3A_2217 = arith.subi %sign3A_2213, %sign3A_2216 : i32
        %ne3A_2218 = arith.cmpi ne, %sign3A_2210, %sign3A_2217 : i32
        %rem3A_2219 = arith.remsi %add3A_2201, %jit3A_2202 : i32
        %ne3A_2220 = arith.constant 0 : i32
        %ne3A_2221 = arith.cmpi ne, %rem3A_2219, %ne3A_2220 : i32
        %and3A_2222 = arith.andi %ne3A_2218, %ne3A_2221 : i1
        %sub3A_2223 = arith.constant 1 : i32
        %sub3A_2224 = arith.subi %div3A_2203, %sub3A_2223 : i32
        %select_n3A_2225 = arith.select %and3A_2222, %sub3A_2224, %div3A_2203 : i32
        %jit3A_2226 = arith.constant 2048 : i32
        %eq3A_2227 = arith.constant 0 : i32
        %eq3A_2228 = arith.cmpi eq, %jit3A_2226, %eq3A_2227 : i32
        %jit3A_2229 = arith.constant 1 : i32
        %select_n3A_2230 = arith.select %eq3A_2228, %jit3A_2229, %jit3A_2226 : i32
        %rem3A_2231 = arith.remsi %add3A_2201, %select_n3A_2230 : i32
        %ne3A_2232 = arith.constant 0 : i32
        %ne3A_2233 = arith.cmpi ne, %rem3A_2231, %ne3A_2232 : i32
        %lt3A_2234 = arith.constant 0 : i32
        %lt3A_2235 = arith.cmpi slt, %rem3A_2231, %lt3A_2234 : i32
        %lt3A_2236 = arith.constant 0 : i32
        %lt3A_2237 = arith.cmpi slt, %select_n3A_2230, %lt3A_2236 : i32
        %ne3A_2238 = arith.xori %lt3A_2235, %lt3A_2237 : i1
        %and3A_2239 = arith.andi %ne3A_2238, %ne3A_2233 : i1
        %add3A_2240 = arith.addi %rem3A_2231, %select_n3A_2230 : i32
        %select_n3A_2241 = arith.select %and3A_2239, %add3A_2240, %rem3A_2231 : i32
        %dma_wait3A_2242 = arith.constant 0 : i32
        %dma_wait3A_2243 = arith.constant 0 : i32
        %dma_wait3A_2244 = arith.constant 0 : i32
        %dma_wait3A_2245 = tpu.memref_slice %arg6[%dma_wait3A_2242, %dma_wait3A_2243, %dma_wait3A_2244] : memref<2x256x128xf32, #tpu.memory_space<vmem>> -> memref<1x256x128xf32, #tpu.memory_space<vmem>>
        %dma_wait3A_2246 = tpu.memref_squeeze %dma_wait3A_2245 : memref<1x256x128xf32, #tpu.memory_space<vmem>> -> memref<256x128xf32, #tpu.memory_space<vmem>>
        %dma_wait3A_2247 = arith.constant 0 : i32
        %dma_wait3A_2248 = tpu.memref_slice %arg4[%select_n3A_2225, %select_n3A_2241, %dma_wait3A_2247] : memref<2048x2048x128xf32, #tpu.memory_space<hbm>> -> memref<1x256x128xf32, #tpu.memory_space<hbm>>
        %dma_wait3A_2249 = tpu.memref_squeeze %dma_wait3A_2248 : memref<1x256x128xf32, #tpu.memory_space<hbm>> -> memref<256x128xf32, #tpu.memory_space<hbm>>
        %dma_wait3A_2250 = arith.constant 0 : i32
        %dma_wait3A_2251 = tpu.memref_slice %arg4[%select_n3A_2225, %select_n3A_2241, %dma_wait3A_2250] : memref<2048x2048x128xf32, #tpu.memory_space<hbm>> -> memref<1x256x128xf32, #tpu.memory_space<hbm>>
        %dma_wait3A_2252 = tpu.memref_squeeze %dma_wait3A_2251 : memref<1x256x128xf32, #tpu.memory_space<hbm>> -> memref<256x128xf32, #tpu.memory_space<hbm>>
        %dma_wait3A_2253 = arith.constant 0 : i32
        %dma_wait3A_2254 = arith.constant 0 : i32
        %dma_wait3A_2255 = tpu.memref_slice %arg6[%dma_wait3A_2242, %dma_wait3A_2253, %dma_wait3A_2254] : memref<2x256x128xf32, #tpu.memory_space<vmem>> -> memref<1x256x128xf32, #tpu.memory_space<vmem>>
        %dma_wait3A_2256 = tpu.memref_squeeze %dma_wait3A_2255 : memref<1x256x128xf32, #tpu.memory_space<vmem>> -> memref<256x128xf32, #tpu.memory_space<vmem>>
        tpu.wait_dma2 semaphore(%arg11 : memref<!tpu.dma_semaphore, #tpu.memory_space<semaphore_mem>>) src(%dma_wait3A_2256 : memref<256x128xf32, #tpu.memory_space<vmem>>) dst(%dma_wait3A_2252 : memref<256x128xf32, #tpu.memory_space<hbm>>)
      } else {
      }
      %dma_start3A_922 = arith.constant 0 : i32
      %dma_start3A_923 = arith.constant 0 : i32
      %dma_start3A_924 = arith.constant 0 : i32
      %dma_start3A_925 = arith.constant 0 : i32
      %dma_start3A_926 = arith.constant 0 : i32
      %dma_start3A_927 = tpu.memref_slice %arg6[%dma_start3A_924, %dma_start3A_925, %dma_start3A_926] : memref<2x256x128xf32, #tpu.memory_space<vmem>> -> memref<1x128x128xf32, #tpu.memory_space<vmem>>
      %dma_start3A_928 = tpu.memref_squeeze %dma_start3A_927 : memref<1x128x128xf32, #tpu.memory_space<vmem>> -> memref<128x128xf32, #tpu.memory_space<vmem>>
      %dma_start3A_929 = arith.constant 0 : i32
      %dma_start3A_930 = tpu.memref_slice %arg5[%dma_start3A_922, %dma_start3A_923, %dma_start3A_929] : memref<2x4x128xi32, #tpu.memory_space<vmem>> -> memref<1x1x128xi32, #tpu.memory_space<vmem>>
      %dma_start3A_931 = tpu.memref_squeeze %dma_start3A_930 : memref<1x1x128xi32, #tpu.memory_space<vmem>> -> memref<128xi32, #tpu.memory_space<vmem>>
      %dma_start3A_932 = arith.constant 0 : i32
      %dma_start3A_933 = arith.constant 0 : i32
      %dma_start3A_934 = tpu.memref_slice %arg3[%dma_start3A_932, %dma_start3A_933] : memref<16000x128xf32, #tpu.memory_space<hbm>> -> memref<16000x128xf32, #tpu.memory_space<hbm>>
      tpu.enqueue_indirect_dma source(%dma_start3A_934 : memref<16000x128xf32, #tpu.memory_space<hbm>>) target(%dma_start3A_928 : memref<128x128xf32, #tpu.memory_space<vmem>>) offsets(%dma_start3A_931 : memref<128xi32, #tpu.memory_space<vmem>>) semaphore(%arg9 : memref<!tpu.dma_semaphore, #tpu.memory_space<semaphore_mem>>)
      %dma_start3A_935 = arith.constant 0 : i32
      %dma_start3A_936 = arith.constant 1 : i32
      %dma_start3A_937 = arith.constant 0 : i32
      %dma_start3A_938 = arith.constant 128 : i32
      %dma_start3A_939 = arith.constant 0 : i32
      %dma_start3A_940 = tpu.memref_slice %arg6[%dma_start3A_937, %dma_start3A_938, %dma_start3A_939] : memref<2x256x128xf32, #tpu.memory_space<vmem>> -> memref<1x128x128xf32, #tpu.memory_space<vmem>>
      %dma_start3A_941 = tpu.memref_squeeze %dma_start3A_940 : memref<1x128x128xf32, #tpu.memory_space<vmem>> -> memref<128x128xf32, #tpu.memory_space<vmem>>
      %dma_start3A_942 = arith.constant 0 : i32
      %dma_start3A_943 = tpu.memref_slice %arg5[%dma_start3A_935, %dma_start3A_936, %dma_start3A_942] : memref<2x4x128xi32, #tpu.memory_space<vmem>> -> memref<1x1x128xi32, #tpu.memory_space<vmem>>
      %dma_start3A_944 = tpu.memref_squeeze %dma_start3A_943 : memref<1x1x128xi32, #tpu.memory_space<vmem>> -> memref<128xi32, #tpu.memory_space<vmem>>
      %dma_start3A_945 = arith.constant 0 : i32
      %dma_start3A_946 = arith.constant 0 : i32
      %dma_start3A_947 = tpu.memref_slice %arg3[%dma_start3A_945, %dma_start3A_946] : memref<16000x128xf32, #tpu.memory_space<hbm>> -> memref<16000x128xf32, #tpu.memory_space<hbm>>
      tpu.enqueue_indirect_dma source(%dma_start3A_947 : memref<16000x128xf32, #tpu.memory_space<hbm>>) target(%dma_start3A_941 : memref<128x128xf32, #tpu.memory_space<vmem>>) offsets(%dma_start3A_944 : memref<128xi32, #tpu.memory_space<vmem>>) semaphore(%arg9 : memref<!tpu.dma_semaphore, #tpu.memory_space<semaphore_mem>>)
      %mul3A_948 = arith.constant 2 : i32
      %mul3A_949 = arith.muli %mul3A_129, %mul3A_948 : i32
      %add3A_950 = arith.constant 1 : i32
      %add3A_951 = arith.addi %mul3A_949, %add3A_950 : i32
      %gt3A_952 = arith.constant 0 : i32
      %gt3A_953 = arith.cmpi sgt, %mul3A_129, %gt3A_952 : i32
      %convert_element_type3A_954 = arith.extui %gt3A_953 : i1 to i32
      %cond3A_955 = arith.constant 0 : i32
      %cond3A_956 = arith.cmpi ne, %convert_element_type3A_954, %cond3A_955 : i32
      scf.if %cond3A_956 {
        %mul3A_2199 = arith.constant 256 : i32
        %mul3A_2200 = arith.muli %add3A_951, %mul3A_2199 : i32
        %add3A_2201 = arith.addi %mul3A_4, %mul3A_2200 : i32
        %jit3A_2202 = arith.constant 2048 : i32
        %div3A_2203 = arith.divsi %add3A_2201, %jit3A_2202 : i32
        %sign3A_2204 = arith.constant 0 : i32
        %sign3A_2205 = arith.cmpi sgt, %add3A_2201, %sign3A_2204 : i32
        %sign3A_2206 = arith.extui %sign3A_2205 : i1 to i32
        %sign3A_2207 = arith.constant 0 : i32
        %sign3A_2208 = arith.cmpi slt, %add3A_2201, %sign3A_2207 : i32
        %sign3A_2209 = arith.extui %sign3A_2208 : i1 to i32
        %sign3A_2210 = arith.subi %sign3A_2206, %sign3A_2209 : i32
        %sign3A_2211 = arith.constant 0 : i32
        %sign3A_2212 = arith.cmpi sgt, %jit3A_2202, %sign3A_2211 : i32
        %sign3A_2213 = arith.extui %sign3A_2212 : i1 to i32
        %sign3A_2214 = arith.constant 0 : i32
        %sign3A_2215 = arith.cmpi slt, %jit3A_2202, %sign3A_2214 : i32
        %sign3A_2216 = arith.extui %sign3A_2215 : i1 to i32
        %sign3A_2217 = arith.subi %sign3A_2213, %sign3A_2216 : i32
        %ne3A_2218 = arith.cmpi ne, %sign3A_2210, %sign3A_2217 : i32
        %rem3A_2219 = arith.remsi %add3A_2201, %jit3A_2202 : i32
        %ne3A_2220 = arith.constant 0 : i32
        %ne3A_2221 = arith.cmpi ne, %rem3A_2219, %ne3A_2220 : i32
        %and3A_2222 = arith.andi %ne3A_2218, %ne3A_2221 : i1
        %sub3A_2223 = arith.constant 1 : i32
        %sub3A_2224 = arith.subi %div3A_2203, %sub3A_2223 : i32
        %select_n3A_2225 = arith.select %and3A_2222, %sub3A_2224, %div3A_2203 : i32
        %jit3A_2226 = arith.constant 2048 : i32
        %eq3A_2227 = arith.constant 0 : i32
        %eq3A_2228 = arith.cmpi eq, %jit3A_2226, %eq3A_2227 : i32
        %jit3A_2229 = arith.constant 1 : i32
        %select_n3A_2230 = arith.select %eq3A_2228, %jit3A_2229, %jit3A_2226 : i32
        %rem3A_2231 = arith.remsi %add3A_2201, %select_n3A_2230 : i32
        %ne3A_2232 = arith.constant 0 : i32
        %ne3A_2233 = arith.cmpi ne, %rem3A_2231, %ne3A_2232 : i32
        %lt3A_2234 = arith.constant 0 : i32
        %lt3A_2235 = arith.cmpi slt, %rem3A_2231, %lt3A_2234 : i32
        %lt3A_2236 = arith.constant 0 : i32
        %lt3A_2237 = arith.cmpi slt, %select_n3A_2230, %lt3A_2236 : i32
        %ne3A_2238 = arith.xori %lt3A_2235, %lt3A_2237 : i1
        %and3A_2239 = arith.andi %ne3A_2238, %ne3A_2233 : i1
        %add3A_2240 = arith.addi %rem3A_2231, %select_n3A_2230 : i32
        %select_n3A_2241 = arith.select %and3A_2239, %add3A_2240, %rem3A_2231 : i32
        %dma_wait3A_2242 = arith.constant 1 : i32
        %dma_wait3A_2243 = arith.constant 0 : i32
        %dma_wait3A_2244 = arith.constant 0 : i32
        %dma_wait3A_2245 = tpu.memref_slice %arg6[%dma_wait3A_2242, %dma_wait3A_2243, %dma_wait3A_2244] : memref<2x256x128xf32, #tpu.memory_space<vmem>> -> memref<1x256x128xf32, #tpu.memory_space<vmem>>
        %dma_wait3A_2246 = tpu.memref_squeeze %dma_wait3A_2245 : memref<1x256x128xf32, #tpu.memory_space<vmem>> -> memref<256x128xf32, #tpu.memory_space<vmem>>
        %dma_wait3A_2247 = arith.constant 0 : i32
        %dma_wait3A_2248 = tpu.memref_slice %arg4[%select_n3A_2225, %select_n3A_2241, %dma_wait3A_2247] : memref<2048x2048x128xf32, #tpu.memory_space<hbm>> -> memref<1x256x128xf32, #tpu.memory_space<hbm>>
        %dma_wait3A_2249 = tpu.memref_squeeze %dma_wait3A_2248 : memref<1x256x128xf32, #tpu.memory_space<hbm>> -> memref<256x128xf32, #tpu.memory_space<hbm>>
        %dma_wait3A_2250 = arith.constant 0 : i32
        %dma_wait3A_2251 = tpu.memref_slice %arg4[%select_n3A_2225, %select_n3A_2241, %dma_wait3A_2250] : memref<2048x2048x128xf32, #tpu.memory_space<hbm>> -> memref<1x256x128xf32, #tpu.memory_space<hbm>>
        %dma_wait3A_2252 = tpu.memref_squeeze %dma_wait3A_2251 : memref<1x256x128xf32, #tpu.memory_space<hbm>> -> memref<256x128xf32, #tpu.memory_space<hbm>>
        %dma_wait3A_2253 = arith.constant 0 : i32
        %dma_wait3A_2254 = arith.constant 0 : i32
        %dma_wait3A_2255 = tpu.memref_slice %arg6[%dma_wait3A_2242, %dma_wait3A_2253, %dma_wait3A_2254] : memref<2x256x128xf32, #tpu.memory_space<vmem>> -> memref<1x256x128xf32, #tpu.memory_space<vmem>>
        %dma_wait3A_2256 = tpu.memref_squeeze %dma_wait3A_2255 : memref<1x256x128xf32, #tpu.memory_space<vmem>> -> memref<256x128xf32, #tpu.memory_space<vmem>>
        tpu.wait_dma2 semaphore(%arg12 : memref<!tpu.dma_semaphore, #tpu.memory_space<semaphore_mem>>) src(%dma_wait3A_2256 : memref<256x128xf32, #tpu.memory_space<vmem>>) dst(%dma_wait3A_2252 : memref<256x128xf32, #tpu.memory_space<hbm>>)
      } else {
      }
      %dma_start3A_957 = arith.constant 0 : i32
      %dma_start3A_958 = arith.constant 2 : i32
      %dma_start3A_959 = arith.constant 1 : i32
      %dma_start3A_960 = arith.constant 0 : i32
      %dma_start3A_961 = arith.constant 0 : i32
      %dma_start3A_962 = tpu.memref_slice %arg6[%dma_start3A_959, %dma_start3A_960, %dma_start3A_961] : memref<2x256x128xf32, #tpu.memory_space<vmem>> -> memref<1x128x128xf32, #tpu.memory_space<vmem>>
      %dma_start3A_963 = tpu.memref_squeeze %dma_start3A_962 : memref<1x128x128xf32, #tpu.memory_space<vmem>> -> memref<128x128xf32, #tpu.memory_space<vmem>>
      %dma_start3A_964 = arith.constant 0 : i32
      %dma_start3A_965 = tpu.memref_slice %arg5[%dma_start3A_957, %dma_start3A_958, %dma_start3A_964] : memref<2x4x128xi32, #tpu.memory_space<vmem>> -> memref<1x1x128xi32, #tpu.memory_space<vmem>>
      %dma_start3A_966 = tpu.memref_squeeze %dma_start3A_965 : memref<1x1x128xi32, #tpu.memory_space<vmem>> -> memref<128xi32, #tpu.memory_space<vmem>>
      %dma_start3A_967 = arith.constant 0 : i32
      %dma_start3A_968 = arith.constant 0 : i32
      %dma_start3A_969 = tpu.memref_slice %arg3[%dma_start3A_967, %dma_start3A_968] : memref<16000x128xf32, #tpu.memory_space<hbm>> -> memref<16000x128xf32, #tpu.memory_space<hbm>>
      tpu.enqueue_indirect_dma source(%dma_start3A_969 : memref<16000x128xf32, #tpu.memory_space<hbm>>) target(%dma_start3A_963 : memref<128x128xf32, #tpu.memory_space<vmem>>) offsets(%dma_start3A_966 : memref<128xi32, #tpu.memory_space<vmem>>) semaphore(%arg10 : memref<!tpu.dma_semaphore, #tpu.memory_space<semaphore_mem>>)
      %dma_start3A_970 = arith.constant 0 : i32
      %dma_start3A_971 = arith.constant 3 : i32
      %dma_start3A_972 = arith.constant 1 : i32
      %dma_start3A_973 = arith.constant 128 : i32
      %dma_start3A_974 = arith.constant 0 : i32
      %dma_start3A_975 = tpu.memref_slice %arg6[%dma_start3A_972, %dma_start3A_973, %dma_start3A_974] : memref<2x256x128xf32, #tpu.memory_space<vmem>> -> memref<1x128x128xf32, #tpu.memory_space<vmem>>
      %dma_start3A_976 = tpu.memref_squeeze %dma_start3A_975 : memref<1x128x128xf32, #tpu.memory_space<vmem>> -> memref<128x128xf32, #tpu.memory_space<vmem>>
      %dma_start3A_977 = arith.constant 0 : i32
      %dma_start3A_978 = tpu.memref_slice %arg5[%dma_start3A_970, %dma_start3A_971, %dma_start3A_977] : memref<2x4x128xi32, #tpu.memory_space<vmem>> -> memref<1x1x128xi32, #tpu.memory_space<vmem>>
      %dma_start3A_979 = tpu.memref_squeeze %dma_start3A_978 : memref<1x1x128xi32, #tpu.memory_space<vmem>> -> memref<128xi32, #tpu.memory_space<vmem>>
      %dma_start3A_980 = arith.constant 0 : i32
      %dma_start3A_981 = arith.constant 0 : i32
      %dma_start3A_982 = tpu.memref_slice %arg3[%dma_start3A_980, %dma_start3A_981] : memref<16000x128xf32, #tpu.memory_space<hbm>> -> memref<16000x128xf32, #tpu.memory_space<hbm>>
      tpu.enqueue_indirect_dma source(%dma_start3A_982 : memref<16000x128xf32, #tpu.memory_space<hbm>>) target(%dma_start3A_976 : memref<128x128xf32, #tpu.memory_space<vmem>>) offsets(%dma_start3A_979 : memref<128xi32, #tpu.memory_space<vmem>>) semaphore(%arg10 : memref<!tpu.dma_semaphore, #tpu.memory_space<semaphore_mem>>)
      %mul3A_983 = arith.constant 2 : i32
      %mul3A_984 = arith.muli %mul3A_129, %mul3A_983 : i32
      %add3A_985 = arith.constant 0 : i32
      %add3A_986 = arith.addi %mul3A_984, %add3A_985 : i32
      %dma_wait3A_987 = arith.constant 0 : i32
      %dma_wait3A_988 = arith.constant 0 : i32
      %dma_wait3A_989 = arith.constant 0 : i32
      %dma_wait3A_990 = arith.constant 0 : i32
      %dma_wait3A_991 = arith.constant 0 : i32
      %dma_wait3A_992 = tpu.memref_slice %arg6[%dma_wait3A_989, %dma_wait3A_990, %dma_wait3A_991] : memref<2x256x128xf32, #tpu.memory_space<vmem>> -> memref<1x128x128xf32, #tpu.memory_space<vmem>>
      %dma_wait3A_993 = tpu.memref_squeeze %dma_wait3A_992 : memref<1x128x128xf32, #tpu.memory_space<vmem>> -> memref<128x128xf32, #tpu.memory_space<vmem>>
      %dma_wait3A_994 = arith.constant 0 : i32
      %dma_wait3A_995 = tpu.memref_slice %arg5[%dma_wait3A_987, %dma_wait3A_988, %dma_wait3A_994] : memref<2x4x128xi32, #tpu.memory_space<vmem>> -> memref<1x1x128xi32, #tpu.memory_space<vmem>>
      %dma_wait3A_996 = tpu.memref_squeeze %dma_wait3A_995 : memref<1x1x128xi32, #tpu.memory_space<vmem>> -> memref<128xi32, #tpu.memory_space<vmem>>
      %dma_wait3A_997 = arith.constant 0 : i32
      %dma_wait3A_998 = arith.constant 0 : i32
      %dma_wait3A_999 = tpu.memref_slice %arg3[%dma_wait3A_997, %dma_wait3A_998] : memref<16000x128xf32, #tpu.memory_space<hbm>> -> memref<16000x128xf32, #tpu.memory_space<hbm>>
      tpu.wait_indirect_dma semaphore(%arg9 : memref<!tpu.dma_semaphore, #tpu.memory_space<semaphore_mem>>) src(%dma_wait3A_999 : memref<16000x128xf32, #tpu.memory_space<hbm>>) dst(%dma_wait3A_993 : memref<128x128xf32, #tpu.memory_space<vmem>>)
      %dma_wait3A_1000 = arith.constant 0 : i32
      %dma_wait3A_1001 = arith.constant 1 : i32
      %dma_wait3A_1002 = arith.constant 0 : i32
      %dma_wait3A_1003 = arith.constant 128 : i32
      %dma_wait3A_1004 = arith.constant 0 : i32
      %dma_wait3A_1005 = tpu.memref_slice %arg6[%dma_wait3A_1002, %dma_wait3A_1003, %dma_wait3A_1004] : memref<2x256x128xf32, #tpu.memory_space<vmem>> -> memref<1x128x128xf32, #tpu.memory_space<vmem>>
      %dma_wait3A_1006 = tpu.memref_squeeze %dma_wait3A_1005 : memref<1x128x128xf32, #tpu.memory_space<vmem>> -> memref<128x128xf32, #tpu.memory_space<vmem>>
      %dma_wait3A_1007 = arith.constant 0 : i32
      %dma_wait3A_1008 = tpu.memref_slice %arg5[%dma_wait3A_1000, %dma_wait3A_1001, %dma_wait3A_1007] : memref<2x4x128xi32, #tpu.memory_space<vmem>> -> memref<1x1x128xi32, #tpu.memory_space<vmem>>
      %dma_wait3A_1009 = tpu.memref_squeeze %dma_wait3A_1008 : memref<1x1x128xi32, #tpu.memory_space<vmem>> -> memref<128xi32, #tpu.memory_space<vmem>>
      %dma_wait3A_1010 = arith.constant 0 : i32
      %dma_wait3A_1011 = arith.constant 0 : i32
      %dma_wait3A_1012 = tpu.memref_slice %arg3[%dma_wait3A_1010, %dma_wait3A_1011] : memref<16000x128xf32, #tpu.memory_space<hbm>> -> memref<16000x128xf32, #tpu.memory_space<hbm>>
      tpu.wait_indirect_dma semaphore(%arg9 : memref<!tpu.dma_semaphore, #tpu.memory_space<semaphore_mem>>) src(%dma_wait3A_1012 : memref<16000x128xf32, #tpu.memory_space<hbm>>) dst(%dma_wait3A_1006 : memref<128x128xf32, #tpu.memory_space<vmem>>)
      %mul3A_1013 = arith.constant 256 : i32
      %mul3A_1014 = arith.muli %add3A_986, %mul3A_1013 : i32
      %add3A_1015 = arith.addi %mul3A_4, %mul3A_1014 : i32
      %jit3A_1016 = arith.constant 2048 : i32
      %div3A_1017 = arith.divsi %add3A_1015, %jit3A_1016 : i32
      %sign3A_1018 = arith.constant 0 : i32
      %sign3A_1019 = arith.cmpi sgt, %add3A_1015, %sign3A_1018 : i32
      %sign3A_1020 = arith.extui %sign3A_1019 : i1 to i32
      %sign3A_1021 = arith.constant 0 : i32
      %sign3A_1022 = arith.cmpi slt, %add3A_1015, %sign3A_1021 : i32
      %sign3A_1023 = arith.extui %sign3A_1022 : i1 to i32
      %sign3A_1024 = arith.subi %sign3A_1020, %sign3A_1023 : i32
      %sign3A_1025 = arith.constant 0 : i32
      %sign3A_1026 = arith.cmpi sgt, %jit3A_1016, %sign3A_1025 : i32
      %sign3A_1027 = arith.extui %sign3A_1026 : i1 to i32
      %sign3A_1028 = arith.constant 0 : i32
      %sign3A_1029 = arith.cmpi slt, %jit3A_1016, %sign3A_1028 : i32
      %sign3A_1030 = arith.extui %sign3A_1029 : i1 to i32
      %sign3A_1031 = arith.subi %sign3A_1027, %sign3A_1030 : i32
      %ne3A_1032 = arith.cmpi ne, %sign3A_1024, %sign3A_1031 : i32
      %rem3A_1033 = arith.remsi %add3A_1015, %jit3A_1016 : i32
      %ne3A_1034 = arith.constant 0 : i32
      %ne3A_1035 = arith.cmpi ne, %rem3A_1033, %ne3A_1034 : i32
      %and3A_1036 = arith.andi %ne3A_1032, %ne3A_1035 : i1
      %sub3A_1037 = arith.constant 1 : i32
      %sub3A_1038 = arith.subi %div3A_1017, %sub3A_1037 : i32
      %select_n3A_1039 = arith.select %and3A_1036, %sub3A_1038, %div3A_1017 : i32
      %jit3A_1040 = arith.constant 2048 : i32
      %eq3A_1041 = arith.constant 0 : i32
      %eq3A_1042 = arith.cmpi eq, %jit3A_1040, %eq3A_1041 : i32
      %jit3A_1043 = arith.constant 1 : i32
      %select_n3A_1044 = arith.select %eq3A_1042, %jit3A_1043, %jit3A_1040 : i32
      %rem3A_1045 = arith.remsi %add3A_1015, %select_n3A_1044 : i32
      %ne3A_1046 = arith.constant 0 : i32
      %ne3A_1047 = arith.cmpi ne, %rem3A_1045, %ne3A_1046 : i32
      %lt3A_1048 = arith.constant 0 : i32
      %lt3A_1049 = arith.cmpi slt, %rem3A_1045, %lt3A_1048 : i32
      %lt3A_1050 = arith.constant 0 : i32
      %lt3A_1051 = arith.cmpi slt, %select_n3A_1044, %lt3A_1050 : i32
      %ne3A_1052 = arith.xori %lt3A_1049, %lt3A_1051 : i1
      %and3A_1053 = arith.andi %ne3A_1052, %ne3A_1047 : i1
      %add3A_1054 = arith.addi %rem3A_1045, %select_n3A_1044 : i32
      %select_n3A_1055 = arith.select %and3A_1053, %add3A_1054, %rem3A_1045 : i32
      %dma_start3A_1056 = arith.constant 0 : i32
      %dma_start3A_1057 = arith.constant 0 : i32
      %dma_start3A_1058 = arith.constant 0 : i32
      %dma_start3A_1059 = tpu.memref_slice %arg6[%dma_start3A_1056, %dma_start3A_1057, %dma_start3A_1058] : memref<2x256x128xf32, #tpu.memory_space<vmem>> -> memref<1x256x128xf32, #tpu.memory_space<vmem>>
      %dma_start3A_1060 = tpu.memref_squeeze %dma_start3A_1059 : memref<1x256x128xf32, #tpu.memory_space<vmem>> -> memref<256x128xf32, #tpu.memory_space<vmem>>
      %dma_start3A_1061 = arith.constant 0 : i32
      %dma_start3A_1062 = tpu.memref_slice %arg4[%select_n3A_1039, %select_n3A_1055, %dma_start3A_1061] : memref<2048x2048x128xf32, #tpu.memory_space<hbm>> -> memref<1x256x128xf32, #tpu.memory_space<hbm>>
      %dma_start3A_1063 = tpu.memref_squeeze %dma_start3A_1062 : memref<1x256x128xf32, #tpu.memory_space<hbm>> -> memref<256x128xf32, #tpu.memory_space<hbm>>
      %dma_start3A_1064 = arith.constant 0 : i32
      %dma_start3A_1065 = tpu.memref_slice %arg4[%select_n3A_1039, %select_n3A_1055, %dma_start3A_1064] : memref<2048x2048x128xf32, #tpu.memory_space<hbm>> -> memref<1x256x128xf32, #tpu.memory_space<hbm>>
      %dma_start3A_1066 = tpu.memref_squeeze %dma_start3A_1065 : memref<1x256x128xf32, #tpu.memory_space<hbm>> -> memref<256x128xf32, #tpu.memory_space<hbm>>
      %dma_start3A_1067 = arith.constant 0 : i32
      %dma_start3A_1068 = arith.constant 0 : i32
      %dma_start3A_1069 = tpu.memref_slice %arg6[%dma_start3A_1056, %dma_start3A_1067, %dma_start3A_1068] : memref<2x256x128xf32, #tpu.memory_space<vmem>> -> memref<1x256x128xf32, #tpu.memory_space<vmem>>
      %dma_start3A_1070 = tpu.memref_squeeze %dma_start3A_1069 : memref<1x256x128xf32, #tpu.memory_space<vmem>> -> memref<256x128xf32, #tpu.memory_space<vmem>>
      tpu.enqueue_dma source(%dma_start3A_1070 : memref<256x128xf32, #tpu.memory_space<vmem>>) target(%dma_start3A_1066 : memref<256x128xf32, #tpu.memory_space<hbm>>) target_semaphore(%arg11 : memref<!tpu.dma_semaphore, #tpu.memory_space<semaphore_mem>>)
      %mul3A_1071 = arith.constant 2 : i32
      %mul3A_1072 = arith.muli %mul3A_129, %mul3A_1071 : i32
      %add3A_1073 = arith.constant 1 : i32
      %add3A_1074 = arith.addi %mul3A_1072, %add3A_1073 : i32
      %dma_wait3A_1075 = arith.constant 0 : i32
      %dma_wait3A_1076 = arith.constant 2 : i32
      %dma_wait3A_1077 = arith.constant 1 : i32
      %dma_wait3A_1078 = arith.constant 0 : i32
      %dma_wait3A_1079 = arith.constant 0 : i32
      %dma_wait3A_1080 = tpu.memref_slice %arg6[%dma_wait3A_1077, %dma_wait3A_1078, %dma_wait3A_1079] : memref<2x256x128xf32, #tpu.memory_space<vmem>> -> memref<1x128x128xf32, #tpu.memory_space<vmem>>
      %dma_wait3A_1081 = tpu.memref_squeeze %dma_wait3A_1080 : memref<1x128x128xf32, #tpu.memory_space<vmem>> -> memref<128x128xf32, #tpu.memory_space<vmem>>
      %dma_wait3A_1082 = arith.constant 0 : i32
      %dma_wait3A_1083 = tpu.memref_slice %arg5[%dma_wait3A_1075, %dma_wait3A_1076, %dma_wait3A_1082] : memref<2x4x128xi32, #tpu.memory_space<vmem>> -> memref<1x1x128xi32, #tpu.memory_space<vmem>>
      %dma_wait3A_1084 = tpu.memref_squeeze %dma_wait3A_1083 : memref<1x1x128xi32, #tpu.memory_space<vmem>> -> memref<128xi32, #tpu.memory_space<vmem>>
      %dma_wait3A_1085 = arith.constant 0 : i32
      %dma_wait3A_1086 = arith.constant 0 : i32
      %dma_wait3A_1087 = tpu.memref_slice %arg3[%dma_wait3A_1085, %dma_wait3A_1086] : memref<16000x128xf32, #tpu.memory_space<hbm>> -> memref<16000x128xf32, #tpu.memory_space<hbm>>
      tpu.wait_indirect_dma semaphore(%arg10 : memref<!tpu.dma_semaphore, #tpu.memory_space<semaphore_mem>>) src(%dma_wait3A_1087 : memref<16000x128xf32, #tpu.memory_space<hbm>>) dst(%dma_wait3A_1081 : memref<128x128xf32, #tpu.memory_space<vmem>>)
      %dma_wait3A_1088 = arith.constant 0 : i32
      %dma_wait3A_1089 = arith.constant 3 : i32
      %dma_wait3A_1090 = arith.constant 1 : i32
      %dma_wait3A_1091 = arith.constant 128 : i32
      %dma_wait3A_1092 = arith.constant 0 : i32
      %dma_wait3A_1093 = tpu.memref_slice %arg6[%dma_wait3A_1090, %dma_wait3A_1091, %dma_wait3A_1092] : memref<2x256x128xf32, #tpu.memory_space<vmem>> -> memref<1x128x128xf32, #tpu.memory_space<vmem>>
      %dma_wait3A_1094 = tpu.memref_squeeze %dma_wait3A_1093 : memref<1x128x128xf32, #tpu.memory_space<vmem>> -> memref<128x128xf32, #tpu.memory_space<vmem>>
      %dma_wait3A_1095 = arith.constant 0 : i32
      %dma_wait3A_1096 = tpu.memref_slice %arg5[%dma_wait3A_1088, %dma_wait3A_1089, %dma_wait3A_1095] : memref<2x4x128xi32, #tpu.memory_space<vmem>> -> memref<1x1x128xi32, #tpu.memory_space<vmem>>
      %dma_wait3A_1097 = tpu.memref_squeeze %dma_wait3A_1096 : memref<1x1x128xi32, #tpu.memory_space<vmem>> -> memref<128xi32, #tpu.memory_space<vmem>>
      %dma_wait3A_1098 = arith.constant 0 : i32
      %dma_wait3A_1099 = arith.constant 0 : i32
      %dma_wait3A_1100 = tpu.memref_slice %arg3[%dma_wait3A_1098, %dma_wait3A_1099] : memref<16000x128xf32, #tpu.memory_space<hbm>> -> memref<16000x128xf32, #tpu.memory_space<hbm>>
      tpu.wait_indirect_dma semaphore(%arg10 : memref<!tpu.dma_semaphore, #tpu.memory_space<semaphore_mem>>) src(%dma_wait3A_1100 : memref<16000x128xf32, #tpu.memory_space<hbm>>) dst(%dma_wait3A_1094 : memref<128x128xf32, #tpu.memory_space<vmem>>)
      %mul3A_1101 = arith.constant 256 : i32
      %mul3A_1102 = arith.muli %add3A_1074, %mul3A_1101 : i32
      %add3A_1103 = arith.addi %mul3A_4, %mul3A_1102 : i32
      %jit3A_1104 = arith.constant 2048 : i32
      %div3A_1105 = arith.divsi %add3A_1103, %jit3A_1104 : i32
      %sign3A_1106 = arith.constant 0 : i32
      %sign3A_1107 = arith.cmpi sgt, %add3A_1103, %sign3A_1106 : i32
      %sign3A_1108 = arith.extui %sign3A_1107 : i1 to i32
      %sign3A_1109 = arith.constant 0 : i32
      %sign3A_1110 = arith.cmpi slt, %add3A_1103, %sign3A_1109 : i32
      %sign3A_1111 = arith.extui %sign3A_1110 : i1 to i32
      %sign3A_1112 = arith.subi %sign3A_1108, %sign3A_1111 : i32
      %sign3A_1113 = arith.constant 0 : i32
      %sign3A_1114 = arith.cmpi sgt, %jit3A_1104, %sign3A_1113 : i32
      %sign3A_1115 = arith.extui %sign3A_1114 : i1 to i32
      %sign3A_1116 = arith.constant 0 : i32
      %sign3A_1117 = arith.cmpi slt, %jit3A_1104, %sign3A_1116 : i32
      %sign3A_1118 = arith.extui %sign3A_1117 : i1 to i32
      %sign3A_1119 = arith.subi %sign3A_1115, %sign3A_1118 : i32
      %ne3A_1120 = arith.cmpi ne, %sign3A_1112, %sign3A_1119 : i32
      %rem3A_1121 = arith.remsi %add3A_1103, %jit3A_1104 : i32
      %ne3A_1122 = arith.constant 0 : i32
      %ne3A_1123 = arith.cmpi ne, %rem3A_1121, %ne3A_1122 : i32
      %and3A_1124 = arith.andi %ne3A_1120, %ne3A_1123 : i1
      %sub3A_1125 = arith.constant 1 : i32
      %sub3A_1126 = arith.subi %div3A_1105, %sub3A_1125 : i32
      %select_n3A_1127 = arith.select %and3A_1124, %sub3A_1126, %div3A_1105 : i32
      %jit3A_1128 = arith.constant 2048 : i32
      %eq3A_1129 = arith.constant 0 : i32
      %eq3A_1130 = arith.cmpi eq, %jit3A_1128, %eq3A_1129 : i32
      %jit3A_1131 = arith.constant 1 : i32
      %select_n3A_1132 = arith.select %eq3A_1130, %jit3A_1131, %jit3A_1128 : i32
      %rem3A_1133 = arith.remsi %add3A_1103, %select_n3A_1132 : i32
      %ne3A_1134 = arith.constant 0 : i32
      %ne3A_1135 = arith.cmpi ne, %rem3A_1133, %ne3A_1134 : i32
      %lt3A_1136 = arith.constant 0 : i32
      %lt3A_1137 = arith.cmpi slt, %rem3A_1133, %lt3A_1136 : i32
      %lt3A_1138 = arith.constant 0 : i32
      %lt3A_1139 = arith.cmpi slt, %select_n3A_1132, %lt3A_1138 : i32
      %ne3A_1140 = arith.xori %lt3A_1137, %lt3A_1139 : i1
      %and3A_1141 = arith.andi %ne3A_1140, %ne3A_1135 : i1
      %add3A_1142 = arith.addi %rem3A_1133, %select_n3A_1132 : i32
      %select_n3A_1143 = arith.select %and3A_1141, %add3A_1142, %rem3A_1133 : i32
      %dma_start3A_1144 = arith.constant 1 : i32
      %dma_start3A_1145 = arith.constant 0 : i32
      %dma_start3A_1146 = arith.constant 0 : i32
      %dma_start3A_1147 = tpu.memref_slice %arg6[%dma_start3A_1144, %dma_start3A_1145, %dma_start3A_1146] : memref<2x256x128xf32, #tpu.memory_space<vmem>> -> memref<1x256x128xf32, #tpu.memory_space<vmem>>
      %dma_start3A_1148 = tpu.memref_squeeze %dma_start3A_1147 : memref<1x256x128xf32, #tpu.memory_space<vmem>> -> memref<256x128xf32, #tpu.memory_space<vmem>>
      %dma_start3A_1149 = arith.constant 0 : i32
      %dma_start3A_1150 = tpu.memref_slice %arg4[%select_n3A_1127, %select_n3A_1143, %dma_start3A_1149] : memref<2048x2048x128xf32, #tpu.memory_space<hbm>> -> memref<1x256x128xf32, #tpu.memory_space<hbm>>
      %dma_start3A_1151 = tpu.memref_squeeze %dma_start3A_1150 : memref<1x256x128xf32, #tpu.memory_space<hbm>> -> memref<256x128xf32, #tpu.memory_space<hbm>>
      %dma_start3A_1152 = arith.constant 0 : i32
      %dma_start3A_1153 = tpu.memref_slice %arg4[%select_n3A_1127, %select_n3A_1143, %dma_start3A_1152] : memref<2048x2048x128xf32, #tpu.memory_space<hbm>> -> memref<1x256x128xf32, #tpu.memory_space<hbm>>
      %dma_start3A_1154 = tpu.memref_squeeze %dma_start3A_1153 : memref<1x256x128xf32, #tpu.memory_space<hbm>> -> memref<256x128xf32, #tpu.memory_space<hbm>>
      %dma_start3A_1155 = arith.constant 0 : i32
      %dma_start3A_1156 = arith.constant 0 : i32
      %dma_start3A_1157 = tpu.memref_slice %arg6[%dma_start3A_1144, %dma_start3A_1155, %dma_start3A_1156] : memref<2x256x128xf32, #tpu.memory_space<vmem>> -> memref<1x256x128xf32, #tpu.memory_space<vmem>>
      %dma_start3A_1158 = tpu.memref_squeeze %dma_start3A_1157 : memref<1x256x128xf32, #tpu.memory_space<vmem>> -> memref<256x128xf32, #tpu.memory_space<vmem>>
      tpu.enqueue_dma source(%dma_start3A_1158 : memref<256x128xf32, #tpu.memory_space<vmem>>) target(%dma_start3A_1154 : memref<256x128xf32, #tpu.memory_space<hbm>>) target_semaphore(%arg12 : memref<!tpu.dma_semaphore, #tpu.memory_space<semaphore_mem>>)
      %mul3A_1159 = arith.constant 2 : i32
      %mul3A_1160 = arith.muli %mul3A_1159, %scan3A_127 : i32
      %add3A_1161 = arith.constant 1 : i32
      %add3A_1162 = arith.addi %mul3A_1160, %add3A_1161 : i32
      %dma_wait3A_1163 = arith.constant 1 : i32
      %dma_wait3A_1164 = arith.constant 0 : i32
      %dma_wait3A_1165 = arith.constant 0 : i32
      %dma_wait3A_1166 = tpu.memref_slice %arg5[%dma_wait3A_1163, %dma_wait3A_1164, %dma_wait3A_1165] : memref<2x4x128xi32, #tpu.memory_space<vmem>> -> memref<1x4x128xi32, #tpu.memory_space<vmem>>
      %dma_wait3A_1167 = tpu.memref_squeeze %dma_wait3A_1166 : memref<1x4x128xi32, #tpu.memory_space<vmem>> -> memref<4x128xi32, #tpu.memory_space<vmem>>
      %dma_wait3A_1168 = arith.constant 0 : i32
      %dma_wait3A_1169 = arith.constant 0 : i32
      %dma_wait3A_1170 = tpu.memref_slice %arg2[%dma_wait3A_1168, %dma_wait3A_1169] : memref<32768x128xi32, #tpu.memory_space<hbm>> -> memref<4x128xi32, #tpu.memory_space<hbm>>
      %dma_wait3A_1171 = arith.constant 0 : i32
      %dma_wait3A_1172 = arith.constant 0 : i32
      %dma_wait3A_1173 = tpu.memref_slice %arg5[%dma_wait3A_1163, %dma_wait3A_1171, %dma_wait3A_1172] : memref<2x4x128xi32, #tpu.memory_space<vmem>> -> memref<1x4x128xi32, #tpu.memory_space<vmem>>
      %dma_wait3A_1174 = tpu.memref_squeeze %dma_wait3A_1173 : memref<1x4x128xi32, #tpu.memory_space<vmem>> -> memref<4x128xi32, #tpu.memory_space<vmem>>
      %dma_wait3A_1175 = arith.constant 0 : i32
      %dma_wait3A_1176 = arith.constant 0 : i32
      %dma_wait3A_1177 = tpu.memref_slice %arg2[%dma_wait3A_1175, %dma_wait3A_1176] : memref<32768x128xi32, #tpu.memory_space<hbm>> -> memref<4x128xi32, #tpu.memory_space<hbm>>
      tpu.wait_dma2 semaphore(%arg8 : memref<!tpu.dma_semaphore, #tpu.memory_space<semaphore_mem>>) src(%dma_wait3A_1177 : memref<4x128xi32, #tpu.memory_space<hbm>>) dst(%dma_wait3A_1174 : memref<4x128xi32, #tpu.memory_space<vmem>>)
      %add3A_1178 = arith.constant 1 : i32
      %add3A_1179 = arith.addi %add3A_1162, %add3A_1178 : i32
      %lt3A_1180 = arith.constant 256 : i32
      %lt3A_1181 = arith.cmpi slt, %add3A_1179, %lt3A_1180 : i32
      %convert_element_type3A_1182 = arith.extui %lt3A_1181 : i1 to i32
      %cond3A_1183 = arith.constant 0 : i32
      %cond3A_1184 = arith.cmpi ne, %convert_element_type3A_1182, %cond3A_1183 : i32
      scf.if %cond3A_1184 {
        %add3A_2199 = arith.constant 1 : i32
        %add3A_2200 = arith.addi %add3A_1162, %add3A_2199 : i32
        %mul3A_2201 = arith.constant 4 : i32
        %mul3A_2202 = arith.muli %add3A_2200, %mul3A_2201 : i32
        %add3A_2203 = arith.addi %mul3A_2, %mul3A_2202 : i32
        %dma_start3A_2204 = arith.constant 0 : i32
        %dma_start3A_2205 = arith.constant 0 : i32
        %dma_start3A_2206 = arith.constant 0 : i32
        %dma_start3A_2207 = tpu.memref_slice %arg5[%dma_start3A_2204, %dma_start3A_2205, %dma_start3A_2206] : memref<2x4x128xi32, #tpu.memory_space<vmem>> -> memref<1x4x128xi32, #tpu.memory_space<vmem>>
        %dma_start3A_2208 = tpu.memref_squeeze %dma_start3A_2207 : memref<1x4x128xi32, #tpu.memory_space<vmem>> -> memref<4x128xi32, #tpu.memory_space<vmem>>
        %dma_start3A_2209 = arith.constant 0 : i32
        %dma_start3A_2210 = tpu.memref_slice %arg2[%add3A_2203, %dma_start3A_2209] : memref<32768x128xi32, #tpu.memory_space<hbm>> -> memref<4x128xi32, #tpu.memory_space<hbm>>
        %dma_start3A_2211 = arith.constant 0 : i32
        %dma_start3A_2212 = arith.constant 0 : i32
        %dma_start3A_2213 = tpu.memref_slice %arg5[%dma_start3A_2204, %dma_start3A_2211, %dma_start3A_2212] : memref<2x4x128xi32, #tpu.memory_space<vmem>> -> memref<1x4x128xi32, #tpu.memory_space<vmem>>
        %dma_start3A_2214 = tpu.memref_squeeze %dma_start3A_2213 : memref<1x4x128xi32, #tpu.memory_space<vmem>> -> memref<4x128xi32, #tpu.memory_space<vmem>>
        %dma_start3A_2215 = arith.constant 0 : i32
        %dma_start3A_2216 = tpu.memref_slice %arg2[%add3A_2203, %dma_start3A_2215] : memref<32768x128xi32, #tpu.memory_space<hbm>> -> memref<4x128xi32, #tpu.memory_space<hbm>>
        tpu.enqueue_dma source(%dma_start3A_2216 : memref<4x128xi32, #tpu.memory_space<hbm>>) target(%dma_start3A_2214 : memref<4x128xi32, #tpu.memory_space<vmem>>) target_semaphore(%arg7 : memref<!tpu.dma_semaphore, #tpu.memory_space<semaphore_mem>>)
      } else {
      }
      %get3A_1185 = arith.constant 1 : i32
      %get3A_1186 = arith.constant 0 : i32
      %get3A_1187 = arith.index_cast %get3A_1185 : i32 to index
      %get3A_1188 = arith.index_cast %get3A_1186 : i32 to index
      %get3A_1189 = arith.constant 0 : index
      %get3A_1190 = tpu.vector_load %arg5[%get3A_1187, %get3A_1188, %get3A_1189] {strides = array<i32>} : memref<2x4x128xi32, #tpu.memory_space<vmem>>, vector<1x1x16xi32>,
      %get3A_1191 = vector.shape_cast %get3A_1190 : vector<1x1x16xi32> to vector<16xi32>
      %max3A_1192 = arith.constant -8000 : i32
      %max3A_1193 = vector.broadcast %max3A_1192 : i32 to vector<16xi32>
      %max3A_1194 = arith.maxsi %get3A_1191, %max3A_1193 : vector<16xi32>
      %min3A_1195 = arith.constant 7999 : i32
      %min3A_1196 = vector.broadcast %min3A_1195 : i32 to vector<16xi32>
      %min3A_1197 = arith.minsi %max3A_1194, %min3A_1196 : vector<16xi32>
      %add3A_1198 = arith.constant 8000 : i32
      %add3A_1199 = vector.broadcast %add3A_1198 : i32 to vector<16xi32>
      %add3A_1200 = arith.addi %min3A_1197, %add3A_1199 : vector<16xi32>
      %swap3A_1201 = arith.constant 1 : i32
      %swap3A_1202 = arith.constant 0 : i32
      %swap3A_1203 = arith.index_cast %swap3A_1201 : i32 to index
      %swap3A_1204 = arith.index_cast %swap3A_1202 : i32 to index
      %swap3A_1205 = arith.constant 0 : index
      %swap3A_1206 = tpu.vector_load %arg5[%swap3A_1203, %swap3A_1204, %swap3A_1205] {strides = array<i32>} : memref<2x4x128xi32, #tpu.memory_space<vmem>>, vector<1x1x16xi32>,
      %swap3A_1207 = vector.shape_cast %swap3A_1206 : vector<1x1x16xi32> to vector<16xi32>
      %swap3A_1208 = vector.shape_cast %add3A_1200 : vector<16xi32> to vector<1x1x16xi32>
      tpu.vector_store %arg5[%swap3A_1203, %swap3A_1204, %swap3A_1205], %swap3A_1208 {strides = array<i32>} : memref<2x4x128xi32, #tpu.memory_space<vmem>>, vector<1x1x16xi32>,
      %get3A_1209 = arith.constant 1 : i32
      %get3A_1210 = arith.constant 0 : i32
      %get3A_1211 = arith.index_cast %get3A_1209 : i32 to index
      %get3A_1212 = arith.index_cast %get3A_1210 : i32 to index
      %get3A_1213 = arith.constant 16 : index
      %get3A_1214 = tpu.vector_load %arg5[%get3A_1211, %get3A_1212, %get3A_1213] {strides = array<i32>} : memref<2x4x128xi32, #tpu.memory_space<vmem>>, vector<1x1x16xi32>,
      %get3A_1215 = vector.shape_cast %get3A_1214 : vector<1x1x16xi32> to vector<16xi32>
      %max3A_1216 = arith.constant -8000 : i32
      %max3A_1217 = vector.broadcast %max3A_1216 : i32 to vector<16xi32>
      %max3A_1218 = arith.maxsi %get3A_1215, %max3A_1217 : vector<16xi32>
      %min3A_1219 = arith.constant 7999 : i32
      %min3A_1220 = vector.broadcast %min3A_1219 : i32 to vector<16xi32>
      %min3A_1221 = arith.minsi %max3A_1218, %min3A_1220 : vector<16xi32>
      %add3A_1222 = arith.constant 8000 : i32
      %add3A_1223 = vector.broadcast %add3A_1222 : i32 to vector<16xi32>
      %add3A_1224 = arith.addi %min3A_1221, %add3A_1223 : vector<16xi32>
      %swap3A_1225 = arith.constant 1 : i32
      %swap3A_1226 = arith.constant 0 : i32
      %swap3A_1227 = arith.index_cast %swap3A_1225 : i32 to index
      %swap3A_1228 = arith.index_cast %swap3A_1226 : i32 to index
      %swap3A_1229 = arith.constant 16 : index
      %swap3A_1230 = tpu.vector_load %arg5[%swap3A_1227, %swap3A_1228, %swap3A_1229] {strides = array<i32>} : memref<2x4x128xi32, #tpu.memory_space<vmem>>, vector<1x1x16xi32>,
      %swap3A_1231 = vector.shape_cast %swap3A_1230 : vector<1x1x16xi32> to vector<16xi32>
      %swap3A_1232 = vector.shape_cast %add3A_1224 : vector<16xi32> to vector<1x1x16xi32>
      tpu.vector_store %arg5[%swap3A_1227, %swap3A_1228, %swap3A_1229], %swap3A_1232 {strides = array<i32>} : memref<2x4x128xi32, #tpu.memory_space<vmem>>, vector<1x1x16xi32>,
      %get3A_1233 = arith.constant 1 : i32
      %get3A_1234 = arith.constant 0 : i32
      %get3A_1235 = arith.index_cast %get3A_1233 : i32 to index
      %get3A_1236 = arith.index_cast %get3A_1234 : i32 to index
      %get3A_1237 = arith.constant 32 : index
      %get3A_1238 = tpu.vector_load %arg5[%get3A_1235, %get3A_1236, %get3A_1237] {strides = array<i32>} : memref<2x4x128xi32, #tpu.memory_space<vmem>>, vector<1x1x16xi32>,
      %get3A_1239 = vector.shape_cast %get3A_1238 : vector<1x1x16xi32> to vector<16xi32>
      %max3A_1240 = arith.constant -8000 : i32
      %max3A_1241 = vector.broadcast %max3A_1240 : i32 to vector<16xi32>
      %max3A_1242 = arith.maxsi %get3A_1239, %max3A_1241 : vector<16xi32>
      %min3A_1243 = arith.constant 7999 : i32
      %min3A_1244 = vector.broadcast %min3A_1243 : i32 to vector<16xi32>
      %min3A_1245 = arith.minsi %max3A_1242, %min3A_1244 : vector<16xi32>
      %add3A_1246 = arith.constant 8000 : i32
      %add3A_1247 = vector.broadcast %add3A_1246 : i32 to vector<16xi32>
      %add3A_1248 = arith.addi %min3A_1245, %add3A_1247 : vector<16xi32>
      %swap3A_1249 = arith.constant 1 : i32
      %swap3A_1250 = arith.constant 0 : i32
      %swap3A_1251 = arith.index_cast %swap3A_1249 : i32 to index
      %swap3A_1252 = arith.index_cast %swap3A_1250 : i32 to index
      %swap3A_1253 = arith.constant 32 : index
      %swap3A_1254 = tpu.vector_load %arg5[%swap3A_1251, %swap3A_1252, %swap3A_1253] {strides = array<i32>} : memref<2x4x128xi32, #tpu.memory_space<vmem>>, vector<1x1x16xi32>,
      %swap3A_1255 = vector.shape_cast %swap3A_1254 : vector<1x1x16xi32> to vector<16xi32>
      %swap3A_1256 = vector.shape_cast %add3A_1248 : vector<16xi32> to vector<1x1x16xi32>
      tpu.vector_store %arg5[%swap3A_1251, %swap3A_1252, %swap3A_1253], %swap3A_1256 {strides = array<i32>} : memref<2x4x128xi32, #tpu.memory_space<vmem>>, vector<1x1x16xi32>,
      %get3A_1257 = arith.constant 1 : i32
      %get3A_1258 = arith.constant 0 : i32
      %get3A_1259 = arith.index_cast %get3A_1257 : i32 to index
      %get3A_1260 = arith.index_cast %get3A_1258 : i32 to index
      %get3A_1261 = arith.constant 48 : index
      %get3A_1262 = tpu.vector_load %arg5[%get3A_1259, %get3A_1260, %get3A_1261] {strides = array<i32>} : memref<2x4x128xi32, #tpu.memory_space<vmem>>, vector<1x1x16xi32>,
      %get3A_1263 = vector.shape_cast %get3A_1262 : vector<1x1x16xi32> to vector<16xi32>
      %max3A_1264 = arith.constant -8000 : i32
      %max3A_1265 = vector.broadcast %max3A_1264 : i32 to vector<16xi32>
      %max3A_1266 = arith.maxsi %get3A_1263, %max3A_1265 : vector<16xi32>
      %min3A_1267 = arith.constant 7999 : i32
      %min3A_1268 = vector.broadcast %min3A_1267 : i32 to vector<16xi32>
      %min3A_1269 = arith.minsi %max3A_1266, %min3A_1268 : vector<16xi32>
      %add3A_1270 = arith.constant 8000 : i32
      %add3A_1271 = vector.broadcast %add3A_1270 : i32 to vector<16xi32>
      %add3A_1272 = arith.addi %min3A_1269, %add3A_1271 : vector<16xi32>
      %swap3A_1273 = arith.constant 1 : i32
      %swap3A_1274 = arith.constant 0 : i32
      %swap3A_1275 = arith.index_cast %swap3A_1273 : i32 to index
      %swap3A_1276 = arith.index_cast %swap3A_1274 : i32 to index
      %swap3A_1277 = arith.constant 48 : index
      %swap3A_1278 = tpu.vector_load %arg5[%swap3A_1275, %swap3A_1276, %swap3A_1277] {strides = array<i32>} : memref<2x4x128xi32, #tpu.memory_space<vmem>>, vector<1x1x16xi32>,
      %swap3A_1279 = vector.shape_cast %swap3A_1278 : vector<1x1x16xi32> to vector<16xi32>
      %swap3A_1280 = vector.shape_cast %add3A_1272 : vector<16xi32> to vector<1x1x16xi32>
      tpu.vector_store %arg5[%swap3A_1275, %swap3A_1276, %swap3A_1277], %swap3A_1280 {strides = array<i32>} : memref<2x4x128xi32, #tpu.memory_space<vmem>>, vector<1x1x16xi32>,
      %get3A_1281 = arith.constant 1 : i32
      %get3A_1282 = arith.constant 0 : i32
      %get3A_1283 = arith.index_cast %get3A_1281 : i32 to index
      %get3A_1284 = arith.index_cast %get3A_1282 : i32 to index
      %get3A_1285 = arith.constant 64 : index
      %get3A_1286 = tpu.vector_load %arg5[%get3A_1283, %get3A_1284, %get3A_1285] {strides = array<i32>} : memref<2x4x128xi32, #tpu.memory_space<vmem>>, vector<1x1x16xi32>,
      %get3A_1287 = vector.shape_cast %get3A_1286 : vector<1x1x16xi32> to vector<16xi32>
      %max3A_1288 = arith.constant -8000 : i32
      %max3A_1289 = vector.broadcast %max3A_1288 : i32 to vector<16xi32>
      %max3A_1290 = arith.maxsi %get3A_1287, %max3A_1289 : vector<16xi32>
      %min3A_1291 = arith.constant 7999 : i32
      %min3A_1292 = vector.broadcast %min3A_1291 : i32 to vector<16xi32>
      %min3A_1293 = arith.minsi %max3A_1290, %min3A_1292 : vector<16xi32>
      %add3A_1294 = arith.constant 8000 : i32
      %add3A_1295 = vector.broadcast %add3A_1294 : i32 to vector<16xi32>
      %add3A_1296 = arith.addi %min3A_1293, %add3A_1295 : vector<16xi32>
      %swap3A_1297 = arith.constant 1 : i32
      %swap3A_1298 = arith.constant 0 : i32
      %swap3A_1299 = arith.index_cast %swap3A_1297 : i32 to index
      %swap3A_1300 = arith.index_cast %swap3A_1298 : i32 to index
      %swap3A_1301 = arith.constant 64 : index
      %swap3A_1302 = tpu.vector_load %arg5[%swap3A_1299, %swap3A_1300, %swap3A_1301] {strides = array<i32>} : memref<2x4x128xi32, #tpu.memory_space<vmem>>, vector<1x1x16xi32>,
      %swap3A_1303 = vector.shape_cast %swap3A_1302 : vector<1x1x16xi32> to vector<16xi32>
      %swap3A_1304 = vector.shape_cast %add3A_1296 : vector<16xi32> to vector<1x1x16xi32>
      tpu.vector_store %arg5[%swap3A_1299, %swap3A_1300, %swap3A_1301], %swap3A_1304 {strides = array<i32>} : memref<2x4x128xi32, #tpu.memory_space<vmem>>, vector<1x1x16xi32>,
      %get3A_1305 = arith.constant 1 : i32
      %get3A_1306 = arith.constant 0 : i32
      %get3A_1307 = arith.index_cast %get3A_1305 : i32 to index
      %get3A_1308 = arith.index_cast %get3A_1306 : i32 to index
      %get3A_1309 = arith.constant 80 : index
      %get3A_1310 = tpu.vector_load %arg5[%get3A_1307, %get3A_1308, %get3A_1309] {strides = array<i32>} : memref<2x4x128xi32, #tpu.memory_space<vmem>>, vector<1x1x16xi32>,
      %get3A_1311 = vector.shape_cast %get3A_1310 : vector<1x1x16xi32> to vector<16xi32>
      %max3A_1312 = arith.constant -8000 : i32
      %max3A_1313 = vector.broadcast %max3A_1312 : i32 to vector<16xi32>
      %max3A_1314 = arith.maxsi %get3A_1311, %max3A_1313 : vector<16xi32>
      %min3A_1315 = arith.constant 7999 : i32
      %min3A_1316 = vector.broadcast %min3A_1315 : i32 to vector<16xi32>
      %min3A_1317 = arith.minsi %max3A_1314, %min3A_1316 : vector<16xi32>
      %add3A_1318 = arith.constant 8000 : i32
      %add3A_1319 = vector.broadcast %add3A_1318 : i32 to vector<16xi32>
      %add3A_1320 = arith.addi %min3A_1317, %add3A_1319 : vector<16xi32>
      %swap3A_1321 = arith.constant 1 : i32
      %swap3A_1322 = arith.constant 0 : i32
      %swap3A_1323 = arith.index_cast %swap3A_1321 : i32 to index
      %swap3A_1324 = arith.index_cast %swap3A_1322 : i32 to index
      %swap3A_1325 = arith.constant 80 : index
      %swap3A_1326 = tpu.vector_load %arg5[%swap3A_1323, %swap3A_1324, %swap3A_1325] {strides = array<i32>} : memref<2x4x128xi32, #tpu.memory_space<vmem>>, vector<1x1x16xi32>,
      %swap3A_1327 = vector.shape_cast %swap3A_1326 : vector<1x1x16xi32> to vector<16xi32>
      %swap3A_1328 = vector.shape_cast %add3A_1320 : vector<16xi32> to vector<1x1x16xi32>
      tpu.vector_store %arg5[%swap3A_1323, %swap3A_1324, %swap3A_1325], %swap3A_1328 {strides = array<i32>} : memref<2x4x128xi32, #tpu.memory_space<vmem>>, vector<1x1x16xi32>,
      %get3A_1329 = arith.constant 1 : i32
      %get3A_1330 = arith.constant 0 : i32
      %get3A_1331 = arith.index_cast %get3A_1329 : i32 to index
      %get3A_1332 = arith.index_cast %get3A_1330 : i32 to index
      %get3A_1333 = arith.constant 96 : index
      %get3A_1334 = tpu.vector_load %arg5[%get3A_1331, %get3A_1332, %get3A_1333] {strides = array<i32>} : memref<2x4x128xi32, #tpu.memory_space<vmem>>, vector<1x1x16xi32>,
      %get3A_1335 = vector.shape_cast %get3A_1334 : vector<1x1x16xi32> to vector<16xi32>
      %max3A_1336 = arith.constant -8000 : i32
      %max3A_1337 = vector.broadcast %max3A_1336 : i32 to vector<16xi32>
      %max3A_1338 = arith.maxsi %get3A_1335, %max3A_1337 : vector<16xi32>
      %min3A_1339 = arith.constant 7999 : i32
      %min3A_1340 = vector.broadcast %min3A_1339 : i32 to vector<16xi32>
      %min3A_1341 = arith.minsi %max3A_1338, %min3A_1340 : vector<16xi32>
      %add3A_1342 = arith.constant 8000 : i32
      %add3A_1343 = vector.broadcast %add3A_1342 : i32 to vector<16xi32>
      %add3A_1344 = arith.addi %min3A_1341, %add3A_1343 : vector<16xi32>
      %swap3A_1345 = arith.constant 1 : i32
      %swap3A_1346 = arith.constant 0 : i32
      %swap3A_1347 = arith.index_cast %swap3A_1345 : i32 to index
      %swap3A_1348 = arith.index_cast %swap3A_1346 : i32 to index
      %swap3A_1349 = arith.constant 96 : index
      %swap3A_1350 = tpu.vector_load %arg5[%swap3A_1347, %swap3A_1348, %swap3A_1349] {strides = array<i32>} : memref<2x4x128xi32, #tpu.memory_space<vmem>>, vector<1x1x16xi32>,
      %swap3A_1351 = vector.shape_cast %swap3A_1350 : vector<1x1x16xi32> to vector<16xi32>
      %swap3A_1352 = vector.shape_cast %add3A_1344 : vector<16xi32> to vector<1x1x16xi32>
      tpu.vector_store %arg5[%swap3A_1347, %swap3A_1348, %swap3A_1349], %swap3A_1352 {strides = array<i32>} : memref<2x4x128xi32, #tpu.memory_space<vmem>>, vector<1x1x16xi32>,
      %get3A_1353 = arith.constant 1 : i32
      %get3A_1354 = arith.constant 0 : i32
      %get3A_1355 = arith.index_cast %get3A_1353 : i32 to index
      %get3A_1356 = arith.index_cast %get3A_1354 : i32 to index
      %get3A_1357 = arith.constant 112 : index
      %get3A_1358 = tpu.vector_load %arg5[%get3A_1355, %get3A_1356, %get3A_1357] {strides = array<i32>} : memref<2x4x128xi32, #tpu.memory_space<vmem>>, vector<1x1x16xi32>,
      %get3A_1359 = vector.shape_cast %get3A_1358 : vector<1x1x16xi32> to vector<16xi32>
      %max3A_1360 = arith.constant -8000 : i32
      %max3A_1361 = vector.broadcast %max3A_1360 : i32 to vector<16xi32>
      %max3A_1362 = arith.maxsi %get3A_1359, %max3A_1361 : vector<16xi32>
      %min3A_1363 = arith.constant 7999 : i32
      %min3A_1364 = vector.broadcast %min3A_1363 : i32 to vector<16xi32>
      %min3A_1365 = arith.minsi %max3A_1362, %min3A_1364 : vector<16xi32>
      %add3A_1366 = arith.constant 8000 : i32
      %add3A_1367 = vector.broadcast %add3A_1366 : i32 to vector<16xi32>
      %add3A_1368 = arith.addi %min3A_1365, %add3A_1367 : vector<16xi32>
      %swap3A_1369 = arith.constant 1 : i32
      %swap3A_1370 = arith.constant 0 : i32
      %swap3A_1371 = arith.index_cast %swap3A_1369 : i32 to index
      %swap3A_1372 = arith.index_cast %swap3A_1370 : i32 to index
      %swap3A_1373 = arith.constant 112 : index
      %swap3A_1374 = tpu.vector_load %arg5[%swap3A_1371, %swap3A_1372, %swap3A_1373] {strides = array<i32>} : memref<2x4x128xi32, #tpu.memory_space<vmem>>, vector<1x1x16xi32>,
      %swap3A_1375 = vector.shape_cast %swap3A_1374 : vector<1x1x16xi32> to vector<16xi32>
      %swap3A_1376 = vector.shape_cast %add3A_1368 : vector<16xi32> to vector<1x1x16xi32>
      tpu.vector_store %arg5[%swap3A_1371, %swap3A_1372, %swap3A_1373], %swap3A_1376 {strides = array<i32>} : memref<2x4x128xi32, #tpu.memory_space<vmem>>, vector<1x1x16xi32>,
      %get3A_1377 = arith.constant 1 : i32
      %get3A_1378 = arith.constant 1 : i32
      %get3A_1379 = arith.index_cast %get3A_1377 : i32 to index
      %get3A_1380 = arith.index_cast %get3A_1378 : i32 to index
      %get3A_1381 = arith.constant 0 : index
      %get3A_1382 = tpu.vector_load %arg5[%get3A_1379, %get3A_1380, %get3A_1381] {strides = array<i32>} : memref<2x4x128xi32, #tpu.memory_space<vmem>>, vector<1x1x16xi32>,
      %get3A_1383 = vector.shape_cast %get3A_1382 : vector<1x1x16xi32> to vector<16xi32>
      %max3A_1384 = arith.constant -8000 : i32
      %max3A_1385 = vector.broadcast %max3A_1384 : i32 to vector<16xi32>
      %max3A_1386 = arith.maxsi %get3A_1383, %max3A_1385 : vector<16xi32>
      %min3A_1387 = arith.constant 7999 : i32
      %min3A_1388 = vector.broadcast %min3A_1387 : i32 to vector<16xi32>
      %min3A_1389 = arith.minsi %max3A_1386, %min3A_1388 : vector<16xi32>
      %add3A_1390 = arith.constant 8000 : i32
      %add3A_1391 = vector.broadcast %add3A_1390 : i32 to vector<16xi32>
      %add3A_1392 = arith.addi %min3A_1389, %add3A_1391 : vector<16xi32>
      %swap3A_1393 = arith.constant 1 : i32
      %swap3A_1394 = arith.constant 1 : i32
      %swap3A_1395 = arith.index_cast %swap3A_1393 : i32 to index
      %swap3A_1396 = arith.index_cast %swap3A_1394 : i32 to index
      %swap3A_1397 = arith.constant 0 : index
      %swap3A_1398 = tpu.vector_load %arg5[%swap3A_1395, %swap3A_1396, %swap3A_1397] {strides = array<i32>} : memref<2x4x128xi32, #tpu.memory_space<vmem>>, vector<1x1x16xi32>,
      %swap3A_1399 = vector.shape_cast %swap3A_1398 : vector<1x1x16xi32> to vector<16xi32>
      %swap3A_1400 = vector.shape_cast %add3A_1392 : vector<16xi32> to vector<1x1x16xi32>
      tpu.vector_store %arg5[%swap3A_1395, %swap3A_1396, %swap3A_1397], %swap3A_1400 {strides = array<i32>} : memref<2x4x128xi32, #tpu.memory_space<vmem>>, vector<1x1x16xi32>,
      %get3A_1401 = arith.constant 1 : i32
      %get3A_1402 = arith.constant 1 : i32
      %get3A_1403 = arith.index_cast %get3A_1401 : i32 to index
      %get3A_1404 = arith.index_cast %get3A_1402 : i32 to index
      %get3A_1405 = arith.constant 16 : index
      %get3A_1406 = tpu.vector_load %arg5[%get3A_1403, %get3A_1404, %get3A_1405] {strides = array<i32>} : memref<2x4x128xi32, #tpu.memory_space<vmem>>, vector<1x1x16xi32>,
      %get3A_1407 = vector.shape_cast %get3A_1406 : vector<1x1x16xi32> to vector<16xi32>
      %max3A_1408 = arith.constant -8000 : i32
      %max3A_1409 = vector.broadcast %max3A_1408 : i32 to vector<16xi32>
      %max3A_1410 = arith.maxsi %get3A_1407, %max3A_1409 : vector<16xi32>
      %min3A_1411 = arith.constant 7999 : i32
      %min3A_1412 = vector.broadcast %min3A_1411 : i32 to vector<16xi32>
      %min3A_1413 = arith.minsi %max3A_1410, %min3A_1412 : vector<16xi32>
      %add3A_1414 = arith.constant 8000 : i32
      %add3A_1415 = vector.broadcast %add3A_1414 : i32 to vector<16xi32>
      %add3A_1416 = arith.addi %min3A_1413, %add3A_1415 : vector<16xi32>
      %swap3A_1417 = arith.constant 1 : i32
      %swap3A_1418 = arith.constant 1 : i32
      %swap3A_1419 = arith.index_cast %swap3A_1417 : i32 to index
      %swap3A_1420 = arith.index_cast %swap3A_1418 : i32 to index
      %swap3A_1421 = arith.constant 16 : index
      %swap3A_1422 = tpu.vector_load %arg5[%swap3A_1419, %swap3A_1420, %swap3A_1421] {strides = array<i32>} : memref<2x4x128xi32, #tpu.memory_space<vmem>>, vector<1x1x16xi32>,
      %swap3A_1423 = vector.shape_cast %swap3A_1422 : vector<1x1x16xi32> to vector<16xi32>
      %swap3A_1424 = vector.shape_cast %add3A_1416 : vector<16xi32> to vector<1x1x16xi32>
      tpu.vector_store %arg5[%swap3A_1419, %swap3A_1420, %swap3A_1421], %swap3A_1424 {strides = array<i32>} : memref<2x4x128xi32, #tpu.memory_space<vmem>>, vector<1x1x16xi32>,
      %get3A_1425 = arith.constant 1 : i32
      %get3A_1426 = arith.constant 1 : i32
      %get3A_1427 = arith.index_cast %get3A_1425 : i32 to index
      %get3A_1428 = arith.index_cast %get3A_1426 : i32 to index
      %get3A_1429 = arith.constant 32 : index
      %get3A_1430 = tpu.vector_load %arg5[%get3A_1427, %get3A_1428, %get3A_1429] {strides = array<i32>} : memref<2x4x128xi32, #tpu.memory_space<vmem>>, vector<1x1x16xi32>,
      %get3A_1431 = vector.shape_cast %get3A_1430 : vector<1x1x16xi32> to vector<16xi32>
      %max3A_1432 = arith.constant -8000 : i32
      %max3A_1433 = vector.broadcast %max3A_1432 : i32 to vector<16xi32>
      %max3A_1434 = arith.maxsi %get3A_1431, %max3A_1433 : vector<16xi32>
      %min3A_1435 = arith.constant 7999 : i32
      %min3A_1436 = vector.broadcast %min3A_1435 : i32 to vector<16xi32>
      %min3A_1437 = arith.minsi %max3A_1434, %min3A_1436 : vector<16xi32>
      %add3A_1438 = arith.constant 8000 : i32
      %add3A_1439 = vector.broadcast %add3A_1438 : i32 to vector<16xi32>
      %add3A_1440 = arith.addi %min3A_1437, %add3A_1439 : vector<16xi32>
      %swap3A_1441 = arith.constant 1 : i32
      %swap3A_1442 = arith.constant 1 : i32
      %swap3A_1443 = arith.index_cast %swap3A_1441 : i32 to index
      %swap3A_1444 = arith.index_cast %swap3A_1442 : i32 to index
      %swap3A_1445 = arith.constant 32 : index
      %swap3A_1446 = tpu.vector_load %arg5[%swap3A_1443, %swap3A_1444, %swap3A_1445] {strides = array<i32>} : memref<2x4x128xi32, #tpu.memory_space<vmem>>, vector<1x1x16xi32>,
      %swap3A_1447 = vector.shape_cast %swap3A_1446 : vector<1x1x16xi32> to vector<16xi32>
      %swap3A_1448 = vector.shape_cast %add3A_1440 : vector<16xi32> to vector<1x1x16xi32>
      tpu.vector_store %arg5[%swap3A_1443, %swap3A_1444, %swap3A_1445], %swap3A_1448 {strides = array<i32>} : memref<2x4x128xi32, #tpu.memory_space<vmem>>, vector<1x1x16xi32>,
      %get3A_1449 = arith.constant 1 : i32
      %get3A_1450 = arith.constant 1 : i32
      %get3A_1451 = arith.index_cast %get3A_1449 : i32 to index
      %get3A_1452 = arith.index_cast %get3A_1450 : i32 to index
      %get3A_1453 = arith.constant 48 : index
      %get3A_1454 = tpu.vector_load %arg5[%get3A_1451, %get3A_1452, %get3A_1453] {strides = array<i32>} : memref<2x4x128xi32, #tpu.memory_space<vmem>>, vector<1x1x16xi32>,
      %get3A_1455 = vector.shape_cast %get3A_1454 : vector<1x1x16xi32> to vector<16xi32>
      %max3A_1456 = arith.constant -8000 : i32
      %max3A_1457 = vector.broadcast %max3A_1456 : i32 to vector<16xi32>
      %max3A_1458 = arith.maxsi %get3A_1455, %max3A_1457 : vector<16xi32>
      %min3A_1459 = arith.constant 7999 : i32
      %min3A_1460 = vector.broadcast %min3A_1459 : i32 to vector<16xi32>
      %min3A_1461 = arith.minsi %max3A_1458, %min3A_1460 : vector<16xi32>
      %add3A_1462 = arith.constant 8000 : i32
      %add3A_1463 = vector.broadcast %add3A_1462 : i32 to vector<16xi32>
      %add3A_1464 = arith.addi %min3A_1461, %add3A_1463 : vector<16xi32>
      %swap3A_1465 = arith.constant 1 : i32
      %swap3A_1466 = arith.constant 1 : i32
      %swap3A_1467 = arith.index_cast %swap3A_1465 : i32 to index
      %swap3A_1468 = arith.index_cast %swap3A_1466 : i32 to index
      %swap3A_1469 = arith.constant 48 : index
      %swap3A_1470 = tpu.vector_load %arg5[%swap3A_1467, %swap3A_1468, %swap3A_1469] {strides = array<i32>} : memref<2x4x128xi32, #tpu.memory_space<vmem>>, vector<1x1x16xi32>,
      %swap3A_1471 = vector.shape_cast %swap3A_1470 : vector<1x1x16xi32> to vector<16xi32>
      %swap3A_1472 = vector.shape_cast %add3A_1464 : vector<16xi32> to vector<1x1x16xi32>
      tpu.vector_store %arg5[%swap3A_1467, %swap3A_1468, %swap3A_1469], %swap3A_1472 {strides = array<i32>} : memref<2x4x128xi32, #tpu.memory_space<vmem>>, vector<1x1x16xi32>,
      %get3A_1473 = arith.constant 1 : i32
      %get3A_1474 = arith.constant 1 : i32
      %get3A_1475 = arith.index_cast %get3A_1473 : i32 to index
      %get3A_1476 = arith.index_cast %get3A_1474 : i32 to index
      %get3A_1477 = arith.constant 64 : index
      %get3A_1478 = tpu.vector_load %arg5[%get3A_1475, %get3A_1476, %get3A_1477] {strides = array<i32>} : memref<2x4x128xi32, #tpu.memory_space<vmem>>, vector<1x1x16xi32>,
      %get3A_1479 = vector.shape_cast %get3A_1478 : vector<1x1x16xi32> to vector<16xi32>
      %max3A_1480 = arith.constant -8000 : i32
      %max3A_1481 = vector.broadcast %max3A_1480 : i32 to vector<16xi32>
      %max3A_1482 = arith.maxsi %get3A_1479, %max3A_1481 : vector<16xi32>
      %min3A_1483 = arith.constant 7999 : i32
      %min3A_1484 = vector.broadcast %min3A_1483 : i32 to vector<16xi32>
      %min3A_1485 = arith.minsi %max3A_1482, %min3A_1484 : vector<16xi32>
      %add3A_1486 = arith.constant 8000 : i32
      %add3A_1487 = vector.broadcast %add3A_1486 : i32 to vector<16xi32>
      %add3A_1488 = arith.addi %min3A_1485, %add3A_1487 : vector<16xi32>
      %swap3A_1489 = arith.constant 1 : i32
      %swap3A_1490 = arith.constant 1 : i32
      %swap3A_1491 = arith.index_cast %swap3A_1489 : i32 to index
      %swap3A_1492 = arith.index_cast %swap3A_1490 : i32 to index
      %swap3A_1493 = arith.constant 64 : index
      %swap3A_1494 = tpu.vector_load %arg5[%swap3A_1491, %swap3A_1492, %swap3A_1493] {strides = array<i32>} : memref<2x4x128xi32, #tpu.memory_space<vmem>>, vector<1x1x16xi32>,
      %swap3A_1495 = vector.shape_cast %swap3A_1494 : vector<1x1x16xi32> to vector<16xi32>
      %swap3A_1496 = vector.shape_cast %add3A_1488 : vector<16xi32> to vector<1x1x16xi32>
      tpu.vector_store %arg5[%swap3A_1491, %swap3A_1492, %swap3A_1493], %swap3A_1496 {strides = array<i32>} : memref<2x4x128xi32, #tpu.memory_space<vmem>>, vector<1x1x16xi32>,
      %get3A_1497 = arith.constant 1 : i32
      %get3A_1498 = arith.constant 1 : i32
      %get3A_1499 = arith.index_cast %get3A_1497 : i32 to index
      %get3A_1500 = arith.index_cast %get3A_1498 : i32 to index
      %get3A_1501 = arith.constant 80 : index
      %get3A_1502 = tpu.vector_load %arg5[%get3A_1499, %get3A_1500, %get3A_1501] {strides = array<i32>} : memref<2x4x128xi32, #tpu.memory_space<vmem>>, vector<1x1x16xi32>,
      %get3A_1503 = vector.shape_cast %get3A_1502 : vector<1x1x16xi32> to vector<16xi32>
      %max3A_1504 = arith.constant -8000 : i32
      %max3A_1505 = vector.broadcast %max3A_1504 : i32 to vector<16xi32>
      %max3A_1506 = arith.maxsi %get3A_1503, %max3A_1505 : vector<16xi32>
      %min3A_1507 = arith.constant 7999 : i32
      %min3A_1508 = vector.broadcast %min3A_1507 : i32 to vector<16xi32>
      %min3A_1509 = arith.minsi %max3A_1506, %min3A_1508 : vector<16xi32>
      %add3A_1510 = arith.constant 8000 : i32
      %add3A_1511 = vector.broadcast %add3A_1510 : i32 to vector<16xi32>
      %add3A_1512 = arith.addi %min3A_1509, %add3A_1511 : vector<16xi32>
      %swap3A_1513 = arith.constant 1 : i32
      %swap3A_1514 = arith.constant 1 : i32
      %swap3A_1515 = arith.index_cast %swap3A_1513 : i32 to index
      %swap3A_1516 = arith.index_cast %swap3A_1514 : i32 to index
      %swap3A_1517 = arith.constant 80 : index
      %swap3A_1518 = tpu.vector_load %arg5[%swap3A_1515, %swap3A_1516, %swap3A_1517] {strides = array<i32>} : memref<2x4x128xi32, #tpu.memory_space<vmem>>, vector<1x1x16xi32>,
      %swap3A_1519 = vector.shape_cast %swap3A_1518 : vector<1x1x16xi32> to vector<16xi32>
      %swap3A_1520 = vector.shape_cast %add3A_1512 : vector<16xi32> to vector<1x1x16xi32>
      tpu.vector_store %arg5[%swap3A_1515, %swap3A_1516, %swap3A_1517], %swap3A_1520 {strides = array<i32>} : memref<2x4x128xi32, #tpu.memory_space<vmem>>, vector<1x1x16xi32>,
      %get3A_1521 = arith.constant 1 : i32
      %get3A_1522 = arith.constant 1 : i32
      %get3A_1523 = arith.index_cast %get3A_1521 : i32 to index
      %get3A_1524 = arith.index_cast %get3A_1522 : i32 to index
      %get3A_1525 = arith.constant 96 : index
      %get3A_1526 = tpu.vector_load %arg5[%get3A_1523, %get3A_1524, %get3A_1525] {strides = array<i32>} : memref<2x4x128xi32, #tpu.memory_space<vmem>>, vector<1x1x16xi32>,
      %get3A_1527 = vector.shape_cast %get3A_1526 : vector<1x1x16xi32> to vector<16xi32>
      %max3A_1528 = arith.constant -8000 : i32
      %max3A_1529 = vector.broadcast %max3A_1528 : i32 to vector<16xi32>
      %max3A_1530 = arith.maxsi %get3A_1527, %max3A_1529 : vector<16xi32>
      %min3A_1531 = arith.constant 7999 : i32
      %min3A_1532 = vector.broadcast %min3A_1531 : i32 to vector<16xi32>
      %min3A_1533 = arith.minsi %max3A_1530, %min3A_1532 : vector<16xi32>
      %add3A_1534 = arith.constant 8000 : i32
      %add3A_1535 = vector.broadcast %add3A_1534 : i32 to vector<16xi32>
      %add3A_1536 = arith.addi %min3A_1533, %add3A_1535 : vector<16xi32>
      %swap3A_1537 = arith.constant 1 : i32
      %swap3A_1538 = arith.constant 1 : i32
      %swap3A_1539 = arith.index_cast %swap3A_1537 : i32 to index
      %swap3A_1540 = arith.index_cast %swap3A_1538 : i32 to index
      %swap3A_1541 = arith.constant 96 : index
      %swap3A_1542 = tpu.vector_load %arg5[%swap3A_1539, %swap3A_1540, %swap3A_1541] {strides = array<i32>} : memref<2x4x128xi32, #tpu.memory_space<vmem>>, vector<1x1x16xi32>,
      %swap3A_1543 = vector.shape_cast %swap3A_1542 : vector<1x1x16xi32> to vector<16xi32>
      %swap3A_1544 = vector.shape_cast %add3A_1536 : vector<16xi32> to vector<1x1x16xi32>
      tpu.vector_store %arg5[%swap3A_1539, %swap3A_1540, %swap3A_1541], %swap3A_1544 {strides = array<i32>} : memref<2x4x128xi32, #tpu.memory_space<vmem>>, vector<1x1x16xi32>,
      %get3A_1545 = arith.constant 1 : i32
      %get3A_1546 = arith.constant 1 : i32
      %get3A_1547 = arith.index_cast %get3A_1545 : i32 to index
      %get3A_1548 = arith.index_cast %get3A_1546 : i32 to index
      %get3A_1549 = arith.constant 112 : index
      %get3A_1550 = tpu.vector_load %arg5[%get3A_1547, %get3A_1548, %get3A_1549] {strides = array<i32>} : memref<2x4x128xi32, #tpu.memory_space<vmem>>, vector<1x1x16xi32>,
      %get3A_1551 = vector.shape_cast %get3A_1550 : vector<1x1x16xi32> to vector<16xi32>
      %max3A_1552 = arith.constant -8000 : i32
      %max3A_1553 = vector.broadcast %max3A_1552 : i32 to vector<16xi32>
      %max3A_1554 = arith.maxsi %get3A_1551, %max3A_1553 : vector<16xi32>
      %min3A_1555 = arith.constant 7999 : i32
      %min3A_1556 = vector.broadcast %min3A_1555 : i32 to vector<16xi32>
      %min3A_1557 = arith.minsi %max3A_1554, %min3A_1556 : vector<16xi32>
      %add3A_1558 = arith.constant 8000 : i32
      %add3A_1559 = vector.broadcast %add3A_1558 : i32 to vector<16xi32>
      %add3A_1560 = arith.addi %min3A_1557, %add3A_1559 : vector<16xi32>
      %swap3A_1561 = arith.constant 1 : i32
      %swap3A_1562 = arith.constant 1 : i32
      %swap3A_1563 = arith.index_cast %swap3A_1561 : i32 to index
      %swap3A_1564 = arith.index_cast %swap3A_1562 : i32 to index
      %swap3A_1565 = arith.constant 112 : index
      %swap3A_1566 = tpu.vector_load %arg5[%swap3A_1563, %swap3A_1564, %swap3A_1565] {strides = array<i32>} : memref<2x4x128xi32, #tpu.memory_space<vmem>>, vector<1x1x16xi32>,
      %swap3A_1567 = vector.shape_cast %swap3A_1566 : vector<1x1x16xi32> to vector<16xi32>
      %swap3A_1568 = vector.shape_cast %add3A_1560 : vector<16xi32> to vector<1x1x16xi32>
      tpu.vector_store %arg5[%swap3A_1563, %swap3A_1564, %swap3A_1565], %swap3A_1568 {strides = array<i32>} : memref<2x4x128xi32, #tpu.memory_space<vmem>>, vector<1x1x16xi32>,
      %get3A_1569 = arith.constant 1 : i32
      %get3A_1570 = arith.constant 2 : i32
      %get3A_1571 = arith.index_cast %get3A_1569 : i32 to index
      %get3A_1572 = arith.index_cast %get3A_1570 : i32 to index
      %get3A_1573 = arith.constant 0 : index
      %get3A_1574 = tpu.vector_load %arg5[%get3A_1571, %get3A_1572, %get3A_1573] {strides = array<i32>} : memref<2x4x128xi32, #tpu.memory_space<vmem>>, vector<1x1x16xi32>,
      %get3A_1575 = vector.shape_cast %get3A_1574 : vector<1x1x16xi32> to vector<16xi32>
      %max3A_1576 = arith.constant -8000 : i32
      %max3A_1577 = vector.broadcast %max3A_1576 : i32 to vector<16xi32>
      %max3A_1578 = arith.maxsi %get3A_1575, %max3A_1577 : vector<16xi32>
      %min3A_1579 = arith.constant 7999 : i32
      %min3A_1580 = vector.broadcast %min3A_1579 : i32 to vector<16xi32>
      %min3A_1581 = arith.minsi %max3A_1578, %min3A_1580 : vector<16xi32>
      %add3A_1582 = arith.constant 8000 : i32
      %add3A_1583 = vector.broadcast %add3A_1582 : i32 to vector<16xi32>
      %add3A_1584 = arith.addi %min3A_1581, %add3A_1583 : vector<16xi32>
      %swap3A_1585 = arith.constant 1 : i32
      %swap3A_1586 = arith.constant 2 : i32
      %swap3A_1587 = arith.index_cast %swap3A_1585 : i32 to index
      %swap3A_1588 = arith.index_cast %swap3A_1586 : i32 to index
      %swap3A_1589 = arith.constant 0 : index
      %swap3A_1590 = tpu.vector_load %arg5[%swap3A_1587, %swap3A_1588, %swap3A_1589] {strides = array<i32>} : memref<2x4x128xi32, #tpu.memory_space<vmem>>, vector<1x1x16xi32>,
      %swap3A_1591 = vector.shape_cast %swap3A_1590 : vector<1x1x16xi32> to vector<16xi32>
      %swap3A_1592 = vector.shape_cast %add3A_1584 : vector<16xi32> to vector<1x1x16xi32>
      tpu.vector_store %arg5[%swap3A_1587, %swap3A_1588, %swap3A_1589], %swap3A_1592 {strides = array<i32>} : memref<2x4x128xi32, #tpu.memory_space<vmem>>, vector<1x1x16xi32>,
      %get3A_1593 = arith.constant 1 : i32
      %get3A_1594 = arith.constant 2 : i32
      %get3A_1595 = arith.index_cast %get3A_1593 : i32 to index
      %get3A_1596 = arith.index_cast %get3A_1594 : i32 to index
      %get3A_1597 = arith.constant 16 : index
      %get3A_1598 = tpu.vector_load %arg5[%get3A_1595, %get3A_1596, %get3A_1597] {strides = array<i32>} : memref<2x4x128xi32, #tpu.memory_space<vmem>>, vector<1x1x16xi32>,
      %get3A_1599 = vector.shape_cast %get3A_1598 : vector<1x1x16xi32> to vector<16xi32>
      %max3A_1600 = arith.constant -8000 : i32
      %max3A_1601 = vector.broadcast %max3A_1600 : i32 to vector<16xi32>
      %max3A_1602 = arith.maxsi %get3A_1599, %max3A_1601 : vector<16xi32>
      %min3A_1603 = arith.constant 7999 : i32
      %min3A_1604 = vector.broadcast %min3A_1603 : i32 to vector<16xi32>
      %min3A_1605 = arith.minsi %max3A_1602, %min3A_1604 : vector<16xi32>
      %add3A_1606 = arith.constant 8000 : i32
      %add3A_1607 = vector.broadcast %add3A_1606 : i32 to vector<16xi32>
      %add3A_1608 = arith.addi %min3A_1605, %add3A_1607 : vector<16xi32>
      %swap3A_1609 = arith.constant 1 : i32
      %swap3A_1610 = arith.constant 2 : i32
      %swap3A_1611 = arith.index_cast %swap3A_1609 : i32 to index
      %swap3A_1612 = arith.index_cast %swap3A_1610 : i32 to index
      %swap3A_1613 = arith.constant 16 : index
      %swap3A_1614 = tpu.vector_load %arg5[%swap3A_1611, %swap3A_1612, %swap3A_1613] {strides = array<i32>} : memref<2x4x128xi32, #tpu.memory_space<vmem>>, vector<1x1x16xi32>,
      %swap3A_1615 = vector.shape_cast %swap3A_1614 : vector<1x1x16xi32> to vector<16xi32>
      %swap3A_1616 = vector.shape_cast %add3A_1608 : vector<16xi32> to vector<1x1x16xi32>
      tpu.vector_store %arg5[%swap3A_1611, %swap3A_1612, %swap3A_1613], %swap3A_1616 {strides = array<i32>} : memref<2x4x128xi32, #tpu.memory_space<vmem>>, vector<1x1x16xi32>,
      %get3A_1617 = arith.constant 1 : i32
      %get3A_1618 = arith.constant 2 : i32
      %get3A_1619 = arith.index_cast %get3A_1617 : i32 to index
      %get3A_1620 = arith.index_cast %get3A_1618 : i32 to index
      %get3A_1621 = arith.constant 32 : index
      %get3A_1622 = tpu.vector_load %arg5[%get3A_1619, %get3A_1620, %get3A_1621] {strides = array<i32>} : memref<2x4x128xi32, #tpu.memory_space<vmem>>, vector<1x1x16xi32>,
      %get3A_1623 = vector.shape_cast %get3A_1622 : vector<1x1x16xi32> to vector<16xi32>
      %max3A_1624 = arith.constant -8000 : i32
      %max3A_1625 = vector.broadcast %max3A_1624 : i32 to vector<16xi32>
      %max3A_1626 = arith.maxsi %get3A_1623, %max3A_1625 : vector<16xi32>
      %min3A_1627 = arith.constant 7999 : i32
      %min3A_1628 = vector.broadcast %min3A_1627 : i32 to vector<16xi32>
      %min3A_1629 = arith.minsi %max3A_1626, %min3A_1628 : vector<16xi32>
      %add3A_1630 = arith.constant 8000 : i32
      %add3A_1631 = vector.broadcast %add3A_1630 : i32 to vector<16xi32>
      %add3A_1632 = arith.addi %min3A_1629, %add3A_1631 : vector<16xi32>
      %swap3A_1633 = arith.constant 1 : i32
      %swap3A_1634 = arith.constant 2 : i32
      %swap3A_1635 = arith.index_cast %swap3A_1633 : i32 to index
      %swap3A_1636 = arith.index_cast %swap3A_1634 : i32 to index
      %swap3A_1637 = arith.constant 32 : index
      %swap3A_1638 = tpu.vector_load %arg5[%swap3A_1635, %swap3A_1636, %swap3A_1637] {strides = array<i32>} : memref<2x4x128xi32, #tpu.memory_space<vmem>>, vector<1x1x16xi32>,
      %swap3A_1639 = vector.shape_cast %swap3A_1638 : vector<1x1x16xi32> to vector<16xi32>
      %swap3A_1640 = vector.shape_cast %add3A_1632 : vector<16xi32> to vector<1x1x16xi32>
      tpu.vector_store %arg5[%swap3A_1635, %swap3A_1636, %swap3A_1637], %swap3A_1640 {strides = array<i32>} : memref<2x4x128xi32, #tpu.memory_space<vmem>>, vector<1x1x16xi32>,
      %get3A_1641 = arith.constant 1 : i32
      %get3A_1642 = arith.constant 2 : i32
      %get3A_1643 = arith.index_cast %get3A_1641 : i32 to index
      %get3A_1644 = arith.index_cast %get3A_1642 : i32 to index
      %get3A_1645 = arith.constant 48 : index
      %get3A_1646 = tpu.vector_load %arg5[%get3A_1643, %get3A_1644, %get3A_1645] {strides = array<i32>} : memref<2x4x128xi32, #tpu.memory_space<vmem>>, vector<1x1x16xi32>,
      %get3A_1647 = vector.shape_cast %get3A_1646 : vector<1x1x16xi32> to vector<16xi32>
      %max3A_1648 = arith.constant -8000 : i32
      %max3A_1649 = vector.broadcast %max3A_1648 : i32 to vector<16xi32>
      %max3A_1650 = arith.maxsi %get3A_1647, %max3A_1649 : vector<16xi32>
      %min3A_1651 = arith.constant 7999 : i32
      %min3A_1652 = vector.broadcast %min3A_1651 : i32 to vector<16xi32>
      %min3A_1653 = arith.minsi %max3A_1650, %min3A_1652 : vector<16xi32>
      %add3A_1654 = arith.constant 8000 : i32
      %add3A_1655 = vector.broadcast %add3A_1654 : i32 to vector<16xi32>
      %add3A_1656 = arith.addi %min3A_1653, %add3A_1655 : vector<16xi32>
      %swap3A_1657 = arith.constant 1 : i32
      %swap3A_1658 = arith.constant 2 : i32
      %swap3A_1659 = arith.index_cast %swap3A_1657 : i32 to index
      %swap3A_1660 = arith.index_cast %swap3A_1658 : i32 to index
      %swap3A_1661 = arith.constant 48 : index
      %swap3A_1662 = tpu.vector_load %arg5[%swap3A_1659, %swap3A_1660, %swap3A_1661] {strides = array<i32>} : memref<2x4x128xi32, #tpu.memory_space<vmem>>, vector<1x1x16xi32>,
      %swap3A_1663 = vector.shape_cast %swap3A_1662 : vector<1x1x16xi32> to vector<16xi32>
      %swap3A_1664 = vector.shape_cast %add3A_1656 : vector<16xi32> to vector<1x1x16xi32>
      tpu.vector_store %arg5[%swap3A_1659, %swap3A_1660, %swap3A_1661], %swap3A_1664 {strides = array<i32>} : memref<2x4x128xi32, #tpu.memory_space<vmem>>, vector<1x1x16xi32>,
      %get3A_1665 = arith.constant 1 : i32
      %get3A_1666 = arith.constant 2 : i32
      %get3A_1667 = arith.index_cast %get3A_1665 : i32 to index
      %get3A_1668 = arith.index_cast %get3A_1666 : i32 to index
      %get3A_1669 = arith.constant 64 : index
      %get3A_1670 = tpu.vector_load %arg5[%get3A_1667, %get3A_1668, %get3A_1669] {strides = array<i32>} : memref<2x4x128xi32, #tpu.memory_space<vmem>>, vector<1x1x16xi32>,
      %get3A_1671 = vector.shape_cast %get3A_1670 : vector<1x1x16xi32> to vector<16xi32>
      %max3A_1672 = arith.constant -8000 : i32
      %max3A_1673 = vector.broadcast %max3A_1672 : i32 to vector<16xi32>
      %max3A_1674 = arith.maxsi %get3A_1671, %max3A_1673 : vector<16xi32>
      %min3A_1675 = arith.constant 7999 : i32
      %min3A_1676 = vector.broadcast %min3A_1675 : i32 to vector<16xi32>
      %min3A_1677 = arith.minsi %max3A_1674, %min3A_1676 : vector<16xi32>
      %add3A_1678 = arith.constant 8000 : i32
      %add3A_1679 = vector.broadcast %add3A_1678 : i32 to vector<16xi32>
      %add3A_1680 = arith.addi %min3A_1677, %add3A_1679 : vector<16xi32>
      %swap3A_1681 = arith.constant 1 : i32
      %swap3A_1682 = arith.constant 2 : i32
      %swap3A_1683 = arith.index_cast %swap3A_1681 : i32 to index
      %swap3A_1684 = arith.index_cast %swap3A_1682 : i32 to index
      %swap3A_1685 = arith.constant 64 : index
      %swap3A_1686 = tpu.vector_load %arg5[%swap3A_1683, %swap3A_1684, %swap3A_1685] {strides = array<i32>} : memref<2x4x128xi32, #tpu.memory_space<vmem>>, vector<1x1x16xi32>,
      %swap3A_1687 = vector.shape_cast %swap3A_1686 : vector<1x1x16xi32> to vector<16xi32>
      %swap3A_1688 = vector.shape_cast %add3A_1680 : vector<16xi32> to vector<1x1x16xi32>
      tpu.vector_store %arg5[%swap3A_1683, %swap3A_1684, %swap3A_1685], %swap3A_1688 {strides = array<i32>} : memref<2x4x128xi32, #tpu.memory_space<vmem>>, vector<1x1x16xi32>,
      %get3A_1689 = arith.constant 1 : i32
      %get3A_1690 = arith.constant 2 : i32
      %get3A_1691 = arith.index_cast %get3A_1689 : i32 to index
      %get3A_1692 = arith.index_cast %get3A_1690 : i32 to index
      %get3A_1693 = arith.constant 80 : index
      %get3A_1694 = tpu.vector_load %arg5[%get3A_1691, %get3A_1692, %get3A_1693] {strides = array<i32>} : memref<2x4x128xi32, #tpu.memory_space<vmem>>, vector<1x1x16xi32>,
      %get3A_1695 = vector.shape_cast %get3A_1694 : vector<1x1x16xi32> to vector<16xi32>
      %max3A_1696 = arith.constant -8000 : i32
      %max3A_1697 = vector.broadcast %max3A_1696 : i32 to vector<16xi32>
      %max3A_1698 = arith.maxsi %get3A_1695, %max3A_1697 : vector<16xi32>
      %min3A_1699 = arith.constant 7999 : i32
      %min3A_1700 = vector.broadcast %min3A_1699 : i32 to vector<16xi32>
      %min3A_1701 = arith.minsi %max3A_1698, %min3A_1700 : vector<16xi32>
      %add3A_1702 = arith.constant 8000 : i32
      %add3A_1703 = vector.broadcast %add3A_1702 : i32 to vector<16xi32>
      %add3A_1704 = arith.addi %min3A_1701, %add3A_1703 : vector<16xi32>
      %swap3A_1705 = arith.constant 1 : i32
      %swap3A_1706 = arith.constant 2 : i32
      %swap3A_1707 = arith.index_cast %swap3A_1705 : i32 to index
      %swap3A_1708 = arith.index_cast %swap3A_1706 : i32 to index
      %swap3A_1709 = arith.constant 80 : index
      %swap3A_1710 = tpu.vector_load %arg5[%swap3A_1707, %swap3A_1708, %swap3A_1709] {strides = array<i32>} : memref<2x4x128xi32, #tpu.memory_space<vmem>>, vector<1x1x16xi32>,
      %swap3A_1711 = vector.shape_cast %swap3A_1710 : vector<1x1x16xi32> to vector<16xi32>
      %swap3A_1712 = vector.shape_cast %add3A_1704 : vector<16xi32> to vector<1x1x16xi32>
      tpu.vector_store %arg5[%swap3A_1707, %swap3A_1708, %swap3A_1709], %swap3A_1712 {strides = array<i32>} : memref<2x4x128xi32, #tpu.memory_space<vmem>>, vector<1x1x16xi32>,
      %get3A_1713 = arith.constant 1 : i32
      %get3A_1714 = arith.constant 2 : i32
      %get3A_1715 = arith.index_cast %get3A_1713 : i32 to index
      %get3A_1716 = arith.index_cast %get3A_1714 : i32 to index
      %get3A_1717 = arith.constant 96 : index
      %get3A_1718 = tpu.vector_load %arg5[%get3A_1715, %get3A_1716, %get3A_1717] {strides = array<i32>} : memref<2x4x128xi32, #tpu.memory_space<vmem>>, vector<1x1x16xi32>,
      %get3A_1719 = vector.shape_cast %get3A_1718 : vector<1x1x16xi32> to vector<16xi32>
      %max3A_1720 = arith.constant -8000 : i32
      %max3A_1721 = vector.broadcast %max3A_1720 : i32 to vector<16xi32>
      %max3A_1722 = arith.maxsi %get3A_1719, %max3A_1721 : vector<16xi32>
      %min3A_1723 = arith.constant 7999 : i32
      %min3A_1724 = vector.broadcast %min3A_1723 : i32 to vector<16xi32>
      %min3A_1725 = arith.minsi %max3A_1722, %min3A_1724 : vector<16xi32>
      %add3A_1726 = arith.constant 8000 : i32
      %add3A_1727 = vector.broadcast %add3A_1726 : i32 to vector<16xi32>
      %add3A_1728 = arith.addi %min3A_1725, %add3A_1727 : vector<16xi32>
      %swap3A_1729 = arith.constant 1 : i32
      %swap3A_1730 = arith.constant 2 : i32
      %swap3A_1731 = arith.index_cast %swap3A_1729 : i32 to index
      %swap3A_1732 = arith.index_cast %swap3A_1730 : i32 to index
      %swap3A_1733 = arith.constant 96 : index
      %swap3A_1734 = tpu.vector_load %arg5[%swap3A_1731, %swap3A_1732, %swap3A_1733] {strides = array<i32>} : memref<2x4x128xi32, #tpu.memory_space<vmem>>, vector<1x1x16xi32>,
      %swap3A_1735 = vector.shape_cast %swap3A_1734 : vector<1x1x16xi32> to vector<16xi32>
      %swap3A_1736 = vector.shape_cast %add3A_1728 : vector<16xi32> to vector<1x1x16xi32>
      tpu.vector_store %arg5[%swap3A_1731, %swap3A_1732, %swap3A_1733], %swap3A_1736 {strides = array<i32>} : memref<2x4x128xi32, #tpu.memory_space<vmem>>, vector<1x1x16xi32>,
      %get3A_1737 = arith.constant 1 : i32
      %get3A_1738 = arith.constant 2 : i32
      %get3A_1739 = arith.index_cast %get3A_1737 : i32 to index
      %get3A_1740 = arith.index_cast %get3A_1738 : i32 to index
      %get3A_1741 = arith.constant 112 : index
      %get3A_1742 = tpu.vector_load %arg5[%get3A_1739, %get3A_1740, %get3A_1741] {strides = array<i32>} : memref<2x4x128xi32, #tpu.memory_space<vmem>>, vector<1x1x16xi32>,
      %get3A_1743 = vector.shape_cast %get3A_1742 : vector<1x1x16xi32> to vector<16xi32>
      %max3A_1744 = arith.constant -8000 : i32
      %max3A_1745 = vector.broadcast %max3A_1744 : i32 to vector<16xi32>
      %max3A_1746 = arith.maxsi %get3A_1743, %max3A_1745 : vector<16xi32>
      %min3A_1747 = arith.constant 7999 : i32
      %min3A_1748 = vector.broadcast %min3A_1747 : i32 to vector<16xi32>
      %min3A_1749 = arith.minsi %max3A_1746, %min3A_1748 : vector<16xi32>
      %add3A_1750 = arith.constant 8000 : i32
      %add3A_1751 = vector.broadcast %add3A_1750 : i32 to vector<16xi32>
      %add3A_1752 = arith.addi %min3A_1749, %add3A_1751 : vector<16xi32>
      %swap3A_1753 = arith.constant 1 : i32
      %swap3A_1754 = arith.constant 2 : i32
      %swap3A_1755 = arith.index_cast %swap3A_1753 : i32 to index
      %swap3A_1756 = arith.index_cast %swap3A_1754 : i32 to index
      %swap3A_1757 = arith.constant 112 : index
      %swap3A_1758 = tpu.vector_load %arg5[%swap3A_1755, %swap3A_1756, %swap3A_1757] {strides = array<i32>} : memref<2x4x128xi32, #tpu.memory_space<vmem>>, vector<1x1x16xi32>,
      %swap3A_1759 = vector.shape_cast %swap3A_1758 : vector<1x1x16xi32> to vector<16xi32>
      %swap3A_1760 = vector.shape_cast %add3A_1752 : vector<16xi32> to vector<1x1x16xi32>
      tpu.vector_store %arg5[%swap3A_1755, %swap3A_1756, %swap3A_1757], %swap3A_1760 {strides = array<i32>} : memref<2x4x128xi32, #tpu.memory_space<vmem>>, vector<1x1x16xi32>,
      %get3A_1761 = arith.constant 1 : i32
      %get3A_1762 = arith.constant 3 : i32
      %get3A_1763 = arith.index_cast %get3A_1761 : i32 to index
      %get3A_1764 = arith.index_cast %get3A_1762 : i32 to index
      %get3A_1765 = arith.constant 0 : index
      %get3A_1766 = tpu.vector_load %arg5[%get3A_1763, %get3A_1764, %get3A_1765] {strides = array<i32>} : memref<2x4x128xi32, #tpu.memory_space<vmem>>, vector<1x1x16xi32>,
      %get3A_1767 = vector.shape_cast %get3A_1766 : vector<1x1x16xi32> to vector<16xi32>
      %max3A_1768 = arith.constant -8000 : i32
      %max3A_1769 = vector.broadcast %max3A_1768 : i32 to vector<16xi32>
      %max3A_1770 = arith.maxsi %get3A_1767, %max3A_1769 : vector<16xi32>
      %min3A_1771 = arith.constant 7999 : i32
      %min3A_1772 = vector.broadcast %min3A_1771 : i32 to vector<16xi32>
      %min3A_1773 = arith.minsi %max3A_1770, %min3A_1772 : vector<16xi32>
      %add3A_1774 = arith.constant 8000 : i32
      %add3A_1775 = vector.broadcast %add3A_1774 : i32 to vector<16xi32>
      %add3A_1776 = arith.addi %min3A_1773, %add3A_1775 : vector<16xi32>
      %swap3A_1777 = arith.constant 1 : i32
      %swap3A_1778 = arith.constant 3 : i32
      %swap3A_1779 = arith.index_cast %swap3A_1777 : i32 to index
      %swap3A_1780 = arith.index_cast %swap3A_1778 : i32 to index
      %swap3A_1781 = arith.constant 0 : index
      %swap3A_1782 = tpu.vector_load %arg5[%swap3A_1779, %swap3A_1780, %swap3A_1781] {strides = array<i32>} : memref<2x4x128xi32, #tpu.memory_space<vmem>>, vector<1x1x16xi32>,
      %swap3A_1783 = vector.shape_cast %swap3A_1782 : vector<1x1x16xi32> to vector<16xi32>
      %swap3A_1784 = vector.shape_cast %add3A_1776 : vector<16xi32> to vector<1x1x16xi32>
      tpu.vector_store %arg5[%swap3A_1779, %swap3A_1780, %swap3A_1781], %swap3A_1784 {strides = array<i32>} : memref<2x4x128xi32, #tpu.memory_space<vmem>>, vector<1x1x16xi32>,
      %get3A_1785 = arith.constant 1 : i32
      %get3A_1786 = arith.constant 3 : i32
      %get3A_1787 = arith.index_cast %get3A_1785 : i32 to index
      %get3A_1788 = arith.index_cast %get3A_1786 : i32 to index
      %get3A_1789 = arith.constant 16 : index
      %get3A_1790 = tpu.vector_load %arg5[%get3A_1787, %get3A_1788, %get3A_1789] {strides = array<i32>} : memref<2x4x128xi32, #tpu.memory_space<vmem>>, vector<1x1x16xi32>,
      %get3A_1791 = vector.shape_cast %get3A_1790 : vector<1x1x16xi32> to vector<16xi32>
      %max3A_1792 = arith.constant -8000 : i32
      %max3A_1793 = vector.broadcast %max3A_1792 : i32 to vector<16xi32>
      %max3A_1794 = arith.maxsi %get3A_1791, %max3A_1793 : vector<16xi32>
      %min3A_1795 = arith.constant 7999 : i32
      %min3A_1796 = vector.broadcast %min3A_1795 : i32 to vector<16xi32>
      %min3A_1797 = arith.minsi %max3A_1794, %min3A_1796 : vector<16xi32>
      %add3A_1798 = arith.constant 8000 : i32
      %add3A_1799 = vector.broadcast %add3A_1798 : i32 to vector<16xi32>
      %add3A_1800 = arith.addi %min3A_1797, %add3A_1799 : vector<16xi32>
      %swap3A_1801 = arith.constant 1 : i32
      %swap3A_1802 = arith.constant 3 : i32
      %swap3A_1803 = arith.index_cast %swap3A_1801 : i32 to index
      %swap3A_1804 = arith.index_cast %swap3A_1802 : i32 to index
      %swap3A_1805 = arith.constant 16 : index
      %swap3A_1806 = tpu.vector_load %arg5[%swap3A_1803, %swap3A_1804, %swap3A_1805] {strides = array<i32>} : memref<2x4x128xi32, #tpu.memory_space<vmem>>, vector<1x1x16xi32>,
      %swap3A_1807 = vector.shape_cast %swap3A_1806 : vector<1x1x16xi32> to vector<16xi32>
      %swap3A_1808 = vector.shape_cast %add3A_1800 : vector<16xi32> to vector<1x1x16xi32>
      tpu.vector_store %arg5[%swap3A_1803, %swap3A_1804, %swap3A_1805], %swap3A_1808 {strides = array<i32>} : memref<2x4x128xi32, #tpu.memory_space<vmem>>, vector<1x1x16xi32>,
      %get3A_1809 = arith.constant 1 : i32
      %get3A_1810 = arith.constant 3 : i32
      %get3A_1811 = arith.index_cast %get3A_1809 : i32 to index
      %get3A_1812 = arith.index_cast %get3A_1810 : i32 to index
      %get3A_1813 = arith.constant 32 : index
      %get3A_1814 = tpu.vector_load %arg5[%get3A_1811, %get3A_1812, %get3A_1813] {strides = array<i32>} : memref<2x4x128xi32, #tpu.memory_space<vmem>>, vector<1x1x16xi32>,
      %get3A_1815 = vector.shape_cast %get3A_1814 : vector<1x1x16xi32> to vector<16xi32>
      %max3A_1816 = arith.constant -8000 : i32
      %max3A_1817 = vector.broadcast %max3A_1816 : i32 to vector<16xi32>
      %max3A_1818 = arith.maxsi %get3A_1815, %max3A_1817 : vector<16xi32>
      %min3A_1819 = arith.constant 7999 : i32
      %min3A_1820 = vector.broadcast %min3A_1819 : i32 to vector<16xi32>
      %min3A_1821 = arith.minsi %max3A_1818, %min3A_1820 : vector<16xi32>
      %add3A_1822 = arith.constant 8000 : i32
      %add3A_1823 = vector.broadcast %add3A_1822 : i32 to vector<16xi32>
      %add3A_1824 = arith.addi %min3A_1821, %add3A_1823 : vector<16xi32>
      %swap3A_1825 = arith.constant 1 : i32
      %swap3A_1826 = arith.constant 3 : i32
      %swap3A_1827 = arith.index_cast %swap3A_1825 : i32 to index
      %swap3A_1828 = arith.index_cast %swap3A_1826 : i32 to index
      %swap3A_1829 = arith.constant 32 : index
      %swap3A_1830 = tpu.vector_load %arg5[%swap3A_1827, %swap3A_1828, %swap3A_1829] {strides = array<i32>} : memref<2x4x128xi32, #tpu.memory_space<vmem>>, vector<1x1x16xi32>,
      %swap3A_1831 = vector.shape_cast %swap3A_1830 : vector<1x1x16xi32> to vector<16xi32>
      %swap3A_1832 = vector.shape_cast %add3A_1824 : vector<16xi32> to vector<1x1x16xi32>
      tpu.vector_store %arg5[%swap3A_1827, %swap3A_1828, %swap3A_1829], %swap3A_1832 {strides = array<i32>} : memref<2x4x128xi32, #tpu.memory_space<vmem>>, vector<1x1x16xi32>,
      %get3A_1833 = arith.constant 1 : i32
      %get3A_1834 = arith.constant 3 : i32
      %get3A_1835 = arith.index_cast %get3A_1833 : i32 to index
      %get3A_1836 = arith.index_cast %get3A_1834 : i32 to index
      %get3A_1837 = arith.constant 48 : index
      %get3A_1838 = tpu.vector_load %arg5[%get3A_1835, %get3A_1836, %get3A_1837] {strides = array<i32>} : memref<2x4x128xi32, #tpu.memory_space<vmem>>, vector<1x1x16xi32>,
      %get3A_1839 = vector.shape_cast %get3A_1838 : vector<1x1x16xi32> to vector<16xi32>
      %max3A_1840 = arith.constant -8000 : i32
      %max3A_1841 = vector.broadcast %max3A_1840 : i32 to vector<16xi32>
      %max3A_1842 = arith.maxsi %get3A_1839, %max3A_1841 : vector<16xi32>
      %min3A_1843 = arith.constant 7999 : i32
      %min3A_1844 = vector.broadcast %min3A_1843 : i32 to vector<16xi32>
      %min3A_1845 = arith.minsi %max3A_1842, %min3A_1844 : vector<16xi32>
      %add3A_1846 = arith.constant 8000 : i32
      %add3A_1847 = vector.broadcast %add3A_1846 : i32 to vector<16xi32>
      %add3A_1848 = arith.addi %min3A_1845, %add3A_1847 : vector<16xi32>
      %swap3A_1849 = arith.constant 1 : i32
      %swap3A_1850 = arith.constant 3 : i32
      %swap3A_1851 = arith.index_cast %swap3A_1849 : i32 to index
      %swap3A_1852 = arith.index_cast %swap3A_1850 : i32 to index
      %swap3A_1853 = arith.constant 48 : index
      %swap3A_1854 = tpu.vector_load %arg5[%swap3A_1851, %swap3A_1852, %swap3A_1853] {strides = array<i32>} : memref<2x4x128xi32, #tpu.memory_space<vmem>>, vector<1x1x16xi32>,
      %swap3A_1855 = vector.shape_cast %swap3A_1854 : vector<1x1x16xi32> to vector<16xi32>
      %swap3A_1856 = vector.shape_cast %add3A_1848 : vector<16xi32> to vector<1x1x16xi32>
      tpu.vector_store %arg5[%swap3A_1851, %swap3A_1852, %swap3A_1853], %swap3A_1856 {strides = array<i32>} : memref<2x4x128xi32, #tpu.memory_space<vmem>>, vector<1x1x16xi32>,
      %get3A_1857 = arith.constant 1 : i32
      %get3A_1858 = arith.constant 3 : i32
      %get3A_1859 = arith.index_cast %get3A_1857 : i32 to index
      %get3A_1860 = arith.index_cast %get3A_1858 : i32 to index
      %get3A_1861 = arith.constant 64 : index
      %get3A_1862 = tpu.vector_load %arg5[%get3A_1859, %get3A_1860, %get3A_1861] {strides = array<i32>} : memref<2x4x128xi32, #tpu.memory_space<vmem>>, vector<1x1x16xi32>,
      %get3A_1863 = vector.shape_cast %get3A_1862 : vector<1x1x16xi32> to vector<16xi32>
      %max3A_1864 = arith.constant -8000 : i32
      %max3A_1865 = vector.broadcast %max3A_1864 : i32 to vector<16xi32>
      %max3A_1866 = arith.maxsi %get3A_1863, %max3A_1865 : vector<16xi32>
      %min3A_1867 = arith.constant 7999 : i32
      %min3A_1868 = vector.broadcast %min3A_1867 : i32 to vector<16xi32>
      %min3A_1869 = arith.minsi %max3A_1866, %min3A_1868 : vector<16xi32>
      %add3A_1870 = arith.constant 8000 : i32
      %add3A_1871 = vector.broadcast %add3A_1870 : i32 to vector<16xi32>
      %add3A_1872 = arith.addi %min3A_1869, %add3A_1871 : vector<16xi32>
      %swap3A_1873 = arith.constant 1 : i32
      %swap3A_1874 = arith.constant 3 : i32
      %swap3A_1875 = arith.index_cast %swap3A_1873 : i32 to index
      %swap3A_1876 = arith.index_cast %swap3A_1874 : i32 to index
      %swap3A_1877 = arith.constant 64 : index
      %swap3A_1878 = tpu.vector_load %arg5[%swap3A_1875, %swap3A_1876, %swap3A_1877] {strides = array<i32>} : memref<2x4x128xi32, #tpu.memory_space<vmem>>, vector<1x1x16xi32>,
      %swap3A_1879 = vector.shape_cast %swap3A_1878 : vector<1x1x16xi32> to vector<16xi32>
      %swap3A_1880 = vector.shape_cast %add3A_1872 : vector<16xi32> to vector<1x1x16xi32>
      tpu.vector_store %arg5[%swap3A_1875, %swap3A_1876, %swap3A_1877], %swap3A_1880 {strides = array<i32>} : memref<2x4x128xi32, #tpu.memory_space<vmem>>, vector<1x1x16xi32>,
      %get3A_1881 = arith.constant 1 : i32
      %get3A_1882 = arith.constant 3 : i32
      %get3A_1883 = arith.index_cast %get3A_1881 : i32 to index
      %get3A_1884 = arith.index_cast %get3A_1882 : i32 to index
      %get3A_1885 = arith.constant 80 : index
      %get3A_1886 = tpu.vector_load %arg5[%get3A_1883, %get3A_1884, %get3A_1885] {strides = array<i32>} : memref<2x4x128xi32, #tpu.memory_space<vmem>>, vector<1x1x16xi32>,
      %get3A_1887 = vector.shape_cast %get3A_1886 : vector<1x1x16xi32> to vector<16xi32>
      %max3A_1888 = arith.constant -8000 : i32
      %max3A_1889 = vector.broadcast %max3A_1888 : i32 to vector<16xi32>
      %max3A_1890 = arith.maxsi %get3A_1887, %max3A_1889 : vector<16xi32>
      %min3A_1891 = arith.constant 7999 : i32
      %min3A_1892 = vector.broadcast %min3A_1891 : i32 to vector<16xi32>
      %min3A_1893 = arith.minsi %max3A_1890, %min3A_1892 : vector<16xi32>
      %add3A_1894 = arith.constant 8000 : i32
      %add3A_1895 = vector.broadcast %add3A_1894 : i32 to vector<16xi32>
      %add3A_1896 = arith.addi %min3A_1893, %add3A_1895 : vector<16xi32>
      %swap3A_1897 = arith.constant 1 : i32
      %swap3A_1898 = arith.constant 3 : i32
      %swap3A_1899 = arith.index_cast %swap3A_1897 : i32 to index
      %swap3A_1900 = arith.index_cast %swap3A_1898 : i32 to index
      %swap3A_1901 = arith.constant 80 : index
      %swap3A_1902 = tpu.vector_load %arg5[%swap3A_1899, %swap3A_1900, %swap3A_1901] {strides = array<i32>} : memref<2x4x128xi32, #tpu.memory_space<vmem>>, vector<1x1x16xi32>,
      %swap3A_1903 = vector.shape_cast %swap3A_1902 : vector<1x1x16xi32> to vector<16xi32>
      %swap3A_1904 = vector.shape_cast %add3A_1896 : vector<16xi32> to vector<1x1x16xi32>
      tpu.vector_store %arg5[%swap3A_1899, %swap3A_1900, %swap3A_1901], %swap3A_1904 {strides = array<i32>} : memref<2x4x128xi32, #tpu.memory_space<vmem>>, vector<1x1x16xi32>,
      %get3A_1905 = arith.constant 1 : i32
      %get3A_1906 = arith.constant 3 : i32
      %get3A_1907 = arith.index_cast %get3A_1905 : i32 to index
      %get3A_1908 = arith.index_cast %get3A_1906 : i32 to index
      %get3A_1909 = arith.constant 96 : index
      %get3A_1910 = tpu.vector_load %arg5[%get3A_1907, %get3A_1908, %get3A_1909] {strides = array<i32>} : memref<2x4x128xi32, #tpu.memory_space<vmem>>, vector<1x1x16xi32>,
      %get3A_1911 = vector.shape_cast %get3A_1910 : vector<1x1x16xi32> to vector<16xi32>
      %max3A_1912 = arith.constant -8000 : i32
      %max3A_1913 = vector.broadcast %max3A_1912 : i32 to vector<16xi32>
      %max3A_1914 = arith.maxsi %get3A_1911, %max3A_1913 : vector<16xi32>
      %min3A_1915 = arith.constant 7999 : i32
      %min3A_1916 = vector.broadcast %min3A_1915 : i32 to vector<16xi32>
      %min3A_1917 = arith.minsi %max3A_1914, %min3A_1916 : vector<16xi32>
      %add3A_1918 = arith.constant 8000 : i32
      %add3A_1919 = vector.broadcast %add3A_1918 : i32 to vector<16xi32>
      %add3A_1920 = arith.addi %min3A_1917, %add3A_1919 : vector<16xi32>
      %swap3A_1921 = arith.constant 1 : i32
      %swap3A_1922 = arith.constant 3 : i32
      %swap3A_1923 = arith.index_cast %swap3A_1921 : i32 to index
      %swap3A_1924 = arith.index_cast %swap3A_1922 : i32 to index
      %swap3A_1925 = arith.constant 96 : index
      %swap3A_1926 = tpu.vector_load %arg5[%swap3A_1923, %swap3A_1924, %swap3A_1925] {strides = array<i32>} : memref<2x4x128xi32, #tpu.memory_space<vmem>>, vector<1x1x16xi32>,
      %swap3A_1927 = vector.shape_cast %swap3A_1926 : vector<1x1x16xi32> to vector<16xi32>
      %swap3A_1928 = vector.shape_cast %add3A_1920 : vector<16xi32> to vector<1x1x16xi32>
      tpu.vector_store %arg5[%swap3A_1923, %swap3A_1924, %swap3A_1925], %swap3A_1928 {strides = array<i32>} : memref<2x4x128xi32, #tpu.memory_space<vmem>>, vector<1x1x16xi32>,
      %get3A_1929 = arith.constant 1 : i32
      %get3A_1930 = arith.constant 3 : i32
      %get3A_1931 = arith.index_cast %get3A_1929 : i32 to index
      %get3A_1932 = arith.index_cast %get3A_1930 : i32 to index
      %get3A_1933 = arith.constant 112 : index
      %get3A_1934 = tpu.vector_load %arg5[%get3A_1931, %get3A_1932, %get3A_1933] {strides = array<i32>} : memref<2x4x128xi32, #tpu.memory_space<vmem>>, vector<1x1x16xi32>,
      %get3A_1935 = vector.shape_cast %get3A_1934 : vector<1x1x16xi32> to vector<16xi32>
      %max3A_1936 = arith.constant -8000 : i32
      %max3A_1937 = vector.broadcast %max3A_1936 : i32 to vector<16xi32>
      %max3A_1938 = arith.maxsi %get3A_1935, %max3A_1937 : vector<16xi32>
      %min3A_1939 = arith.constant 7999 : i32
      %min3A_1940 = vector.broadcast %min3A_1939 : i32 to vector<16xi32>
      %min3A_1941 = arith.minsi %max3A_1938, %min3A_1940 : vector<16xi32>
      %add3A_1942 = arith.constant 8000 : i32
      %add3A_1943 = vector.broadcast %add3A_1942 : i32 to vector<16xi32>
      %add3A_1944 = arith.addi %min3A_1941, %add3A_1943 : vector<16xi32>
      %swap3A_1945 = arith.constant 1 : i32
      %swap3A_1946 = arith.constant 3 : i32
      %swap3A_1947 = arith.index_cast %swap3A_1945 : i32 to index
      %swap3A_1948 = arith.index_cast %swap3A_1946 : i32 to index
      %swap3A_1949 = arith.constant 112 : index
      %swap3A_1950 = tpu.vector_load %arg5[%swap3A_1947, %swap3A_1948, %swap3A_1949] {strides = array<i32>} : memref<2x4x128xi32, #tpu.memory_space<vmem>>, vector<1x1x16xi32>,
      %swap3A_1951 = vector.shape_cast %swap3A_1950 : vector<1x1x16xi32> to vector<16xi32>
      %swap3A_1952 = vector.shape_cast %add3A_1944 : vector<16xi32> to vector<1x1x16xi32>
      tpu.vector_store %arg5[%swap3A_1947, %swap3A_1948, %swap3A_1949], %swap3A_1952 {strides = array<i32>} : memref<2x4x128xi32, #tpu.memory_space<vmem>>, vector<1x1x16xi32>,
      %mul3A_1953 = arith.constant 2 : i32
      %mul3A_1954 = arith.muli %add3A_1162, %mul3A_1953 : i32
      %add3A_1955 = arith.constant 0 : i32
      %add3A_1956 = arith.addi %mul3A_1954, %add3A_1955 : i32
      %gt3A_1957 = arith.constant 0 : i32
      %gt3A_1958 = arith.cmpi sgt, %add3A_1162, %gt3A_1957 : i32
      %convert_element_type3A_1959 = arith.extui %gt3A_1958 : i1 to i32
      %cond3A_1960 = arith.constant 0 : i32
      %cond3A_1961 = arith.cmpi ne, %convert_element_type3A_1959, %cond3A_1960 : i32
      scf.if %cond3A_1961 {
        %mul3A_2199 = arith.constant 256 : i32
        %mul3A_2200 = arith.muli %add3A_1956, %mul3A_2199 : i32
        %add3A_2201 = arith.addi %mul3A_4, %mul3A_2200 : i32
        %jit3A_2202 = arith.constant 2048 : i32
        %div3A_2203 = arith.divsi %add3A_2201, %jit3A_2202 : i32
        %sign3A_2204 = arith.constant 0 : i32
        %sign3A_2205 = arith.cmpi sgt, %add3A_2201, %sign3A_2204 : i32
        %sign3A_2206 = arith.extui %sign3A_2205 : i1 to i32
        %sign3A_2207 = arith.constant 0 : i32
        %sign3A_2208 = arith.cmpi slt, %add3A_2201, %sign3A_2207 : i32
        %sign3A_2209 = arith.extui %sign3A_2208 : i1 to i32
        %sign3A_2210 = arith.subi %sign3A_2206, %sign3A_2209 : i32
        %sign3A_2211 = arith.constant 0 : i32
        %sign3A_2212 = arith.cmpi sgt, %jit3A_2202, %sign3A_2211 : i32
        %sign3A_2213 = arith.extui %sign3A_2212 : i1 to i32
        %sign3A_2214 = arith.constant 0 : i32
        %sign3A_2215 = arith.cmpi slt, %jit3A_2202, %sign3A_2214 : i32
        %sign3A_2216 = arith.extui %sign3A_2215 : i1 to i32
        %sign3A_2217 = arith.subi %sign3A_2213, %sign3A_2216 : i32
        %ne3A_2218 = arith.cmpi ne, %sign3A_2210, %sign3A_2217 : i32
        %rem3A_2219 = arith.remsi %add3A_2201, %jit3A_2202 : i32
        %ne3A_2220 = arith.constant 0 : i32
        %ne3A_2221 = arith.cmpi ne, %rem3A_2219, %ne3A_2220 : i32
        %and3A_2222 = arith.andi %ne3A_2218, %ne3A_2221 : i1
        %sub3A_2223 = arith.constant 1 : i32
        %sub3A_2224 = arith.subi %div3A_2203, %sub3A_2223 : i32
        %select_n3A_2225 = arith.select %and3A_2222, %sub3A_2224, %div3A_2203 : i32
        %jit3A_2226 = arith.constant 2048 : i32
        %eq3A_2227 = arith.constant 0 : i32
        %eq3A_2228 = arith.cmpi eq, %jit3A_2226, %eq3A_2227 : i32
        %jit3A_2229 = arith.constant 1 : i32
        %select_n3A_2230 = arith.select %eq3A_2228, %jit3A_2229, %jit3A_2226 : i32
        %rem3A_2231 = arith.remsi %add3A_2201, %select_n3A_2230 : i32
        %ne3A_2232 = arith.constant 0 : i32
        %ne3A_2233 = arith.cmpi ne, %rem3A_2231, %ne3A_2232 : i32
        %lt3A_2234 = arith.constant 0 : i32
        %lt3A_2235 = arith.cmpi slt, %rem3A_2231, %lt3A_2234 : i32
        %lt3A_2236 = arith.constant 0 : i32
        %lt3A_2237 = arith.cmpi slt, %select_n3A_2230, %lt3A_2236 : i32
        %ne3A_2238 = arith.xori %lt3A_2235, %lt3A_2237 : i1
        %and3A_2239 = arith.andi %ne3A_2238, %ne3A_2233 : i1
        %add3A_2240 = arith.addi %rem3A_2231, %select_n3A_2230 : i32
        %select_n3A_2241 = arith.select %and3A_2239, %add3A_2240, %rem3A_2231 : i32
        %dma_wait3A_2242 = arith.constant 0 : i32
        %dma_wait3A_2243 = arith.constant 0 : i32
        %dma_wait3A_2244 = arith.constant 0 : i32
        %dma_wait3A_2245 = tpu.memref_slice %arg6[%dma_wait3A_2242, %dma_wait3A_2243, %dma_wait3A_2244] : memref<2x256x128xf32, #tpu.memory_space<vmem>> -> memref<1x256x128xf32, #tpu.memory_space<vmem>>
        %dma_wait3A_2246 = tpu.memref_squeeze %dma_wait3A_2245 : memref<1x256x128xf32, #tpu.memory_space<vmem>> -> memref<256x128xf32, #tpu.memory_space<vmem>>
        %dma_wait3A_2247 = arith.constant 0 : i32
        %dma_wait3A_2248 = tpu.memref_slice %arg4[%select_n3A_2225, %select_n3A_2241, %dma_wait3A_2247] : memref<2048x2048x128xf32, #tpu.memory_space<hbm>> -> memref<1x256x128xf32, #tpu.memory_space<hbm>>
        %dma_wait3A_2249 = tpu.memref_squeeze %dma_wait3A_2248 : memref<1x256x128xf32, #tpu.memory_space<hbm>> -> memref<256x128xf32, #tpu.memory_space<hbm>>
        %dma_wait3A_2250 = arith.constant 0 : i32
        %dma_wait3A_2251 = tpu.memref_slice %arg4[%select_n3A_2225, %select_n3A_2241, %dma_wait3A_2250] : memref<2048x2048x128xf32, #tpu.memory_space<hbm>> -> memref<1x256x128xf32, #tpu.memory_space<hbm>>
        %dma_wait3A_2252 = tpu.memref_squeeze %dma_wait3A_2251 : memref<1x256x128xf32, #tpu.memory_space<hbm>> -> memref<256x128xf32, #tpu.memory_space<hbm>>
        %dma_wait3A_2253 = arith.constant 0 : i32
        %dma_wait3A_2254 = arith.constant 0 : i32
        %dma_wait3A_2255 = tpu.memref_slice %arg6[%dma_wait3A_2242, %dma_wait3A_2253, %dma_wait3A_2254] : memref<2x256x128xf32, #tpu.memory_space<vmem>> -> memref<1x256x128xf32, #tpu.memory_space<vmem>>
        %dma_wait3A_2256 = tpu.memref_squeeze %dma_wait3A_2255 : memref<1x256x128xf32, #tpu.memory_space<vmem>> -> memref<256x128xf32, #tpu.memory_space<vmem>>
        tpu.wait_dma2 semaphore(%arg11 : memref<!tpu.dma_semaphore, #tpu.memory_space<semaphore_mem>>) src(%dma_wait3A_2256 : memref<256x128xf32, #tpu.memory_space<vmem>>) dst(%dma_wait3A_2252 : memref<256x128xf32, #tpu.memory_space<hbm>>)
      } else {
      }
      %dma_start3A_1962 = arith.constant 1 : i32
      %dma_start3A_1963 = arith.constant 0 : i32
      %dma_start3A_1964 = arith.constant 0 : i32
      %dma_start3A_1965 = arith.constant 0 : i32
      %dma_start3A_1966 = arith.constant 0 : i32
      %dma_start3A_1967 = tpu.memref_slice %arg6[%dma_start3A_1964, %dma_start3A_1965, %dma_start3A_1966] : memref<2x256x128xf32, #tpu.memory_space<vmem>> -> memref<1x128x128xf32, #tpu.memory_space<vmem>>
      %dma_start3A_1968 = tpu.memref_squeeze %dma_start3A_1967 : memref<1x128x128xf32, #tpu.memory_space<vmem>> -> memref<128x128xf32, #tpu.memory_space<vmem>>
      %dma_start3A_1969 = arith.constant 0 : i32
      %dma_start3A_1970 = tpu.memref_slice %arg5[%dma_start3A_1962, %dma_start3A_1963, %dma_start3A_1969] : memref<2x4x128xi32, #tpu.memory_space<vmem>> -> memref<1x1x128xi32, #tpu.memory_space<vmem>>
      %dma_start3A_1971 = tpu.memref_squeeze %dma_start3A_1970 : memref<1x1x128xi32, #tpu.memory_space<vmem>> -> memref<128xi32, #tpu.memory_space<vmem>>
      %dma_start3A_1972 = arith.constant 0 : i32
      %dma_start3A_1973 = arith.constant 0 : i32
      %dma_start3A_1974 = tpu.memref_slice %arg3[%dma_start3A_1972, %dma_start3A_1973] : memref<16000x128xf32, #tpu.memory_space<hbm>> -> memref<16000x128xf32, #tpu.memory_space<hbm>>
      tpu.enqueue_indirect_dma source(%dma_start3A_1974 : memref<16000x128xf32, #tpu.memory_space<hbm>>) target(%dma_start3A_1968 : memref<128x128xf32, #tpu.memory_space<vmem>>) offsets(%dma_start3A_1971 : memref<128xi32, #tpu.memory_space<vmem>>) semaphore(%arg9 : memref<!tpu.dma_semaphore, #tpu.memory_space<semaphore_mem>>)
      %dma_start3A_1975 = arith.constant 1 : i32
      %dma_start3A_1976 = arith.constant 1 : i32
      %dma_start3A_1977 = arith.constant 0 : i32
      %dma_start3A_1978 = arith.constant 128 : i32
      %dma_start3A_1979 = arith.constant 0 : i32
      %dma_start3A_1980 = tpu.memref_slice %arg6[%dma_start3A_1977, %dma_start3A_1978, %dma_start3A_1979] : memref<2x256x128xf32, #tpu.memory_space<vmem>> -> memref<1x128x128xf32, #tpu.memory_space<vmem>>
      %dma_start3A_1981 = tpu.memref_squeeze %dma_start3A_1980 : memref<1x128x128xf32, #tpu.memory_space<vmem>> -> memref<128x128xf32, #tpu.memory_space<vmem>>
      %dma_start3A_1982 = arith.constant 0 : i32
      %dma_start3A_1983 = tpu.memref_slice %arg5[%dma_start3A_1975, %dma_start3A_1976, %dma_start3A_1982] : memref<2x4x128xi32, #tpu.memory_space<vmem>> -> memref<1x1x128xi32, #tpu.memory_space<vmem>>
      %dma_start3A_1984 = tpu.memref_squeeze %dma_start3A_1983 : memref<1x1x128xi32, #tpu.memory_space<vmem>> -> memref<128xi32, #tpu.memory_space<vmem>>
      %dma_start3A_1985 = arith.constant 0 : i32
      %dma_start3A_1986 = arith.constant 0 : i32
      %dma_start3A_1987 = tpu.memref_slice %arg3[%dma_start3A_1985, %dma_start3A_1986] : memref<16000x128xf32, #tpu.memory_space<hbm>> -> memref<16000x128xf32, #tpu.memory_space<hbm>>
      tpu.enqueue_indirect_dma source(%dma_start3A_1987 : memref<16000x128xf32, #tpu.memory_space<hbm>>) target(%dma_start3A_1981 : memref<128x128xf32, #tpu.memory_space<vmem>>) offsets(%dma_start3A_1984 : memref<128xi32, #tpu.memory_space<vmem>>) semaphore(%arg9 : memref<!tpu.dma_semaphore, #tpu.memory_space<semaphore_mem>>)
      %mul3A_1988 = arith.constant 2 : i32
      %mul3A_1989 = arith.muli %add3A_1162, %mul3A_1988 : i32
      %add3A_1990 = arith.constant 1 : i32
      %add3A_1991 = arith.addi %mul3A_1989, %add3A_1990 : i32
      %gt3A_1992 = arith.constant 0 : i32
      %gt3A_1993 = arith.cmpi sgt, %add3A_1162, %gt3A_1992 : i32
      %convert_element_type3A_1994 = arith.extui %gt3A_1993 : i1 to i32
      %cond3A_1995 = arith.constant 0 : i32
      %cond3A_1996 = arith.cmpi ne, %convert_element_type3A_1994, %cond3A_1995 : i32
      scf.if %cond3A_1996 {
        %mul3A_2199 = arith.constant 256 : i32
        %mul3A_2200 = arith.muli %add3A_1991, %mul3A_2199 : i32
        %add3A_2201 = arith.addi %mul3A_4, %mul3A_2200 : i32
        %jit3A_2202 = arith.constant 2048 : i32
        %div3A_2203 = arith.divsi %add3A_2201, %jit3A_2202 : i32
        %sign3A_2204 = arith.constant 0 : i32
        %sign3A_2205 = arith.cmpi sgt, %add3A_2201, %sign3A_2204 : i32
        %sign3A_2206 = arith.extui %sign3A_2205 : i1 to i32
        %sign3A_2207 = arith.constant 0 : i32
        %sign3A_2208 = arith.cmpi slt, %add3A_2201, %sign3A_2207 : i32
        %sign3A_2209 = arith.extui %sign3A_2208 : i1 to i32
        %sign3A_2210 = arith.subi %sign3A_2206, %sign3A_2209 : i32
        %sign3A_2211 = arith.constant 0 : i32
        %sign3A_2212 = arith.cmpi sgt, %jit3A_2202, %sign3A_2211 : i32
        %sign3A_2213 = arith.extui %sign3A_2212 : i1 to i32
        %sign3A_2214 = arith.constant 0 : i32
        %sign3A_2215 = arith.cmpi slt, %jit3A_2202, %sign3A_2214 : i32
        %sign3A_2216 = arith.extui %sign3A_2215 : i1 to i32
        %sign3A_2217 = arith.subi %sign3A_2213, %sign3A_2216 : i32
        %ne3A_2218 = arith.cmpi ne, %sign3A_2210, %sign3A_2217 : i32
        %rem3A_2219 = arith.remsi %add3A_2201, %jit3A_2202 : i32
        %ne3A_2220 = arith.constant 0 : i32
        %ne3A_2221 = arith.cmpi ne, %rem3A_2219, %ne3A_2220 : i32
        %and3A_2222 = arith.andi %ne3A_2218, %ne3A_2221 : i1
        %sub3A_2223 = arith.constant 1 : i32
        %sub3A_2224 = arith.subi %div3A_2203, %sub3A_2223 : i32
        %select_n3A_2225 = arith.select %and3A_2222, %sub3A_2224, %div3A_2203 : i32
        %jit3A_2226 = arith.constant 2048 : i32
        %eq3A_2227 = arith.constant 0 : i32
        %eq3A_2228 = arith.cmpi eq, %jit3A_2226, %eq3A_2227 : i32
        %jit3A_2229 = arith.constant 1 : i32
        %select_n3A_2230 = arith.select %eq3A_2228, %jit3A_2229, %jit3A_2226 : i32
        %rem3A_2231 = arith.remsi %add3A_2201, %select_n3A_2230 : i32
        %ne3A_2232 = arith.constant 0 : i32
        %ne3A_2233 = arith.cmpi ne, %rem3A_2231, %ne3A_2232 : i32
        %lt3A_2234 = arith.constant 0 : i32
        %lt3A_2235 = arith.cmpi slt, %rem3A_2231, %lt3A_2234 : i32
        %lt3A_2236 = arith.constant 0 : i32
        %lt3A_2237 = arith.cmpi slt, %select_n3A_2230, %lt3A_2236 : i32
        %ne3A_2238 = arith.xori %lt3A_2235, %lt3A_2237 : i1
        %and3A_2239 = arith.andi %ne3A_2238, %ne3A_2233 : i1
        %add3A_2240 = arith.addi %rem3A_2231, %select_n3A_2230 : i32
        %select_n3A_2241 = arith.select %and3A_2239, %add3A_2240, %rem3A_2231 : i32
        %dma_wait3A_2242 = arith.constant 1 : i32
        %dma_wait3A_2243 = arith.constant 0 : i32
        %dma_wait3A_2244 = arith.constant 0 : i32
        %dma_wait3A_2245 = tpu.memref_slice %arg6[%dma_wait3A_2242, %dma_wait3A_2243, %dma_wait3A_2244] : memref<2x256x128xf32, #tpu.memory_space<vmem>> -> memref<1x256x128xf32, #tpu.memory_space<vmem>>
        %dma_wait3A_2246 = tpu.memref_squeeze %dma_wait3A_2245 : memref<1x256x128xf32, #tpu.memory_space<vmem>> -> memref<256x128xf32, #tpu.memory_space<vmem>>
        %dma_wait3A_2247 = arith.constant 0 : i32
        %dma_wait3A_2248 = tpu.memref_slice %arg4[%select_n3A_2225, %select_n3A_2241, %dma_wait3A_2247] : memref<2048x2048x128xf32, #tpu.memory_space<hbm>> -> memref<1x256x128xf32, #tpu.memory_space<hbm>>
        %dma_wait3A_2249 = tpu.memref_squeeze %dma_wait3A_2248 : memref<1x256x128xf32, #tpu.memory_space<hbm>> -> memref<256x128xf32, #tpu.memory_space<hbm>>
        %dma_wait3A_2250 = arith.constant 0 : i32
        %dma_wait3A_2251 = tpu.memref_slice %arg4[%select_n3A_2225, %select_n3A_2241, %dma_wait3A_2250] : memref<2048x2048x128xf32, #tpu.memory_space<hbm>> -> memref<1x256x128xf32, #tpu.memory_space<hbm>>
        %dma_wait3A_2252 = tpu.memref_squeeze %dma_wait3A_2251 : memref<1x256x128xf32, #tpu.memory_space<hbm>> -> memref<256x128xf32, #tpu.memory_space<hbm>>
        %dma_wait3A_2253 = arith.constant 0 : i32
        %dma_wait3A_2254 = arith.constant 0 : i32
        %dma_wait3A_2255 = tpu.memref_slice %arg6[%dma_wait3A_2242, %dma_wait3A_2253, %dma_wait3A_2254] : memref<2x256x128xf32, #tpu.memory_space<vmem>> -> memref<1x256x128xf32, #tpu.memory_space<vmem>>
        %dma_wait3A_2256 = tpu.memref_squeeze %dma_wait3A_2255 : memref<1x256x128xf32, #tpu.memory_space<vmem>> -> memref<256x128xf32, #tpu.memory_space<vmem>>
        tpu.wait_dma2 semaphore(%arg12 : memref<!tpu.dma_semaphore, #tpu.memory_space<semaphore_mem>>) src(%dma_wait3A_2256 : memref<256x128xf32, #tpu.memory_space<vmem>>) dst(%dma_wait3A_2252 : memref<256x128xf32, #tpu.memory_space<hbm>>)
      } else {
      }
      %dma_start3A_1997 = arith.constant 1 : i32
      %dma_start3A_1998 = arith.constant 2 : i32
      %dma_start3A_1999 = arith.constant 1 : i32
      %dma_start3A_2000 = arith.constant 0 : i32
      %dma_start3A_2001 = arith.constant 0 : i32
      %dma_start3A_2002 = tpu.memref_slice %arg6[%dma_start3A_1999, %dma_start3A_2000, %dma_start3A_2001] : memref<2x256x128xf32, #tpu.memory_space<vmem>> -> memref<1x128x128xf32, #tpu.memory_space<vmem>>
      %dma_start3A_2003 = tpu.memref_squeeze %dma_start3A_2002 : memref<1x128x128xf32, #tpu.memory_space<vmem>> -> memref<128x128xf32, #tpu.memory_space<vmem>>
      %dma_start3A_2004 = arith.constant 0 : i32
      %dma_start3A_2005 = tpu.memref_slice %arg5[%dma_start3A_1997, %dma_start3A_1998, %dma_start3A_2004] : memref<2x4x128xi32, #tpu.memory_space<vmem>> -> memref<1x1x128xi32, #tpu.memory_space<vmem>>
      %dma_start3A_2006 = tpu.memref_squeeze %dma_start3A_2005 : memref<1x1x128xi32, #tpu.memory_space<vmem>> -> memref<128xi32, #tpu.memory_space<vmem>>
      %dma_start3A_2007 = arith.constant 0 : i32
      %dma_start3A_2008 = arith.constant 0 : i32
      %dma_start3A_2009 = tpu.memref_slice %arg3[%dma_start3A_2007, %dma_start3A_2008] : memref<16000x128xf32, #tpu.memory_space<hbm>> -> memref<16000x128xf32, #tpu.memory_space<hbm>>
      tpu.enqueue_indirect_dma source(%dma_start3A_2009 : memref<16000x128xf32, #tpu.memory_space<hbm>>) target(%dma_start3A_2003 : memref<128x128xf32, #tpu.memory_space<vmem>>) offsets(%dma_start3A_2006 : memref<128xi32, #tpu.memory_space<vmem>>) semaphore(%arg10 : memref<!tpu.dma_semaphore, #tpu.memory_space<semaphore_mem>>)
      %dma_start3A_2010 = arith.constant 1 : i32
      %dma_start3A_2011 = arith.constant 3 : i32
      %dma_start3A_2012 = arith.constant 1 : i32
      %dma_start3A_2013 = arith.constant 128 : i32
      %dma_start3A_2014 = arith.constant 0 : i32
      %dma_start3A_2015 = tpu.memref_slice %arg6[%dma_start3A_2012, %dma_start3A_2013, %dma_start3A_2014] : memref<2x256x128xf32, #tpu.memory_space<vmem>> -> memref<1x128x128xf32, #tpu.memory_space<vmem>>
      %dma_start3A_2016 = tpu.memref_squeeze %dma_start3A_2015 : memref<1x128x128xf32, #tpu.memory_space<vmem>> -> memref<128x128xf32, #tpu.memory_space<vmem>>
      %dma_start3A_2017 = arith.constant 0 : i32
      %dma_start3A_2018 = tpu.memref_slice %arg5[%dma_start3A_2010, %dma_start3A_2011, %dma_start3A_2017] : memref<2x4x128xi32, #tpu.memory_space<vmem>> -> memref<1x1x128xi32, #tpu.memory_space<vmem>>
      %dma_start3A_2019 = tpu.memref_squeeze %dma_start3A_2018 : memref<1x1x128xi32, #tpu.memory_space<vmem>> -> memref<128xi32, #tpu.memory_space<vmem>>
      %dma_start3A_2020 = arith.constant 0 : i32
      %dma_start3A_2021 = arith.constant 0 : i32
      %dma_start3A_2022 = tpu.memref_slice %arg3[%dma_start3A_2020, %dma_start3A_2021] : memref<16000x128xf32, #tpu.memory_space<hbm>> -> memref<16000x128xf32, #tpu.memory_space<hbm>>
      tpu.enqueue_indirect_dma source(%dma_start3A_2022 : memref<16000x128xf32, #tpu.memory_space<hbm>>) target(%dma_start3A_2016 : memref<128x128xf32, #tpu.memory_space<vmem>>) offsets(%dma_start3A_2019 : memref<128xi32, #tpu.memory_space<vmem>>) semaphore(%arg10 : memref<!tpu.dma_semaphore, #tpu.memory_space<semaphore_mem>>)
      %mul3A_2023 = arith.constant 2 : i32
      %mul3A_2024 = arith.muli %add3A_1162, %mul3A_2023 : i32
      %add3A_2025 = arith.constant 0 : i32
      %add3A_2026 = arith.addi %mul3A_2024, %add3A_2025 : i32
      %dma_wait3A_2027 = arith.constant 1 : i32
      %dma_wait3A_2028 = arith.constant 0 : i32
      %dma_wait3A_2029 = arith.constant 0 : i32
      %dma_wait3A_2030 = arith.constant 0 : i32
      %dma_wait3A_2031 = arith.constant 0 : i32
      %dma_wait3A_2032 = tpu.memref_slice %arg6[%dma_wait3A_2029, %dma_wait3A_2030, %dma_wait3A_2031] : memref<2x256x128xf32, #tpu.memory_space<vmem>> -> memref<1x128x128xf32, #tpu.memory_space<vmem>>
      %dma_wait3A_2033 = tpu.memref_squeeze %dma_wait3A_2032 : memref<1x128x128xf32, #tpu.memory_space<vmem>> -> memref<128x128xf32, #tpu.memory_space<vmem>>
      %dma_wait3A_2034 = arith.constant 0 : i32
      %dma_wait3A_2035 = tpu.memref_slice %arg5[%dma_wait3A_2027, %dma_wait3A_2028, %dma_wait3A_2034] : memref<2x4x128xi32, #tpu.memory_space<vmem>> -> memref<1x1x128xi32, #tpu.memory_space<vmem>>
      %dma_wait3A_2036 = tpu.memref_squeeze %dma_wait3A_2035 : memref<1x1x128xi32, #tpu.memory_space<vmem>> -> memref<128xi32, #tpu.memory_space<vmem>>
      %dma_wait3A_2037 = arith.constant 0 : i32
      %dma_wait3A_2038 = arith.constant 0 : i32
      %dma_wait3A_2039 = tpu.memref_slice %arg3[%dma_wait3A_2037, %dma_wait3A_2038] : memref<16000x128xf32, #tpu.memory_space<hbm>> -> memref<16000x128xf32, #tpu.memory_space<hbm>>
      tpu.wait_indirect_dma semaphore(%arg9 : memref<!tpu.dma_semaphore, #tpu.memory_space<semaphore_mem>>) src(%dma_wait3A_2039 : memref<16000x128xf32, #tpu.memory_space<hbm>>) dst(%dma_wait3A_2033 : memref<128x128xf32, #tpu.memory_space<vmem>>)
      %dma_wait3A_2040 = arith.constant 1 : i32
      %dma_wait3A_2041 = arith.constant 1 : i32
      %dma_wait3A_2042 = arith.constant 0 : i32
      %dma_wait3A_2043 = arith.constant 128 : i32
      %dma_wait3A_2044 = arith.constant 0 : i32
      %dma_wait3A_2045 = tpu.memref_slice %arg6[%dma_wait3A_2042, %dma_wait3A_2043, %dma_wait3A_2044] : memref<2x256x128xf32, #tpu.memory_space<vmem>> -> memref<1x128x128xf32, #tpu.memory_space<vmem>>
      %dma_wait3A_2046 = tpu.memref_squeeze %dma_wait3A_2045 : memref<1x128x128xf32, #tpu.memory_space<vmem>> -> memref<128x128xf32, #tpu.memory_space<vmem>>
      %dma_wait3A_2047 = arith.constant 0 : i32
      %dma_wait3A_2048 = tpu.memref_slice %arg5[%dma_wait3A_2040, %dma_wait3A_2041, %dma_wait3A_2047] : memref<2x4x128xi32, #tpu.memory_space<vmem>> -> memref<1x1x128xi32, #tpu.memory_space<vmem>>
      %dma_wait3A_2049 = tpu.memref_squeeze %dma_wait3A_2048 : memref<1x1x128xi32, #tpu.memory_space<vmem>> -> memref<128xi32, #tpu.memory_space<vmem>>
      %dma_wait3A_2050 = arith.constant 0 : i32
      %dma_wait3A_2051 = arith.constant 0 : i32
      %dma_wait3A_2052 = tpu.memref_slice %arg3[%dma_wait3A_2050, %dma_wait3A_2051] : memref<16000x128xf32, #tpu.memory_space<hbm>> -> memref<16000x128xf32, #tpu.memory_space<hbm>>
      tpu.wait_indirect_dma semaphore(%arg9 : memref<!tpu.dma_semaphore, #tpu.memory_space<semaphore_mem>>) src(%dma_wait3A_2052 : memref<16000x128xf32, #tpu.memory_space<hbm>>) dst(%dma_wait3A_2046 : memref<128x128xf32, #tpu.memory_space<vmem>>)
      %mul3A_2053 = arith.constant 256 : i32
      %mul3A_2054 = arith.muli %add3A_2026, %mul3A_2053 : i32
      %add3A_2055 = arith.addi %mul3A_4, %mul3A_2054 : i32
      %jit3A_2056 = arith.constant 2048 : i32
      %div3A_2057 = arith.divsi %add3A_2055, %jit3A_2056 : i32
      %sign3A_2058 = arith.constant 0 : i32
      %sign3A_2059 = arith.cmpi sgt, %add3A_2055, %sign3A_2058 : i32
      %sign3A_2060 = arith.extui %sign3A_2059 : i1 to i32
      %sign3A_2061 = arith.constant 0 : i32
      %sign3A_2062 = arith.cmpi slt, %add3A_2055, %sign3A_2061 : i32
      %sign3A_2063 = arith.extui %sign3A_2062 : i1 to i32
      %sign3A_2064 = arith.subi %sign3A_2060, %sign3A_2063 : i32
      %sign3A_2065 = arith.constant 0 : i32
      %sign3A_2066 = arith.cmpi sgt, %jit3A_2056, %sign3A_2065 : i32
      %sign3A_2067 = arith.extui %sign3A_2066 : i1 to i32
      %sign3A_2068 = arith.constant 0 : i32
      %sign3A_2069 = arith.cmpi slt, %jit3A_2056, %sign3A_2068 : i32
      %sign3A_2070 = arith.extui %sign3A_2069 : i1 to i32
      %sign3A_2071 = arith.subi %sign3A_2067, %sign3A_2070 : i32
      %ne3A_2072 = arith.cmpi ne, %sign3A_2064, %sign3A_2071 : i32
      %rem3A_2073 = arith.remsi %add3A_2055, %jit3A_2056 : i32
      %ne3A_2074 = arith.constant 0 : i32
      %ne3A_2075 = arith.cmpi ne, %rem3A_2073, %ne3A_2074 : i32
      %and3A_2076 = arith.andi %ne3A_2072, %ne3A_2075 : i1
      %sub3A_2077 = arith.constant 1 : i32
      %sub3A_2078 = arith.subi %div3A_2057, %sub3A_2077 : i32
      %select_n3A_2079 = arith.select %and3A_2076, %sub3A_2078, %div3A_2057 : i32
      %jit3A_2080 = arith.constant 2048 : i32
      %eq3A_2081 = arith.constant 0 : i32
      %eq3A_2082 = arith.cmpi eq, %jit3A_2080, %eq3A_2081 : i32
      %jit3A_2083 = arith.constant 1 : i32
      %select_n3A_2084 = arith.select %eq3A_2082, %jit3A_2083, %jit3A_2080 : i32
      %rem3A_2085 = arith.remsi %add3A_2055, %select_n3A_2084 : i32
      %ne3A_2086 = arith.constant 0 : i32
      %ne3A_2087 = arith.cmpi ne, %rem3A_2085, %ne3A_2086 : i32
      %lt3A_2088 = arith.constant 0 : i32
      %lt3A_2089 = arith.cmpi slt, %rem3A_2085, %lt3A_2088 : i32
      %lt3A_2090 = arith.constant 0 : i32
      %lt3A_2091 = arith.cmpi slt, %select_n3A_2084, %lt3A_2090 : i32
      %ne3A_2092 = arith.xori %lt3A_2089, %lt3A_2091 : i1
      %and3A_2093 = arith.andi %ne3A_2092, %ne3A_2087 : i1
      %add3A_2094 = arith.addi %rem3A_2085, %select_n3A_2084 : i32
      %select_n3A_2095 = arith.select %and3A_2093, %add3A_2094, %rem3A_2085 : i32
      %dma_start3A_2096 = arith.constant 0 : i32
      %dma_start3A_2097 = arith.constant 0 : i32
      %dma_start3A_2098 = arith.constant 0 : i32
      %dma_start3A_2099 = tpu.memref_slice %arg6[%dma_start3A_2096, %dma_start3A_2097, %dma_start3A_2098] : memref<2x256x128xf32, #tpu.memory_space<vmem>> -> memref<1x256x128xf32, #tpu.memory_space<vmem>>
      %dma_start3A_2100 = tpu.memref_squeeze %dma_start3A_2099 : memref<1x256x128xf32, #tpu.memory_space<vmem>> -> memref<256x128xf32, #tpu.memory_space<vmem>>
      %dma_start3A_2101 = arith.constant 0 : i32
      %dma_start3A_2102 = tpu.memref_slice %arg4[%select_n3A_2079, %select_n3A_2095, %dma_start3A_2101] : memref<2048x2048x128xf32, #tpu.memory_space<hbm>> -> memref<1x256x128xf32, #tpu.memory_space<hbm>>
      %dma_start3A_2103 = tpu.memref_squeeze %dma_start3A_2102 : memref<1x256x128xf32, #tpu.memory_space<hbm>> -> memref<256x128xf32, #tpu.memory_space<hbm>>
      %dma_start3A_2104 = arith.constant 0 : i32
      %dma_start3A_2105 = tpu.memref_slice %arg4[%select_n3A_2079, %select_n3A_2095, %dma_start3A_2104] : memref<2048x2048x128xf32, #tpu.memory_space<hbm>> -> memref<1x256x128xf32, #tpu.memory_space<hbm>>
      %dma_start3A_2106 = tpu.memref_squeeze %dma_start3A_2105 : memref<1x256x128xf32, #tpu.memory_space<hbm>> -> memref<256x128xf32, #tpu.memory_space<hbm>>
      %dma_start3A_2107 = arith.constant 0 : i32
      %dma_start3A_2108 = arith.constant 0 : i32
      %dma_start3A_2109 = tpu.memref_slice %arg6[%dma_start3A_2096, %dma_start3A_2107, %dma_start3A_2108] : memref<2x256x128xf32, #tpu.memory_space<vmem>> -> memref<1x256x128xf32, #tpu.memory_space<vmem>>
      %dma_start3A_2110 = tpu.memref_squeeze %dma_start3A_2109 : memref<1x256x128xf32, #tpu.memory_space<vmem>> -> memref<256x128xf32, #tpu.memory_space<vmem>>
      tpu.enqueue_dma source(%dma_start3A_2110 : memref<256x128xf32, #tpu.memory_space<vmem>>) target(%dma_start3A_2106 : memref<256x128xf32, #tpu.memory_space<hbm>>) target_semaphore(%arg11 : memref<!tpu.dma_semaphore, #tpu.memory_space<semaphore_mem>>)
      %mul3A_2111 = arith.constant 2 : i32
      %mul3A_2112 = arith.muli %add3A_1162, %mul3A_2111 : i32
      %add3A_2113 = arith.constant 1 : i32
      %add3A_2114 = arith.addi %mul3A_2112, %add3A_2113 : i32
      %dma_wait3A_2115 = arith.constant 1 : i32
      %dma_wait3A_2116 = arith.constant 2 : i32
      %dma_wait3A_2117 = arith.constant 1 : i32
      %dma_wait3A_2118 = arith.constant 0 : i32
      %dma_wait3A_2119 = arith.constant 0 : i32
      %dma_wait3A_2120 = tpu.memref_slice %arg6[%dma_wait3A_2117, %dma_wait3A_2118, %dma_wait3A_2119] : memref<2x256x128xf32, #tpu.memory_space<vmem>> -> memref<1x128x128xf32, #tpu.memory_space<vmem>>
      %dma_wait3A_2121 = tpu.memref_squeeze %dma_wait3A_2120 : memref<1x128x128xf32, #tpu.memory_space<vmem>> -> memref<128x128xf32, #tpu.memory_space<vmem>>
      %dma_wait3A_2122 = arith.constant 0 : i32
      %dma_wait3A_2123 = tpu.memref_slice %arg5[%dma_wait3A_2115, %dma_wait3A_2116, %dma_wait3A_2122] : memref<2x4x128xi32, #tpu.memory_space<vmem>> -> memref<1x1x128xi32, #tpu.memory_space<vmem>>
      %dma_wait3A_2124 = tpu.memref_squeeze %dma_wait3A_2123 : memref<1x1x128xi32, #tpu.memory_space<vmem>> -> memref<128xi32, #tpu.memory_space<vmem>>
      %dma_wait3A_2125 = arith.constant 0 : i32
      %dma_wait3A_2126 = arith.constant 0 : i32
      %dma_wait3A_2127 = tpu.memref_slice %arg3[%dma_wait3A_2125, %dma_wait3A_2126] : memref<16000x128xf32, #tpu.memory_space<hbm>> -> memref<16000x128xf32, #tpu.memory_space<hbm>>
      tpu.wait_indirect_dma semaphore(%arg10 : memref<!tpu.dma_semaphore, #tpu.memory_space<semaphore_mem>>) src(%dma_wait3A_2127 : memref<16000x128xf32, #tpu.memory_space<hbm>>) dst(%dma_wait3A_2121 : memref<128x128xf32, #tpu.memory_space<vmem>>)
      %dma_wait3A_2128 = arith.constant 1 : i32
      %dma_wait3A_2129 = arith.constant 3 : i32
      %dma_wait3A_2130 = arith.constant 1 : i32
      %dma_wait3A_2131 = arith.constant 128 : i32
      %dma_wait3A_2132 = arith.constant 0 : i32
      %dma_wait3A_2133 = tpu.memref_slice %arg6[%dma_wait3A_2130, %dma_wait3A_2131, %dma_wait3A_2132] : memref<2x256x128xf32, #tpu.memory_space<vmem>> -> memref<1x128x128xf32, #tpu.memory_space<vmem>>
      %dma_wait3A_2134 = tpu.memref_squeeze %dma_wait3A_2133 : memref<1x128x128xf32, #tpu.memory_space<vmem>> -> memref<128x128xf32, #tpu.memory_space<vmem>>
      %dma_wait3A_2135 = arith.constant 0 : i32
      %dma_wait3A_2136 = tpu.memref_slice %arg5[%dma_wait3A_2128, %dma_wait3A_2129, %dma_wait3A_2135] : memref<2x4x128xi32, #tpu.memory_space<vmem>> -> memref<1x1x128xi32, #tpu.memory_space<vmem>>
      %dma_wait3A_2137 = tpu.memref_squeeze %dma_wait3A_2136 : memref<1x1x128xi32, #tpu.memory_space<vmem>> -> memref<128xi32, #tpu.memory_space<vmem>>
      %dma_wait3A_2138 = arith.constant 0 : i32
      %dma_wait3A_2139 = arith.constant 0 : i32
      %dma_wait3A_2140 = tpu.memref_slice %arg3[%dma_wait3A_2138, %dma_wait3A_2139] : memref<16000x128xf32, #tpu.memory_space<hbm>> -> memref<16000x128xf32, #tpu.memory_space<hbm>>
      tpu.wait_indirect_dma semaphore(%arg10 : memref<!tpu.dma_semaphore, #tpu.memory_space<semaphore_mem>>) src(%dma_wait3A_2140 : memref<16000x128xf32, #tpu.memory_space<hbm>>) dst(%dma_wait3A_2134 : memref<128x128xf32, #tpu.memory_space<vmem>>)
      %mul3A_2141 = arith.constant 256 : i32
      %mul3A_2142 = arith.muli %add3A_2114, %mul3A_2141 : i32
      %add3A_2143 = arith.addi %mul3A_4, %mul3A_2142 : i32
      %jit3A_2144 = arith.constant 2048 : i32
      %div3A_2145 = arith.divsi %add3A_2143, %jit3A_2144 : i32
      %sign3A_2146 = arith.constant 0 : i32
      %sign3A_2147 = arith.cmpi sgt, %add3A_2143, %sign3A_2146 : i32
      %sign3A_2148 = arith.extui %sign3A_2147 : i1 to i32
      %sign3A_2149 = arith.constant 0 : i32
      %sign3A_2150 = arith.cmpi slt, %add3A_2143, %sign3A_2149 : i32
      %sign3A_2151 = arith.extui %sign3A_2150 : i1 to i32
      %sign3A_2152 = arith.subi %sign3A_2148, %sign3A_2151 : i32
      %sign3A_2153 = arith.constant 0 : i32
      %sign3A_2154 = arith.cmpi sgt, %jit3A_2144, %sign3A_2153 : i32
      %sign3A_2155 = arith.extui %sign3A_2154 : i1 to i32
      %sign3A_2156 = arith.constant 0 : i32
      %sign3A_2157 = arith.cmpi slt, %jit3A_2144, %sign3A_2156 : i32
      %sign3A_2158 = arith.extui %sign3A_2157 : i1 to i32
      %sign3A_2159 = arith.subi %sign3A_2155, %sign3A_2158 : i32
      %ne3A_2160 = arith.cmpi ne, %sign3A_2152, %sign3A_2159 : i32
      %rem3A_2161 = arith.remsi %add3A_2143, %jit3A_2144 : i32
      %ne3A_2162 = arith.constant 0 : i32
      %ne3A_2163 = arith.cmpi ne, %rem3A_2161, %ne3A_2162 : i32
      %and3A_2164 = arith.andi %ne3A_2160, %ne3A_2163 : i1
      %sub3A_2165 = arith.constant 1 : i32
      %sub3A_2166 = arith.subi %div3A_2145, %sub3A_2165 : i32
      %select_n3A_2167 = arith.select %and3A_2164, %sub3A_2166, %div3A_2145 : i32
      %jit3A_2168 = arith.constant 2048 : i32
      %eq3A_2169 = arith.constant 0 : i32
      %eq3A_2170 = arith.cmpi eq, %jit3A_2168, %eq3A_2169 : i32
      %jit3A_2171 = arith.constant 1 : i32
      %select_n3A_2172 = arith.select %eq3A_2170, %jit3A_2171, %jit3A_2168 : i32
      %rem3A_2173 = arith.remsi %add3A_2143, %select_n3A_2172 : i32
      %ne3A_2174 = arith.constant 0 : i32
      %ne3A_2175 = arith.cmpi ne, %rem3A_2173, %ne3A_2174 : i32
      %lt3A_2176 = arith.constant 0 : i32
      %lt3A_2177 = arith.cmpi slt, %rem3A_2173, %lt3A_2176 : i32
      %lt3A_2178 = arith.constant 0 : i32
      %lt3A_2179 = arith.cmpi slt, %select_n3A_2172, %lt3A_2178 : i32
      %ne3A_2180 = arith.xori %lt3A_2177, %lt3A_2179 : i1
      %and3A_2181 = arith.andi %ne3A_2180, %ne3A_2175 : i1
      %add3A_2182 = arith.addi %rem3A_2173, %select_n3A_2172 : i32
      %select_n3A_2183 = arith.select %and3A_2181, %add3A_2182, %rem3A_2173 : i32
      %dma_start3A_2184 = arith.constant 1 : i32
      %dma_start3A_2185 = arith.constant 0 : i32
      %dma_start3A_2186 = arith.constant 0 : i32
      %dma_start3A_2187 = tpu.memref_slice %arg6[%dma_start3A_2184, %dma_start3A_2185, %dma_start3A_2186] : memref<2x256x128xf32, #tpu.memory_space<vmem>> -> memref<1x256x128xf32, #tpu.memory_space<vmem>>
      %dma_start3A_2188 = tpu.memref_squeeze %dma_start3A_2187 : memref<1x256x128xf32, #tpu.memory_space<vmem>> -> memref<256x128xf32, #tpu.memory_space<vmem>>
      %dma_start3A_2189 = arith.constant 0 : i32
      %dma_start3A_2190 = tpu.memref_slice %arg4[%select_n3A_2167, %select_n3A_2183, %dma_start3A_2189] : memref<2048x2048x128xf32, #tpu.memory_space<hbm>> -> memref<1x256x128xf32, #tpu.memory_space<hbm>>
      %dma_start3A_2191 = tpu.memref_squeeze %dma_start3A_2190 : memref<1x256x128xf32, #tpu.memory_space<hbm>> -> memref<256x128xf32, #tpu.memory_space<hbm>>
      %dma_start3A_2192 = arith.constant 0 : i32
      %dma_start3A_2193 = tpu.memref_slice %arg4[%select_n3A_2167, %select_n3A_2183, %dma_start3A_2192] : memref<2048x2048x128xf32, #tpu.memory_space<hbm>> -> memref<1x256x128xf32, #tpu.memory_space<hbm>>
      %dma_start3A_2194 = tpu.memref_squeeze %dma_start3A_2193 : memref<1x256x128xf32, #tpu.memory_space<hbm>> -> memref<256x128xf32, #tpu.memory_space<hbm>>
      %dma_start3A_2195 = arith.constant 0 : i32
      %dma_start3A_2196 = arith.constant 0 : i32
      %dma_start3A_2197 = tpu.memref_slice %arg6[%dma_start3A_2184, %dma_start3A_2195, %dma_start3A_2196] : memref<2x256x128xf32, #tpu.memory_space<vmem>> -> memref<1x256x128xf32, #tpu.memory_space<vmem>>
      %dma_start3A_2198 = tpu.memref_squeeze %dma_start3A_2197 : memref<1x256x128xf32, #tpu.memory_space<vmem>> -> memref<256x128xf32, #tpu.memory_space<vmem>>
      tpu.enqueue_dma source(%dma_start3A_2198 : memref<256x128xf32, #tpu.memory_space<vmem>>) target(%dma_start3A_2194 : memref<256x128xf32, #tpu.memory_space<hbm>>) target_semaphore(%arg12 : memref<!tpu.dma_semaphore, #tpu.memory_space<semaphore_mem>>)
    }
    %scan3A_23 = arith.constant 128 : i32
    %add3A_24 = arith.constant 130560 : i32
    %add3A_25 = arith.addi %mul3A_4, %add3A_24 : i32
    %jit3A = arith.constant 2048 : i32
    %div3A = arith.divsi %add3A_25, %jit3A : i32
    %sign3A = arith.constant 0 : i32
    %sign3A_26 = arith.cmpi sgt, %add3A_25, %sign3A : i32
    %sign3A_27 = arith.extui %sign3A_26 : i1 to i32
    %sign3A_28 = arith.constant 0 : i32
    %sign3A_29 = arith.cmpi slt, %add3A_25, %sign3A_28 : i32
    %sign3A_30 = arith.extui %sign3A_29 : i1 to i32
    %sign3A_31 = arith.subi %sign3A_27, %sign3A_30 : i32
    %sign3A_32 = arith.constant 0 : i32
    %sign3A_33 = arith.cmpi sgt, %jit3A, %sign3A_32 : i32
    %sign3A_34 = arith.extui %sign3A_33 : i1 to i32
    %sign3A_35 = arith.constant 0 : i32
    %sign3A_36 = arith.cmpi slt, %jit3A, %sign3A_35 : i32
    %sign3A_37 = arith.extui %sign3A_36 : i1 to i32
    %sign3A_38 = arith.subi %sign3A_34, %sign3A_37 : i32
    %ne3A = arith.cmpi ne, %sign3A_31, %sign3A_38 : i32
    %rem3A = arith.remsi %add3A_25, %jit3A : i32
    %ne3A_39 = arith.constant 0 : i32
    %ne3A_40 = arith.cmpi ne, %rem3A, %ne3A_39 : i32
    %and3A = arith.andi %ne3A, %ne3A_40 : i1
    %sub3A = arith.constant 1 : i32
    %sub3A_41 = arith.subi %div3A, %sub3A : i32
    %select_n3A = arith.select %and3A, %sub3A_41, %div3A : i32
    %jit3A_42 = arith.constant 2048 : i32
    %eq3A = arith.constant 0 : i32
    %eq3A_43 = arith.cmpi eq, %jit3A_42, %eq3A : i32
    %jit3A_44 = arith.constant 1 : i32
    %select_n3A_45 = arith.select %eq3A_43, %jit3A_44, %jit3A_42 : i32
    %rem3A_46 = arith.remsi %add3A_25, %select_n3A_45 : i32
    %ne3A_47 = arith.constant 0 : i32
    %ne3A_48 = arith.cmpi ne, %rem3A_46, %ne3A_47 : i32
    %lt3A = arith.constant 0 : i32
    %lt3A_49 = arith.cmpi slt, %rem3A_46, %lt3A : i32
    %lt3A_50 = arith.constant 0 : i32
    %lt3A_51 = arith.cmpi slt, %select_n3A_45, %lt3A_50 : i32
    %ne3A_52 = arith.xori %lt3A_49, %lt3A_51 : i1
    %and3A_53 = arith.andi %ne3A_52, %ne3A_48 : i1
    %add3A_54 = arith.addi %rem3A_46, %select_n3A_45 : i32
    %select_n3A_55 = arith.select %and3A_53, %add3A_54, %rem3A_46 : i32
    %dma_wait3A = arith.constant 0 : i32
    %dma_wait3A_56 = arith.constant 0 : i32
    %dma_wait3A_57 = arith.constant 0 : i32
    %dma_wait3A_58 = tpu.memref_slice %arg6[%dma_wait3A, %dma_wait3A_56, %dma_wait3A_57] : memref<2x256x128xf32, #tpu.memory_space<vmem>> -> memref<1x256x128xf32, #tpu.memory_space<vmem>>
    %dma_wait3A_59 = tpu.memref_squeeze %dma_wait3A_58 : memref<1x256x128xf32, #tpu.memory_space<vmem>> -> memref<256x128xf32, #tpu.memory_space<vmem>>
    %dma_wait3A_60 = arith.constant 0 : i32
    %dma_wait3A_61 = tpu.memref_slice %arg4[%select_n3A, %select_n3A_55, %dma_wait3A_60] : memref<2048x2048x128xf32, #tpu.memory_space<hbm>> -> memref<1x256x128xf32, #tpu.memory_space<hbm>>
    %dma_wait3A_62 = tpu.memref_squeeze %dma_wait3A_61 : memref<1x256x128xf32, #tpu.memory_space<hbm>> -> memref<256x128xf32, #tpu.memory_space<hbm>>
    %dma_wait3A_63 = arith.constant 0 : i32
    %dma_wait3A_64 = tpu.memref_slice %arg4[%select_n3A, %select_n3A_55, %dma_wait3A_63] : memref<2048x2048x128xf32, #tpu.memory_space<hbm>> -> memref<1x256x128xf32, #tpu.memory_space<hbm>>
    %dma_wait3A_65 = tpu.memref_squeeze %dma_wait3A_64 : memref<1x256x128xf32, #tpu.memory_space<hbm>> -> memref<256x128xf32, #tpu.memory_space<hbm>>
    %dma_wait3A_66 = arith.constant 0 : i32
    %dma_wait3A_67 = arith.constant 0 : i32
    %dma_wait3A_68 = tpu.memref_slice %arg6[%dma_wait3A, %dma_wait3A_66, %dma_wait3A_67] : memref<2x256x128xf32, #tpu.memory_space<vmem>> -> memref<1x256x128xf32, #tpu.memory_space<vmem>>
    %dma_wait3A_69 = tpu.memref_squeeze %dma_wait3A_68 : memref<1x256x128xf32, #tpu.memory_space<vmem>> -> memref<256x128xf32, #tpu.memory_space<vmem>>
    tpu.wait_dma2 semaphore(%arg11 : memref<!tpu.dma_semaphore, #tpu.memory_space<semaphore_mem>>) src(%dma_wait3A_69 : memref<256x128xf32, #tpu.memory_space<vmem>>) dst(%dma_wait3A_65 : memref<256x128xf32, #tpu.memory_space<hbm>>)
    %add3A_70 = arith.constant 130816 : i32
    %add3A_71 = arith.addi %mul3A_4, %add3A_70 : i32
    %jit3A_72 = arith.constant 2048 : i32
    %div3A_73 = arith.divsi %add3A_71, %jit3A_72 : i32
    %sign3A_74 = arith.constant 0 : i32
    %sign3A_75 = arith.cmpi sgt, %add3A_71, %sign3A_74 : i32
    %sign3A_76 = arith.extui %sign3A_75 : i1 to i32
    %sign3A_77 = arith.constant 0 : i32
    %sign3A_78 = arith.cmpi slt, %add3A_71, %sign3A_77 : i32
    %sign3A_79 = arith.extui %sign3A_78 : i1 to i32
    %sign3A_80 = arith.subi %sign3A_76, %sign3A_79 : i32
    %sign3A_81 = arith.constant 0 : i32
    %sign3A_82 = arith.cmpi sgt, %jit3A_72, %sign3A_81 : i32
    %sign3A_83 = arith.extui %sign3A_82 : i1 to i32
    %sign3A_84 = arith.constant 0 : i32
    %sign3A_85 = arith.cmpi slt, %jit3A_72, %sign3A_84 : i32
    %sign3A_86 = arith.extui %sign3A_85 : i1 to i32
    %sign3A_87 = arith.subi %sign3A_83, %sign3A_86 : i32
    %ne3A_88 = arith.cmpi ne, %sign3A_80, %sign3A_87 : i32
    %rem3A_89 = arith.remsi %add3A_71, %jit3A_72 : i32
    %ne3A_90 = arith.constant 0 : i32
    %ne3A_91 = arith.cmpi ne, %rem3A_89, %ne3A_90 : i32
    %and3A_92 = arith.andi %ne3A_88, %ne3A_91 : i1
    %sub3A_93 = arith.constant 1 : i32
    %sub3A_94 = arith.subi %div3A_73, %sub3A_93 : i32
    %select_n3A_95 = arith.select %and3A_92, %sub3A_94, %div3A_73 : i32
    %jit3A_96 = arith.constant 2048 : i32
    %eq3A_97 = arith.constant 0 : i32
    %eq3A_98 = arith.cmpi eq, %jit3A_96, %eq3A_97 : i32
    %jit3A_99 = arith.constant 1 : i32
    %select_n3A_100 = arith.select %eq3A_98, %jit3A_99, %jit3A_96 : i32
    %rem3A_101 = arith.remsi %add3A_71, %select_n3A_100 : i32
    %ne3A_102 = arith.constant 0 : i32
    %ne3A_103 = arith.cmpi ne, %rem3A_101, %ne3A_102 : i32
    %lt3A_104 = arith.constant 0 : i32
    %lt3A_105 = arith.cmpi slt, %rem3A_101, %lt3A_104 : i32
    %lt3A_106 = arith.constant 0 : i32
    %lt3A_107 = arith.cmpi slt, %select_n3A_100, %lt3A_106 : i32
    %ne3A_108 = arith.xori %lt3A_105, %lt3A_107 : i1
    %and3A_109 = arith.andi %ne3A_108, %ne3A_103 : i1
    %add3A_110 = arith.addi %rem3A_101, %select_n3A_100 : i32
    %select_n3A_111 = arith.select %and3A_109, %add3A_110, %rem3A_101 : i32
    %dma_wait3A_112 = arith.constant 1 : i32
    %dma_wait3A_113 = arith.constant 0 : i32
    %dma_wait3A_114 = arith.constant 0 : i32
    %dma_wait3A_115 = tpu.memref_slice %arg6[%dma_wait3A_112, %dma_wait3A_113, %dma_wait3A_114] : memref<2x256x128xf32, #tpu.memory_space<vmem>> -> memref<1x256x128xf32, #tpu.memory_space<vmem>>
    %dma_wait3A_116 = tpu.memref_squeeze %dma_wait3A_115 : memref<1x256x128xf32, #tpu.memory_space<vmem>> -> memref<256x128xf32, #tpu.memory_space<vmem>>
    %dma_wait3A_117 = arith.constant 0 : i32
    %dma_wait3A_118 = tpu.memref_slice %arg4[%select_n3A_95, %select_n3A_111, %dma_wait3A_117] : memref<2048x2048x128xf32, #tpu.memory_space<hbm>> -> memref<1x256x128xf32, #tpu.memory_space<hbm>>
    %dma_wait3A_119 = tpu.memref_squeeze %dma_wait3A_118 : memref<1x256x128xf32, #tpu.memory_space<hbm>> -> memref<256x128xf32, #tpu.memory_space<hbm>>
    %dma_wait3A_120 = arith.constant 0 : i32
    %dma_wait3A_121 = tpu.memref_slice %arg4[%select_n3A_95, %select_n3A_111, %dma_wait3A_120] : memref<2048x2048x128xf32, #tpu.memory_space<hbm>> -> memref<1x256x128xf32, #tpu.memory_space<hbm>>
    %dma_wait3A_122 = tpu.memref_squeeze %dma_wait3A_121 : memref<1x256x128xf32, #tpu.memory_space<hbm>> -> memref<256x128xf32, #tpu.memory_space<hbm>>
    %dma_wait3A_123 = arith.constant 0 : i32
    %dma_wait3A_124 = arith.constant 0 : i32
    %dma_wait3A_125 = tpu.memref_slice %arg6[%dma_wait3A_112, %dma_wait3A_123, %dma_wait3A_124] : memref<2x256x128xf32, #tpu.memory_space<vmem>> -> memref<1x256x128xf32, #tpu.memory_space<vmem>>
    %dma_wait3A_126 = tpu.memref_squeeze %dma_wait3A_125 : memref<1x256x128xf32, #tpu.memory_space<vmem>> -> memref<256x128xf32, #tpu.memory_space<vmem>>
    tpu.wait_dma2 semaphore(%arg12 : memref<!tpu.dma_semaphore, #tpu.memory_space<semaphore_mem>>) src(%dma_wait3A_126 : memref<256x128xf32, #tpu.memory_space<vmem>>) dst(%dma_wait3A_122 : memref<256x128xf32, #tpu.memory_space<hbm>>)
    return
  }
}

</mosaic_0001>

<sc_bundles>
// kernel: kernel.3.cloned.1.call-start
scs
__scs_entry_jumppad:
0x0: {  	(pc) =	sbr.rel $0x88, $3  }
0x1: {  	(tag) =	ssettag $0x0;
	lr =	simm.s32 $0x1  }
0x2: {  	[smem:$0x3F9F] =	sst lr;
	_ =	strace $0xD0000000  }
0x3: {  	_ = 	snop  }
0x4: {  	_ = 	snop  }
0x5: {  	_ = 	snop  }
0x6: {  	_ = 	snop  }
0x7: {  	_ = 	snop  }
__scs_overlays_trampoline_lowered:
0x8: {  	[smem:$0x3FAE] =	sst s0  }
0x9: {  	[smem:$0x3FAF] =	sst s1  }
0xa: {  	[smem:$0x3FB0] =	sst s2  }
0xb: {  	[smem:$0x3FB1] =	sst s3  }
0xc: {  	[smem:$0x3FB2] =	sst s4  }
0xd: {  	[smem:$0x3FB3] =	sst s5  }
0xe: {  	[smem:$0x3FB4] =	sst s6  }
0xf: {  	[smem:$0x3FB5] =	sst s7  }
0x10: {  	[smem:$0x3FB6] =	sst s8  }
0x11: {  	[smem:$0x3FB7] =	sst s9;
	s0 =	simm.s32 @!p0 $0x0  }
0x12: {  	s1 =	sld [smem:$0x3F9D];
	s0 =	simm.s32 @p0 $0x1  }
0x13: {  	[smem:$0x3FB8] =	sst s0;
	s0 =	simm.s32 @!p1 $0x0  }
0x14: {  	s2 =	sld [smem:$0x3F9C];
	s0 =	simm.s32 @p1 $0x1  }
0x15: {  	[smem:$0x3FB9] =	sst s0;
	s0 =	simm.s32 @!p2 $0x0  }
0x16: {  	s3 =	sld [smem:$0x3FDB];
	s0 =	simm.s32 @p2 $0x1  }
0x17: {  	s4 =	simm.s32 $0x1BF5;
	[smem:$0x3FBB] =	sst s0  }
0x18: {  	s0 =	sld [smem:$0x3F9E];
	_ =	swait.ge [sflag:s4], $0x0  }
0x19: {  	s7 =	sld [smem:$0x3F9F]  }
0x1a: {  	s8 =	sadd.s32 $0xFFFFE003, lr  }
0x1b: {  	s9 =	sadd.s32 $0xFFFFFEF7, lr;
	s5 =	simm.s32 $0xFFFFFFFF;
	p2 =	slt.u32 s8, $0xFFFFF086  }
0x1c: {  	p1 =	slt.u32 s9, $0xF7A;
	s5 =	simm.s32 @!p2 $0x0  }
0x1d: {  	s5 =	simm.s32 @p1 $0x1;
	p0 =	seq.s32 s7, s2  }
0x1e: {  	s7 =	smul.u32 @!p0 $0xF7A, s2;
	p2 =	seq.s32 @!p0 s5, $0x0  }
0x1f: {  	s9 =	smul.u32 $0xF7A, s1;
	s8 =	simm.s32 @!p0 $0x1BF5;
	p2 =	por !p2, p0  }
0x20: {  	[sflag:s8] =	ssyncset.s32 @!p0 $0xFFFFF086;
	s6 =	sadd.s32 @!p0 s3, s7;
	s7 =	simm.s32 @!p0 $0x108  }
0x21: {  	s3 =	sadd.s32 s3, s9;
	s6 =	sadd.s32 @!p0 $0x88, s6;
	s7 =	simm.s32 @p2 $0x1082  }
0x22: {  	[simem:s7], [sflag:s8] =	dma.local @!p0 [hbm:s6], $0xF7A  }
0x23: {  	s9 =	sor.u32 $0xD0000000, s2;
	s6 =	simm.s32 $0x108;
	_ =	swait.ge @!p0 [sflag:s8], $0x0  }
0x24: {  	s3 =	sadd.s32 $0x88, s3;
	s6 =	simm.s32 @!p1 $0x1082;
	[sflag:s4] =	ssyncset.s32 $0xFFFFF086  }
0x25: {  	[simem:s6], [sflag:s4] =	dma.local [hbm:s3], $0xF7A  }
0x26: {  	[smem:$0x3F9F] =	sst s1;
	(tag) =	ssettag s2;
	_ =	strace s9  }
0x27: {  	s1 =	sld [smem:$0x3FAF]  }
0x28: {  	s2 =	sld [smem:$0x3FB0]  }
0x29: {  	s4 =	sld [smem:$0x3FB2]  }
0x2a: {  	p0 =	seq.s32 s5, $0x0;
	s5 =	sld [smem:$0x3FB3]  }
0x2b: {  	s6 =	sld [smem:$0x3FB4]  }
0x2c: {  	s7 =	sld [smem:$0x3FB5]  }
0x2d: {  	s3 =	simm.s32 $0x108;
	s8 =	sld [smem:$0x3FB6]  }
0x2e: {  	s3 =	simm.s32 @!p0 $0x1082;
	s9 =	sld [smem:$0x3FB7]  }
0x2f: {  	lr =	sadd.s32 s0, s3;
	s0 =	sld [smem:$0x3FAE]  }
0x30: {  	s3 =	sld [smem:$0x3FB1]  }
0x31: {  	[smem:$0x3FBA] =	sst s10  }
0x32: {  	s10 =	sld [smem:$0x3FB8];
	_ =	sdelay $0x3  }
0x33: {  	p0 =	seq.s32 s10, $0x1;
	s10 =	sld [smem:$0x3FBA];
	_ =	sdelay $0x3  }
0x34: {  	[smem:$0x3FBA] =	sst s10  }
0x35: {  	s10 =	sld [smem:$0x3FB9];
	_ =	sdelay $0x3  }
0x36: {  	p1 =	seq.s32 s10, $0x1;
	s10 =	sld [smem:$0x3FBA];
	_ =	sdelay $0x3  }
0x37: {  	[smem:$0x3FBA] =	sst s10  }
0x38: {  	s10 =	sld [smem:$0x3FBB]  }
0x39: {  	_ = 	snop;
	(pc) =	sbr.ind lr, $3  }
0x3a: {  	_ = 	snop  }
0x3b: {  	_ = 	snop  }
0x3c: {  	p2 =	seq.s32 s10, $0x1;
	s10 =	sld [smem:$0x3FBA]  }
0x3d: {  	_ =	shalt  }
0x3e: {  	_ =	shalt  }
0x3f: {  	_ =	shalt  }
0x40: {  	_ =	shalt  }
0x41: {  	_ =	shalt  }
0x42: {  	_ =	shalt  }
0x43: {  	_ =	shalt  }
0x44: {  	_ =	shalt  }
0x45: {  	_ =	shalt  }
0x46: {  	_ =	shalt  }
0x47: {  	_ =	shalt  }
0x48: {  	_ =	shalt  }
0x49: {  	_ =	shalt  }
0x4a: {  	_ =	shalt  }
0x4b: {  	_ =	shalt  }
0x4c: {  	_ =	shalt  }
0x4d: {  	_ =	shalt  }
0x4e: {  	_ =	shalt  }
0x4f: {  	_ =	shalt  }
0x50: {  	_ =	shalt  }
0x51: {  	_ =	shalt  }
0x52: {  	_ =	shalt  }
0x53: {  	_ =	shalt  }
0x54: {  	_ =	shalt  }
0x55: {  	_ =	shalt  }
0x56: {  	_ =	shalt  }
0x57: {  	_ =	shalt  }
0x58: {  	_ =	shalt  }
0x59: {  	_ =	shalt  }
0x5a: {  	_ =	shalt  }
0x5b: {  	_ =	shalt  }
0x5c: {  	_ =	shalt  }
0x5d: {  	_ =	shalt  }
0x5e: {  	_ =	shalt  }
0x5f: {  	_ =	shalt  }
0x60: {  	_ =	shalt  }
0x61: {  	_ =	shalt  }
0x62: {  	_ =	shalt  }
0x63: {  	_ =	shalt  }
0x64: {  	_ =	shalt  }
0x65: {  	_ =	shalt  }
0x66: {  	_ =	shalt  }
0x67: {  	_ =	shalt  }
0x68: {  	_ =	shalt  }
0x69: {  	_ =	shalt  }
0x6a: {  	_ =	shalt  }
0x6b: {  	_ =	shalt  }
0x6c: {  	_ =	shalt  }
0x6d: {  	_ =	shalt  }
0x6e: {  	_ =	shalt  }
0x6f: {  	_ =	shalt  }
0x70: {  	_ =	shalt  }
0x71: {  	_ =	shalt  }
0x72: {  	_ =	shalt  }
0x73: {  	_ =	shalt  }
0x74: {  	_ =	shalt  }
0x75: {  	_ =	shalt  }
0x76: {  	_ =	shalt  }
0x77: {  	_ =	shalt  }
0x78: {  	_ =	shalt  }
0x79: {  	_ =	shalt  }
0x7a: {  	_ =	shalt  }
0x7b: {  	_ =	shalt  }
0x7c: {  	_ =	shalt  }
0x7d: {  	_ =	shalt  }
0x7e: {  	_ =	shalt  }
0x7f: {  	_ =	shalt  }
0x80: {  	_ =	shalt  }
0x81: {  	_ =	shalt  }
0x82: {  	_ =	shalt  }
0x83: {  	_ =	shalt  }
0x84: {  	_ =	shalt  }
0x85: {  	_ =	shalt  }
0x86: {  	_ =	shalt  }
0x87: {  	_ =	shalt  }
.Lfunc_end0:
.L_simem_size_0:
called_computation.1_lowered:
.L_overlay_start_0:
0x88: {  	s2 =	sld [smem:$0x3FD9]  }
0x89: {  	s3 =	sld [smem:$0x3FFE];
	_ =	sdelay $0x1  }
0x8a: {  	s1 =	srdreg.scid  }
0x8b: {  	s0 =	sand.u32 $0x1, s1  }
0x8c: {  	s17 =	sshll.u32 s0, $0xA;
	s2 =	sadd.s32 s3, s2  }
0x8d: {  	s2 =	sadd.s32 s2, s17  }
0x8e: {  	[smem:$0x3FC6] =	sst s2  }
0x8f: {  	_ = 	snop  }
0x90: {  	s2 =	sld [smem:$0x3FD0];
	(tm) =	ssettm $0x1  }
0x91: {  	s18 =	sld [smem:$0x3FFB];
	_ =	sdelay $0x3  }
0x92: {  	_ =	strace s18  }
0x93: {  	s3 =	sld [smem:$0x3FFC];
	_ =	sdelay $0x3  }
0x94: {  	_ =	strace s3  }
0x95: {  	s3 =	sld [smem:$0x3FFD];
	_ =	sdelay $0x3  }
0x96: {  	_ =	strace s3  }
0x97: {  	_ =	strace $0x8FFFFFFF  }
0x98: {  	s19 =	sld [smem:$0x3FDB];
	_ =	sdelay $0x1  }
0x99: {  	s4 =	simm.s32 $_scs_section_size  }
0x9a: {  	s5 =	simm.s32 $_size__tile_overlayer_lowered;
	s6 =	simm.s32 $_tile_overlayer_lowered  }
0x9b: {  	s22 =	simm.s32 $0x1BFF;
	s21 =	sshll.u32 s6, $0x1;
	s3 =	sadd.s32 s4, s19  }
0x9c: {  	s7 =	simm.s32 $0x0;
	s20 =	sshll.u32 s5, $0x1;
	s5 =	sadd.s32 s21, s3  }
0x9d: {  	[timem:s7], [sflag:s22] =	dma.local [hbm:s5], s20  }
0x9e: {  	_ =	swait.ge [sflag:s22], s20  }
0x9f: {  	s4 =	ssub.s32 $0x0, s20;
	[sflag:s22] =	ssyncset.done $0x0  }
0xa0: {  	[sflag:s22] =	ssyncadd.s32 s4;
	_ =	sdelay $0x1  }
0xa1: {  	s23 =	simm.s32 $0x1B8B  }
0xa2: {  	_ =	swait.ge [sflag:s23], $0x1  }
0xa3: {  	[sflag:s23] =	ssyncset.done $0x0  }
0xa4: {  	s25 =	simm.s32 $0x1B8E;
	s24 =	sld [smem:$0x3FFE];
	[sflag:s23] =	ssyncadd.s32 $0xFFFFFFFF  }
0xa5: {  	s26 =	simm.s32 $execute0_lowered;
	[smem:$0x3FD2] =	sst s25  }
0xa6: {  	s5 =	sshll.u32 s26, $0x1;
	_ =	strace $0x80000046;
	[dreg:$0x1] =	wrdreg $0xFFFFFFFF  }
0xa7: {  	s28 =	simm.s32 $_size_execute0_lowered;
	s3 =	sadd.s32 s3, s5;
	[dreg:$0x0] =	wrdreg $0x0  }
0xa8: {  	s5 =	sshll.u32 s28, $0x1;
	[dreg:$0x2] =	wrdreg s3  }
0xa9: {  	[dreg:$0x3] =	wrdreg s5  }
0xaa: {  	[dreg:$0x4] =	wrdreg $0xC0  }
0xab: {  	_ =	task [dreg:s7], $0x5FFFF  }
0xac: {  	[dreg:$0x1] =	wrdreg $0xFFFFFFFF  }
0xad: {  	[dreg:$0x0] =	wrdreg $0x60  }
0xae: {  	[dreg:$0x2] =	wrdreg s2  }
0xaf: {  	[dreg:$0x3] =	wrdreg s24  }
0xb0: {  	[dreg:$0x4] =	wrdreg $0x9  }
0xb1: {  	_ =	task.clear_ibuf [dreg:s7], $0x5FFFF;
	_ =	strace $0x90000046  }
0xb2: {  	s29 =	simm.s32 $0x9;
	_ =	strace $0x80000048  }
0xb3: {  	_ =	swait.ge [sflag:s29], $0x1  }
0xb4: {  	[sflag:s29] =	ssyncadd.s32 $0xFFFFFFFF  }
0xb5: {  	_ =	strace $0x90000048  }
0xb6: {  	_ =	sfence  }
0xb7: {  	s30 =	sld [smem:$0x0];
	_ =	sdelay $0x2  }
0xb8: {  	s31 =	sshll.u32 s1, $0xD;
	s1 =	sshrl.u32 s1, $0x2  }
0xb9: {  	s3 =	sand.u32 $0x4000, s31;
	s1 =	sadd.s32 s1, s30  }
0xba: {  	s0 =	sor.u32 s3, s0;
	s1 =	sshll.u32 s1, $0x11  }
0xbb: {  	s0 =	sor.u32 s1, s0  }
0xbc: {  	s0 =	sadd.s32 $0x8F2B, s0  }
0xbd: {  	[sflag:s0] =	ssyncadd.remote.s32 $0x1  }
0xbe: {  	_ =	sfence.sel $0xFFFF  }
0xbf: {  	[dreg:$0x0] =	wrdreg $0xFFFFFFFF;
	(pc) =	sbr.abs _section_cstart, $3  }
0xc0: {  	[dreg:$0x1] =	wrdreg $0xFFFFFFFF  }
0xc1: {  	_ =	task.clear_ibuf [dreg:s7], $0x2FFFF;
	_ =	strace $0x9FFFFFFF  }
0xc2: {  	(tm) =	ssettm $0x7FFFFFFF  }
0xc3: {  	_ =	shalt  }
tec
execute0_lowered:
.L_overlay_start_1:
0x0: {  	(tag) =	ssettag $0x1  }
0x1: {  	s7 =	rddreg [dreg:$0x0]  }
0x2: {  	s4 =	rddreg [dreg:$0x1]  }
0x3: {  	s0 =	rddreg [dreg:$0x2]  }
0x4: {  	s2 =	simm.s32 $0x0;
	s3 =	srdreg.scid;
	s1 =	stileid.u32  }
0x5: {  	s31 =	simm.s32 $0x100;
	s13 =	simm.s32 $0x180;
	s14 =	simm.s32 $0x3  }
0x6: {  	s15 =	simm.s32 $0x400;
	s17 =	simm.s32 $0x280;
	s16 =	simm.s32 $0x4  }
0x7: {  	s18 =	simm.s32 $0x4400;
	s19 =	simm.s32 $0x300;
	s20 =	simm.s32 $0x380  }
0x8: {  	[smem:$0x7FF] =	sst s2;
	s8 =	sand.u32 $0x1, s3;
	s3 =	sadd.s32 $0x800, s4  }
0x9: {  	s6 =	sshll.u32 s1, $0x1;
	s4 =	sadd.s32 $0x3F000, s4;
	s29 =	sshll.u32 s1, $0x12  }
0xa: {  	s10 =	sshll.u32 s1, $0x16;
	_ =	strace $0x80000047;
	[dreg:$0x5] =	wrdreg s31  }
0xb: {  	s11 =	sshll.u32 s1, $0xF;
	s5 =	ssub.s32 $0x2, s8;
	[dreg:$0x6] =	wrdreg s13  }
0xc: {  	s6 =	sor.u32 s8, s6;
	s12 =	sshll.u32 s8, $0x15;
	[dreg:$0x7] =	wrdreg s17  }
0xd: {  	s30 =	sshll.u32 s8, $0xE;
	s8 =	sshll.u32 s8, $0x11;
	[dreg:$0x8] =	wrdreg s18  }
0xe: {  	s13 =	simm.s32 $0xC400;
	s17 =	simm.s32 $0x2;
	[dreg:$0x9] =	wrdreg s19  }
0xf: {  	s18 =	simm.s32 $0x5;
	s19 =	simm.s32 $0x6;
	[dreg:$0xa] =	wrdreg s20  }
0x10: {  	s20 =	simm.s32 $0x0;
	s9 =	sshrl.u32 s5, $0x1;
	s28 =	sshll.u32 s6, $0xE  }
0x11: {  	s6 =	sshll.u32 s6, $0x15;
	s10 =	sor.u32 s12, s10;
	s12 =	simm.s32 $0x8400  }
0x12: {  	s9 =	ssub.s32 s5, s9;
	s5 =	sadd.s32 s7, s28;
	[dreg:$0x3] =	wrdreg s6  }
0x13: {  	s7 =	sadd.s32 s11, s7;
	[dreg:$0x4] =	wrdreg s10;
	s10 =	simm.s32 $0x200  }
0x14: {  	s6 =	smax.u32 s9, $0x1;
	s11 =	sadd.s32 s30, s7;
	s7 =	sor.u32 s8, s29  }
0x15: {  	s9 =	simm.s32 $0x1;
	s8 =	sadd.s32 $0x80, s11;
	s11 =	simm.s32 $0x80  }
.LBB2_1:
0x16: {  	[tilespmem:s2], [sflag:$0x1] =	stream.linear.gather [hbm4b:s5+s2], $0x200, $0x38;
	[tilespmem:$0x10400] =	vst v63  }
0x17: {  	s21 =	simm.s32 $0x0;
	s22 =	smov.u32 s8  }
0x18: {  	s23 =	smov.u32 s7;
	s24 =	simm.s32 $0x0;
	s25 =	simm.s32 $0x0  }
.LBB2_2:
0x19: {  	_ =	swait.ge [sflag:s9], $0x200  }
0x1a: {  	[sflag:s9] =	ssyncset.done $0x0  }
0x1b: {  	s26 =	sadd.s32 $0xFFFFFFC0, s22;
	[sflag:s9] =	ssyncadd.s32 $0xFFFFFE00  }
0x1c: {  	[tilespmem:s10], [sflag:$0x2] =	stream.linear.gather [hbm4b:s26+s2], $0x200, $0x38;
	[tilespmem:$0x10400] =	vst v63  }
0x1d: {  	v0 =	vld [tilespmem:$0x0]  }
0x1e: {  	v1 =	vld [tilespmem:$0x10]  }
0x1f: {  	v2 =	vld [tilespmem:$0x20]  }
0x20: {  	v3 =	vld [tilespmem:$0x30]  }
0x21: {  	v4 =	vld [tilespmem:$0x40]  }
0x22: {  	v5 =	vld [tilespmem:$0x50]  }
0x23: {  	v6 =	vld [tilespmem:$0x60]  }
0x24: {  	v7 =	vld [tilespmem:$0x70]  }
0x25: {  	v8 =	vld [tilespmem:$0x80]  }
0x26: {  	v9 =	vld [tilespmem:$0x90]  }
0x27: {  	v10 =	vld [tilespmem:$0xA0];
	vm0 =	vgt.s32 v0, $0xFFFFE0C0  }
0x28: {  	v11 =	vld [tilespmem:$0xB0];
	vm8 =	vgt.s32 v1, $0xFFFFE0C0;
	vm9 =	vgt.s32 v2, $0xFFFFE0C0;
	vm10 =	vgt.s32 v3, $0xFFFFE0C0  }
0x29: {  	v13 =	vld [tilespmem:$0xD0];
	vm12 =	vgt.s32 v4, $0xFFFFE0C0;
	vm14 =	vgt.s32 v5, $0xFFFFE0C0;
	vm15 =	vgt.s32 v6, $0xFFFFE0C0  }
0x2a: {  	v14 =	vld [tilespmem:$0xE0];
	vm5 =	vgt.s32 v7, $0xFFFFE0C0;
	vm7 =	vgt.s32 v8, $0xFFFFE0C0;
	v0 =	vnsel vm0, $0xFFFFE0C0, v0  }
0x2b: {  	v1 =	vnsel vm8, $0xFFFFE0C0, v1;
	v2 =	vnsel vm9, $0xFFFFE0C0, v2;
	v3 =	vnsel vm10, $0xFFFFE0C0, v3  }
0x2c: {  	v4 =	vnsel vm12, $0xFFFFE0C0, v4;
	v5 =	vnsel vm14, $0xFFFFE0C0, v5;
	v6 =	vnsel vm15, $0xFFFFE0C0, v6  }
0x2d: {  	v16 =	vld [tilespmem:$0x100];
	v7 =	vnsel vm5, $0xFFFFE0C0, v7;
	v8 =	vnsel vm7, $0xFFFFE0C0, v8;
	vm8 =	vgt.s32 v9, $0xFFFFE0C0  }
0x2e: {  	v17 =	vld [tilespmem:$0x110];
	vm10 =	vgt.s32 v10, $0xFFFFE0C0;
	vm12 =	vgt.s32 v11, $0xFFFFE0C0;
	vm15 =	vgt.s32 v13, $0xFFFFE0C0  }
0x2f: {  	v44 =	vld [tilespmem:$0x140];
	vm5 =	vgt.s32 v14, $0xFFFFE0C0;
	vm1 =	vlt.s32 v0, $0x1F3F;
	vm0 =	vlt.s32 v1, $0x1F3F  }
0x30: {  	vm11 =	vlt.s32 v2, $0x1F3F;
	vm13 =	vlt.s32 v3, $0x1F3F;
	vm4 =	vlt.s32 v5, $0x1F3F  }
0x31: {  	vm6 =	vlt.s32 v6, $0x1F3F;
	vm9 =	vlt.s32 v8, $0x1F3F;
	v9 =	vnsel vm8, $0xFFFFE0C0, v9  }
0x32: {  	v12 =	vld [tilespmem:$0xC0];
	v10 =	vnsel vm10, $0xFFFFE0C0, v10;
	v11 =	vnsel vm12, $0xFFFFE0C0, v11;
	v13 =	vnsel vm15, $0xFFFFE0C0, v13  }
0x33: {  	v15 =	vld [tilespmem:$0xF0];
	v37 =	vnsel vm5, $0xFFFFE0C0, v14;
	vm8 =	vgt.s32 v16, $0xFFFFE0C0;
	vm10 =	vgt.s32 v17, $0xFFFFE0C0  }
0x34: {  	v50 =	vld [tilespmem:$0x170];
	vm15 =	vgt.s32 v44, $0xFFFFE0C0;
	v0 =	vnsel vm1, $0x1F3F, v0;
	v1 =	vnsel vm0, $0x1F3F, v1  }
0x35: {  	v2 =	vnsel vm11, $0x1F3F, v2;
	v3 =	vnsel vm13, $0x1F3F, v3;
	vm0 =	vlt.s32 v4, $0x1F3F  }
0x36: {  	v5 =	vnsel vm4, $0x1F3F, v5;
	v6 =	vnsel vm6, $0x1F3F, v6;
	v8 =	vnsel vm9, $0x1F3F, v8  }
0x37: {  	vm11 =	vlt.s32 v9, $0x1F3F;
	vm13 =	vgt.s32 v12, $0xFFFFE0C0;
	vm14 =	vlt.s32 v11, $0x1F3F  }
0x38: {  	v38 =	vld [tilespmem:$0x120];
	vm6 =	vgt.s32 v15, $0xFFFFE0C0;
	vm7 =	vlt.s32 v37, $0x1F3F;
	v42 =	vnsel vm8, $0xFFFFE0C0, v16  }
0x39: {  	v40 =	vld [tilespmem:$0x130];
	v45 =	vnsel vm10, $0xFFFFE0C0, v17;
	vm8 =	vgt.s32 v50, $0xFFFFE0C0;
	v0 =	vadd.s32 $0x1F40, v0  }
0x3a: {  	v48 =	vld [tilespmem:$0x160];
	v1 =	vadd.s32 $0x1F40, v1;
	v2 =	vadd.s32 $0x1F40, v2;
	v3 =	vadd.s32 $0x1F40, v3  }
0x3b: {  	v4 =	vnsel vm0, $0x1F3F, v4;
	v5 =	vadd.s32 $0x1F40, v5;
	vm0 =	vlt.s32 v7, $0x1F3F  }
0x3c: {  	v6 =	vadd.s32 $0x1F40, v6;
	v8 =	vadd.s32 $0x1F40, v8;
	v9 =	vnsel vm11, $0x1F3F, v9  }
0x3d: {  	v12 =	vnsel vm13, $0xFFFFE0C0, v12;
	v11 =	vnsel vm14, $0x1F3F, v11;
	v39 =	vnsel vm6, $0xFFFFE0C0, v15  }
0x3e: {  	v53 =	vld [tilespmem:$0x190];
	v41 =	vnsel vm7, $0x1F3F, v37;
	vm11 =	vgt.s32 v38, $0xFFFFE0C0;
	vm12 =	vlt.s32 v45, $0x1F3F  }
0x3f: {  	v59 =	vld [tilespmem:$0x1A0];
	vm13 =	vgt.s32 v40, $0xFFFFE0C0;
	vm6 =	vgt.s32 v48, $0xFFFFE0C0;
	v61 =	vnsel vm8, $0xFFFFE0C0, v50;
	[tilespmem:$0x0] =	vst v0  }
0x40: {  	v4 =	vadd.s32 $0x1F40, v4;
	v7 =	vnsel vm0, $0x1F3F, v7;
	vm0 =	vlt.s32 v10, $0x1F3F;
	[tilespmem:$0x10] =	vst v1  }
0x41: {  	v9 =	vadd.s32 $0x1F40, v9;
	vm4 =	vlt.s32 v12, $0x1F3F;
	v11 =	vadd.s32 $0x1F40, v11;
	[tilespmem:$0x20] =	vst v2  }
0x42: {  	v46 =	vld [tilespmem:$0x150];
	vm9 =	vlt.s32 v39, $0x1F3F;
	[tilespmem:$0x30] =	vst v3;
	v2 =	vadd.s32 $0x1F40, v41;
	v47 =	vnsel vm11, $0xFFFFE0C0, v38  }
0x43: {  	v51 =	vld [tilespmem:$0x180];
	[tilespmem:$0x50] =	vst v5;
	v5 =	vnsel vm12, $0x1F3F, v45;
	v49 =	vnsel vm13, $0xFFFFE0C0, v40;
	v54 =	vnsel vm6, $0xFFFFE0C0, v48  }
0x44: {  	[tilespmem:$0x60] =	vst v6;
	vm10 =	vlt.s32 v61, $0x1F3F;
	vm11 =	vgt.s32 v53, $0xFFFFE0C0;
	vm13 =	vgt.s32 v59, $0xFFFFE0C0  }
0x45: {  	v62 =	vld [tilespmem:$0x1B0];
	[tilespmem:$0x80] =	vst v8;
	v7 =	vadd.s32 $0x1F40, v7;
	v10 =	vnsel vm0, $0x1F3F, v10;
	v12 =	vnsel vm4, $0x1F3F, v12  }
0x46: {  	v19 =	vld [tilespmem:$0x1F0];
	vm0 =	vlt.s32 v13, $0x1F3F;
	v1 =	vnsel vm9, $0x1F3F, v39;
	[tilespmem:$0x40] =	vst v4;
	vm14 =	vlt.s32 v47, $0x1F3F  }
0x47: {  	v14 =	vld [tilespmem:$0x1D0];
	v5 =	vadd.s32 $0x1F40, v5;
	[tilespmem:$0x90] =	vst v9;
	v4 =	vnsel vm15, $0xFFFFE0C0, v44;
	vm4 =	vgt.s32 v46, $0xFFFFE0C0  }
0x48: {  	[tilespmem:$0xB0] =	vst v11;
	vm9 =	vgt.s32 v51, $0xFFFFE0C0;
	v16 =	vnsel vm13, $0xFFFFE0C0, v59;
	v10 =	vadd.s32 $0x1F40, v10  }
0x49: {  	[tilespmem:$0xE0] =	vst v2;
	v12 =	vadd.s32 $0x1F40, v12;
	v13 =	vnsel vm0, $0x1F3F, v13;
	vm0 =	vlt.s32 v42, $0x1F3F  }
0x4a: {  	v1 =	vadd.s32 $0x1F40, v1;
	[tilespmem:$0x70] =	vst v7;
	v6 =	vnsel vm14, $0x1F3F, v47;
	vm5 =	vlt.s32 v4, $0x1F3F  }
0x4b: {  	v52 =	vnsel vm4, $0xFFFFE0C0, v46;
	v63 =	vnsel vm9, $0xFFFFE0C0, v51;
	[tilespmem:$0x110] =	vst v5;
	vm14 =	vgt.s32 v62, $0xFFFFE0C0  }
0x4c: {  	vm15 =	vlt.s32 v16, $0x1F3F;
	vm6 =	vgt.s32 v14, $0xFFFFE0C0;
	vm9 =	vgt.s32 v19, $0xFFFFE0C0;
	[tilespmem:$0xA0] =	vst v10  }
0x4d: {  	v36 =	vadd.s32 $0x1F40, v13;
	v43 =	vnsel vm0, $0x1F3F, v42;
	vm0 =	vlt.s32 v49, $0x1F3F;
	[tilespmem:$0xC0] =	vst v12  }
0x4e: {  	v6 =	vadd.s32 $0x1F40, v6;
	v4 =	vnsel vm5, $0x1F3F, v4;
	vm7 =	vlt.s32 v52, $0x1F3F;
	[tilespmem:$0xF0] =	vst v1  }
0x4f: {  	v17 =	vld [tilespmem:$0x1E0];
	vm12 =	vlt.s32 v63, $0x1F3F;
	v13 =	vnsel vm11, $0xFFFFE0C0, v53;
	v18 =	vnsel vm14, $0xFFFFE0C0, v62;
	[tilespmem:$0xD0] =	vst v36  }
0x50: {  	v20 =	vnsel vm15, $0x1F3F, v16;
	v24 =	vnsel vm6, $0xFFFFE0C0, v14;
	v3 =	vadd.s32 $0x1F40, v43;
	[tilespmem:$0x120] =	vst v6  }
0x51: {  	v27 =	vnsel vm9, $0xFFFFE0C0, v19;
	v7 =	vnsel vm0, $0x1F3F, v49;
	v55 =	vadd.s32 $0x1F40, v4;
	[tilespmem:$0x100] =	vst v3  }
0x52: {  	v56 =	vnsel vm7, $0x1F3F, v52;
	vm0 =	vlt.s32 v54, $0x1F3F;
	v1 =	vadd.s32 $0x1F40, v20;
	[tilespmem:$0x140] =	vst v55  }
0x53: {  	v12 =	vld [tilespmem:$0x1C0];
	v4 =	vnsel vm10, $0x1F3F, v61;
	vm5 =	vlt.s32 v18, $0x1F3F;
	v7 =	vadd.s32 $0x1F40, v7;
	[tilespmem:$0x1A0] =	vst v1  }
0x54: {  	vm7 =	vgt.s32 v17, $0xFFFFE0C0;
	vm8 =	vlt.s32 v24, $0x1F3F;
	v57 =	vadd.s32 $0x1F40, v56;
	[tilespmem:$0x130] =	vst v7  }
0x55: {  	v58 =	vnsel vm0, $0x1F3F, v54;
	v4 =	vadd.s32 $0x1F40, v4;
	v3 =	vnsel vm12, $0x1F3F, v63;
	[tilespmem:$0x150] =	vst v57  }
0x56: {  	vm0 =	vlt.s32 v13, $0x1F3F;
	v2 =	vnsel vm5, $0x1F3F, v18;
	v60 =	vadd.s32 $0x1F40, v58;
	[tilespmem:$0x170] =	vst v4  }
0x57: {  	v25 =	vnsel vm7, $0xFFFFE0C0, v17;
	v26 =	vnsel vm8, $0x1F3F, v24;
	v3 =	vadd.s32 $0x1F40, v3;
	[tilespmem:$0x160] =	vst v60  }
0x58: {  	v5 =	vnsel vm0, $0x1F3F, v13;
	v2 =	vadd.s32 $0x1F40, v2;
	[tilespmem:$0x180] =	vst v3;
	vm4 =	vgt.s32 v12, $0xFFFFE0C0  }
0x59: {  	vm10 =	vlt.s32 v25, $0x1F3F;
	v28 =	vadd.s32 $0x1F40, v26;
	[tilespmem:$0x1B0] =	vst v2;
	v21 =	vnsel vm4, $0xFFFFE0C0, v12  }
0x5a: {  	v15 =	vadd.s32 $0x1F40, v5;
	v1 =	vnsel vm10, $0x1F3F, v25;
	[tilespmem:$0x1D0] =	vst v28;
	vm0 =	vlt.s32 v21, $0x1F3F  }
0x5b: {  	[tilespmem:$0x190] =	vst v15;
	v29 =	vadd.s32 $0x1F40, v1;
	v22 =	vnsel vm0, $0x1F3F, v21;
	vm0 =	vlt.s32 v27, $0x1F3F  }
0x5c: {  	[tilespmem:$0x1E0] =	vst v29;
	v23 =	vadd.s32 $0x1F40, v22;
	v30 =	vnsel vm0, $0x1F3F, v27  }
0x5d: {  	p0 =	sne.s32 s24, $0x0;
	[tilespmem:$0x1C0] =	vst v23;
	v31 =	vadd.s32 $0x1F40, v30  }
0x5e: {  	s26 =	simm.s32 @p0 $0x5;
	[tilespmem:$0x1F0] =	vst v31  }
0x5f: {  	_ =	swait.ge @p0 [sflag:s26], $0x8000  }
0x60: {  	s28 =	simm.s32 @p0 $0x0;
	[sflag:s26] =	ssyncset.done @p0 $0x0  }
0x61: {  	s29 =	simm.s32 @p0 $0x400;
	[sflag:s26] =	ssyncadd.s32 @p0 $0xFFFF8000;
	s26 =	simm.s32 @p0 $0x80  }
0x62: {  	[tilespmem:s29], [sflag:$0x3] =	stream.indirect.gather @p0 [hbm4b:s3+s26], $0x80, s28, s26, $0xb8;
	[tilespmem:$0x10400] =	vst v63  }
0x63: {  	s28 =	simm.s32 @p0 $0x4400  }
0x64: {  	[tilespmem:s28], [sflag:$0x3] =	stream.indirect.gather @p0 [hbm4b:s3+s26], $0x80, s26, s26, $0xb8;
	[tilespmem:$0x10400] =	vst v63  }
0x65: {  	s26 =	simm.s32 @p0 $0x6  }
0x66: {  	_ =	swait.ge @p0 [sflag:s26], $0x8000  }
0x67: {  	s29 =	simm.s32 @!p0 $0x400;
	[sflag:s26] =	ssyncset.done @p0 $0x0  }
0x68: {  	s28 =	simm.s32 @!p0 $0x0;
	[sflag:s26] =	ssyncadd.s32 @p0 $0xFFFF8000;
	s26 =	simm.s32 @!p0 $0x80  }
0x69: {  	[tilespmem:s29], [sflag:$0x3] =	stream.indirect.gather @!p0 [hbm4b:s3+s26], $0x80, s28, s26, $0xb8;
	[tilespmem:$0x10400] =	vst v63  }
0x6a: {  	s28 =	simm.s32 @!p0 $0x4400  }
0x6b: {  	[tilespmem:s28], [sflag:$0x3] =	stream.indirect.gather @!p0 [hbm4b:s3+s26], $0x80, s26, s26, $0xb8;
	[tilespmem:$0x10400] =	vst v63  }
0x6c: {  	s31 =	rddreg [dreg:$0x5]  }
0x6d: {  	[tilespmem:s12], [sflag:$0x4] =	stream.indirect.gather [hbm4b:s3+s11], $0x80, s31, s11, $0xb8;
	[tilespmem:$0x10400] =	vst v63  }
0x6e: {  	s28 =	rddreg [dreg:$0x6]  }
0x6f: {  	[tilespmem:s13], [sflag:$0x4] =	stream.indirect.gather [hbm4b:s3+s11], $0x80, s28, s11, $0xb8;
	[tilespmem:$0x10400] =	vst v63  }
0x70: {  	_ =	swait.ge [sflag:s14], $0x4000  }
0x71: {  	[sflag:s14] =	ssyncset.done $0x0  }
0x72: {  	[sflag:s14] =	ssyncadd.s32 $0xFFFFC000  }
0x73: {  	_ =	swait.ge [sflag:s14], $0x4000  }
0x74: {  	s29 =	rddreg [dreg:$0x4]  }
0x75: {  	s30 =	sand.u32 $0x1, s25;
	s26 =	sadd.s32 s24, s29  }
0x76: {  	p1 =	seq.s32 s30, $0x1;
	p6 =	seq.s32 s26, $0x0  }
0x77: {  	p0 =	por !p6, !p1  }
0x78: {  	s26 =	simm.s32 $0x1;
	p0 =	por !p0, !p0  }
0x79: {  	s31 =	sshrl.u32 s23, $0xB;
	s26 =	simm.s32 @!p0 $0x0  }
0x7a: {  	s26 =	ssub.s32 s31, s26  }
0x7b: {  	s29 =	sand.u32 $0x20000, s21;
	s26 =	sshll.u32 s26, $0x12  }
0x7c: {  	s26 =	sor.u32 s29, s26  }
0x7d: {  	[sflag:s14] =	ssyncset.done $0x0;
	s26 =	sshrl.u32 s26, $0x3  }
0x7e: {  	[sflag:s14] =	ssyncadd.s32 $0xFFFFC000;
	s26 =	sadd.s32 s4, s26  }
0x7f: {  	[hbm4b:s26+s2] =	stream.linear.scatter [tilespmem:s15], [sflag:$0x5], $0x8000, $0x38;
	[tilespmem:$0x10400] =	vst v63  }
0x80: {  	_ =	swait.ge [sflag:s16], $0x4000  }
0x81: {  	[sflag:s16] =	ssyncset.done $0x0  }
0x82: {  	[sflag:s16] =	ssyncadd.s32 $0xFFFFC000  }
0x83: {  	_ =	swait.ge [sflag:s16], $0x4000  }
0x84: {  	s30 =	sand.u32 $0x1F8000, s24;
	s31 =	sand.u32 $0x4000, s24;
	s26 =	rddreg [dreg:$0x3]  }
0x85: {  	s26 =	sor.u32 s26, s30;
	s30 =	sadd.s32 s31, s4  }
0x86: {  	[sflag:s16] =	ssyncset.done $0x0;
	s26 =	sadd.s32 s26, s30  }
0x87: {  	[sflag:s16] =	ssyncadd.s32 $0xFFFFC000;
	s28 =	sadd.s32 $0x1000, s26  }
0x88: {  	[hbm4b:s28+s2] =	stream.linear.scatter [tilespmem:s12], [sflag:$0x6], $0x8000, $0x38;
	[tilespmem:$0x10400] =	vst v63  }
0x89: {  	_ =	swait.ge [sflag:s17], $0x200  }
0x8a: {  	p0 =	seq.s32 s24, $0x1FC000;
	[sflag:s17] =	ssyncset.done $0x0  }
0x8b: {  	s28 =	simm.s32 @!p0 $0x0;
	[sflag:s17] =	ssyncadd.s32 $0xFFFFFE00  }
0x8c: {  	[tilespmem:s28], [sflag:$0x1] =	stream.linear.gather @!p0 [hbm4b:s22+s28], $0x200, $0x38;
	[tilespmem:$0x10400] =	vst v63  }
0x8d: {  	v32 =	vld [tilespmem:$0x200]  }
0x8e: {  	v33 =	vld [tilespmem:$0x210]  }
0x8f: {  	v34 =	vld [tilespmem:$0x220]  }
0x90: {  	v35 =	vld [tilespmem:$0x230]  }
0x91: {  	v36 =	vld [tilespmem:$0x240]  }
0x92: {  	v37 =	vld [tilespmem:$0x250]  }
0x93: {  	v38 =	vld [tilespmem:$0x260]  }
0x94: {  	v39 =	vld [tilespmem:$0x270]  }
0x95: {  	v40 =	vld [tilespmem:$0x280]  }
0x96: {  	v41 =	vld [tilespmem:$0x290]  }
0x97: {  	v42 =	vld [tilespmem:$0x2A0]  }
0x98: {  	v43 =	vld [tilespmem:$0x2B0]  }
0x99: {  	v44 =	vld [tilespmem:$0x2C0]  }
0x9a: {  	v45 =	vld [tilespmem:$0x2D0];
	vm11 =	vgt.s32 v32, $0xFFFFE0C0  }
0x9b: {  	v46 =	vld [tilespmem:$0x2E0];
	vm12 =	vgt.s32 v33, $0xFFFFE0C0;
	vm13 =	vgt.s32 v34, $0xFFFFE0C0;
	vm14 =	vgt.s32 v35, $0xFFFFE0C0  }
0x9c: {  	v47 =	vld [tilespmem:$0x2F0];
	vm4 =	vgt.s32 v36, $0xFFFFE0C0;
	vm5 =	vgt.s32 v37, $0xFFFFE0C0;
	vm6 =	vgt.s32 v38, $0xFFFFE0C0  }
0x9d: {  	v48 =	vld [tilespmem:$0x300];
	vm8 =	vgt.s32 v39, $0xFFFFE0C0;
	vm9 =	vgt.s32 v40, $0xFFFFE0C0;
	vm10 =	vgt.s32 v41, $0xFFFFE0C0  }
0x9e: {  	v49 =	vld [tilespmem:$0x310];
	v0 =	vnsel vm11, $0xFFFFE0C0, v32;
	v1 =	vnsel vm12, $0xFFFFE0C0, v33;
	v2 =	vnsel vm13, $0xFFFFE0C0, v34  }
0x9f: {  	v3 =	vnsel vm14, $0xFFFFE0C0, v35;
	v4 =	vnsel vm4, $0xFFFFE0C0, v36;
	v5 =	vnsel vm5, $0xFFFFE0C0, v37  }
0xa0: {  	v18 =	vld [tilespmem:$0x320];
	v6 =	vnsel vm6, $0xFFFFE0C0, v38;
	v7 =	vnsel vm8, $0xFFFFE0C0, v39;
	v8 =	vnsel vm9, $0xFFFFE0C0, v40  }
0xa1: {  	v19 =	vld [tilespmem:$0x330];
	v9 =	vnsel vm10, $0xFFFFE0C0, v41;
	vm12 =	vgt.s32 v42, $0xFFFFE0C0;
	vm13 =	vgt.s32 v43, $0xFFFFE0C0  }
0xa2: {  	v52 =	vld [tilespmem:$0x340];
	vm14 =	vgt.s32 v44, $0xFFFFE0C0;
	vm4 =	vgt.s32 v45, $0xFFFFE0C0;
	vm5 =	vgt.s32 v46, $0xFFFFE0C0  }
0xa3: {  	v55 =	vld [tilespmem:$0x350];
	vm6 =	vgt.s32 v47, $0xFFFFE0C0;
	vm8 =	vgt.s32 v48, $0xFFFFE0C0;
	vm9 =	vgt.s32 v49, $0xFFFFE0C0  }
0xa4: {  	v61 =	vld [tilespmem:$0x360];
	vm0 =	vlt.s32 v0, $0x1F3F;
	vm1 =	vlt.s32 v1, $0x1F3F;
	vm15 =	vlt.s32 v2, $0x1F3F  }
0xa5: {  	v63 =	vld [tilespmem:$0x370];
	vm7 =	vlt.s32 v5, $0x1F3F;
	vm11 =	vlt.s32 v8, $0x1F3F;
	v10 =	vnsel vm12, $0xFFFFE0C0, v42  }
0xa6: {  	v11 =	vnsel vm13, $0xFFFFE0C0, v43;
	v12 =	vnsel vm14, $0xFFFFE0C0, v44;
	v13 =	vnsel vm4, $0xFFFFE0C0, v45  }
0xa7: {  	v14 =	vnsel vm5, $0xFFFFE0C0, v46;
	v15 =	vnsel vm6, $0xFFFFE0C0, v47;
	v16 =	vnsel vm8, $0xFFFFE0C0, v48  }
0xa8: {  	v23 =	vld [tilespmem:$0x380];
	v17 =	vnsel vm9, $0xFFFFE0C0, v49;
	vm12 =	vgt.s32 v18, $0xFFFFE0C0;
	vm13 =	vgt.s32 v19, $0xFFFFE0C0  }
0xa9: {  	v25 =	vld [tilespmem:$0x390];
	vm4 =	vgt.s32 v52, $0xFFFFE0C0;
	vm5 =	vgt.s32 v55, $0xFFFFE0C0;
	vm8 =	vgt.s32 v61, $0xFFFFE0C0  }
0xaa: {  	v29 =	vld [tilespmem:$0x3A0];
	vm9 =	vgt.s32 v63, $0xFFFFE0C0;
	v0 =	vnsel vm0, $0x1F3F, v0;
	v1 =	vnsel vm1, $0x1F3F, v1  }
0xab: {  	v31 =	vld [tilespmem:$0x3B0];
	v2 =	vnsel vm15, $0x1F3F, v2;
	vm0 =	vlt.s32 v3, $0x1F3F;
	vm1 =	vlt.s32 v4, $0x1F3F  }
0xac: {  	v5 =	vnsel vm7, $0x1F3F, v5;
	v8 =	vnsel vm11, $0x1F3F, v8;
	vm15 =	vlt.s32 v11, $0x1F3F  }
0xad: {  	vm7 =	vlt.s32 v14, $0x1F3F;
	vm10 =	vlt.s32 v16, $0x1F3F;
	vm11 =	vlt.s32 v17, $0x1F3F  }
0xae: {  	v57 =	vnsel vm12, $0xFFFFE0C0, v18;
	v59 =	vnsel vm13, $0xFFFFE0C0, v19;
	v19 =	vnsel vm4, $0xFFFFE0C0, v52  }
0xaf: {  	v21 =	vnsel vm5, $0xFFFFE0C0, v55;
	vm12 =	vgt.s32 v23, $0xFFFFE0C0;
	vm13 =	vgt.s32 v25, $0xFFFFE0C0  }
0xb0: {  	vm4 =	vgt.s32 v29, $0xFFFFE0C0;
	vm5 =	vgt.s32 v31, $0xFFFFE0C0;
	v3 =	vnsel vm0, $0x1F3F, v3  }
0xb1: {  	v4 =	vnsel vm1, $0x1F3F, v4;
	vm0 =	vlt.s32 v6, $0x1F3F;
	v0 =	vadd.s32 $0x1F40, v0  }
0xb2: {  	vm1 =	vlt.s32 v7, $0x1F3F;
	v11 =	vnsel vm15, $0x1F3F, v11;
	v50 =	vadd.s32 $0x1F40, v1;
	[tilespmem:$0x200] =	vst v0  }
0xb3: {  	v14 =	vnsel vm7, $0x1F3F, v14;
	v51 =	vnsel vm10, $0x1F3F, v16;
	v53 =	vadd.s32 $0x1F40, v2;
	[tilespmem:$0x210] =	vst v50  }
0xb4: {  	v54 =	vnsel vm11, $0x1F3F, v17;
	vm14 =	vlt.s32 v57, $0x1F3F;
	v60 =	vadd.s32 $0x1F40, v5;
	[tilespmem:$0x220] =	vst v53  }
0xb5: {  	vm15 =	vlt.s32 v59, $0x1F3F;
	v20 =	vadd.s32 $0x1F40, v8;
	vm6 =	vlt.s32 v19, $0x1F3F;
	[tilespmem:$0x250] =	vst v60  }
0xb6: {  	vm7 =	vlt.s32 v21, $0x1F3F;
	v5 =	vnsel vm8, $0xFFFFE0C0, v61;
	v56 =	vadd.s32 $0x1F40, v3;
	[tilespmem:$0x280] =	vst v20  }
0xb7: {  	v34 =	vnsel vm13, $0xFFFFE0C0, v25;
	v41 =	vnsel vm4, $0xFFFFE0C0, v29;
	v58 =	vadd.s32 $0x1F40, v4;
	[tilespmem:$0x230] =	vst v56  }
0xb8: {  	v43 =	vnsel vm5, $0xFFFFE0C0, v31;
	v6 =	vnsel vm0, $0x1F3F, v6;
	v26 =	vadd.s32 $0x1F40, v11;
	[tilespmem:$0x240] =	vst v58  }
0xb9: {  	v7 =	vnsel vm1, $0x1F3F, v7;
	vm0 =	vlt.s32 v9, $0x1F3F;
	v30 =	vadd.s32 $0x1F40, v14;
	[tilespmem:$0x2B0] =	vst v26  }
0xba: {  	vm1 =	vlt.s32 v10, $0x1F3F;
	v3 =	vnsel vm14, $0x1F3F, v57;
	v33 =	vadd.s32 $0x1F40, v51;
	[tilespmem:$0x2E0] =	vst v30  }
0xbb: {  	v4 =	vnsel vm15, $0x1F3F, v59;
	v8 =	vnsel vm7, $0x1F3F, v21;
	v35 =	vadd.s32 $0x1F40, v54;
	[tilespmem:$0x300] =	vst v33  }
0xbc: {  	vm10 =	vlt.s32 v5, $0x1F3F;
	vm15 =	vlt.s32 v34, $0x1F3F;
	v62 =	vadd.s32 $0x1F40, v6;
	[tilespmem:$0x310] =	vst v35  }
0xbd: {  	v37 =	vld [tilespmem:$0x3C0];
	vm7 =	vlt.s32 v43, $0x1F3F;
	v9 =	vnsel vm0, $0x1F3F, v9;
	v18 =	vadd.s32 $0x1F40, v7;
	[tilespmem:$0x260] =	vst v62  }
0xbe: {  	v39 =	vld [tilespmem:$0x3D0];
	v10 =	vnsel vm1, $0x1F3F, v10;
	vm0 =	vlt.s32 v12, $0x1F3F;
	v38 =	vadd.s32 $0x1F40, v3;
	[tilespmem:$0x270] =	vst v18  }
0xbf: {  	vm1 =	vlt.s32 v13, $0x1F3F;
	v7 =	vnsel vm6, $0x1F3F, v19;
	v40 =	vadd.s32 $0x1F40, v4;
	[tilespmem:$0x320] =	vst v38  }
0xc0: {  	v6 =	vnsel vm9, $0xFFFFE0C0, v63;
	v5 =	vnsel vm10, $0x1F3F, v5;
	v44 =	vadd.s32 $0x1F40, v8;
	[tilespmem:$0x330] =	vst v40  }
0xc1: {  	v1 =	vnsel vm15, $0x1F3F, v34;
	vm6 =	vlt.s32 v41, $0x1F3F;
	v22 =	vadd.s32 $0x1F40, v9;
	[tilespmem:$0x350] =	vst v44  }
0xc2: {  	v45 =	vld [tilespmem:$0x3E0];
	v47 =	vnsel vm7, $0x1F3F, v43;
	vm8 =	vgt.s32 v37, $0xFFFFE0C0;
	v24 =	vadd.s32 $0x1F40, v10;
	[tilespmem:$0x290] =	vst v22  }
0xc3: {  	v48 =	vld [tilespmem:$0x3F0];
	vm9 =	vgt.s32 v39, $0xFFFFE0C0;
	v12 =	vnsel vm0, $0x1F3F, v12;
	v42 =	vadd.s32 $0x1F40, v7;
	[tilespmem:$0x2A0] =	vst v24  }
0xc4: {  	v13 =	vnsel vm1, $0x1F3F, v13;
	vm0 =	vlt.s32 v15, $0x1F3F;
	v46 =	vadd.s32 $0x1F40, v5;
	[tilespmem:$0x340] =	vst v42  }
0xc5: {  	vm11 =	vlt.s32 v6, $0x1F3F;
	v9 =	vnsel vm12, $0xFFFFE0C0, v23;
	v53 =	vadd.s32 $0x1F40, v1;
	[tilespmem:$0x360] =	vst v46  }
0xc6: {  	v4 =	vnsel vm6, $0x1F3F, v41;
	v50 =	vnsel vm8, $0xFFFFE0C0, v37;
	v56 =	vadd.s32 $0x1F40, v47;
	[tilespmem:$0x390] =	vst v53  }
0xc7: {  	v52 =	vnsel vm9, $0xFFFFE0C0, v39;
	vm12 =	vgt.s32 v45, $0xFFFFE0C0;
	v27 =	vadd.s32 $0x1F40, v12;
	[tilespmem:$0x3B0] =	vst v56  }
0xc8: {  	vm13 =	vgt.s32 v48, $0xFFFFE0C0;
	v15 =	vnsel vm0, $0x1F3F, v15;
	v28 =	vadd.s32 $0x1F40, v13;
	[tilespmem:$0x2C0] =	vst v27  }
0xc9: {  	v6 =	vnsel vm11, $0x1F3F, v6;
	vm14 =	vlt.s32 v9, $0x1F3F;
	v55 =	vadd.s32 $0x1F40, v4;
	[tilespmem:$0x2D0] =	vst v28  }
0xca: {  	vm10 =	vlt.s32 v50, $0x1F3F;
	vm11 =	vlt.s32 v52, $0x1F3F;
	v32 =	vadd.s32 $0x1F40, v15;
	[tilespmem:$0x3A0] =	vst v55  }
0xcb: {  	v57 =	vnsel vm12, $0xFFFFE0C0, v45;
	v36 =	vnsel vm14, $0x1F3F, v9;
	v49 =	vadd.s32 $0x1F40, v6;
	[tilespmem:$0x2F0] =	vst v32  }
0xcc: {  	v59 =	vnsel vm13, $0xFFFFE0C0, v48;
	v54 =	vnsel vm10, $0x1F3F, v50;
	[tilespmem:$0x370] =	vst v49;
	v51 =	vadd.s32 $0x1F40, v36  }
0xcd: {  	v2 =	vnsel vm11, $0x1F3F, v52;
	vm14 =	vlt.s32 v57, $0x1F3F;
	v58 =	vadd.s32 $0x1F40, v54;
	[tilespmem:$0x380] =	vst v51  }
0xce: {  	vm15 =	vlt.s32 v59, $0x1F3F;
	v60 =	vadd.s32 $0x1F40, v2;
	v61 =	vnsel vm14, $0x1F3F, v57;
	[tilespmem:$0x3C0] =	vst v58  }
0xcf: {  	v62 =	vnsel vm15, $0x1F3F, v59;
	[tilespmem:$0x3D0] =	vst v60;
	v63 =	vadd.s32 $0x1F40, v61  }
0xd0: {  	v0 =	vadd.s32 $0x1F40, v62;
	[tilespmem:$0x3E0] =	vst v63  }
0xd1: {  	[tilespmem:$0x3F0] =	vst v0  }
0xd2: {  	_ =	swait.ge [sflag:s18], $0x8000  }
0xd3: {  	[sflag:s18] =	ssyncset.done $0x0  }
0xd4: {  	s31 =	rddreg [dreg:$0x7];
	[sflag:s18] =	ssyncadd.s32 $0xFFFF8000  }
0xd5: {  	[tilespmem:s15], [sflag:$0x3] =	stream.indirect.gather [hbm4b:s3+s11], $0x80, s10, s11, $0xb8;
	[tilespmem:$0x10400] =	vst v63  }
0xd6: {  	s30 =	rddreg [dreg:$0x8]  }
0xd7: {  	[tilespmem:s30], [sflag:$0x3] =	stream.indirect.gather [hbm4b:s3+s11], $0x80, s31, s11, $0xb8;
	[tilespmem:$0x10400] =	vst v63  }
0xd8: {  	_ =	swait.ge [sflag:s19], $0x8000  }
0xd9: {  	[sflag:s19] =	ssyncset.done $0x0  }
0xda: {  	s31 =	rddreg [dreg:$0x9];
	[sflag:s19] =	ssyncadd.s32 $0xFFFF8000  }
0xdb: {  	[tilespmem:s12], [sflag:$0x4] =	stream.indirect.gather [hbm4b:s3+s11], $0x80, s31, s11, $0xb8;
	[tilespmem:$0x10400] =	vst v63  }
0xdc: {  	s30 =	rddreg [dreg:$0xa]  }
0xdd: {  	[tilespmem:s13], [sflag:$0x4] =	stream.indirect.gather [hbm4b:s3+s11], $0x80, s30, s11, $0xb8;
	[tilespmem:$0x10400] =	vst v63  }
0xde: {  	_ =	swait.ge [sflag:s14], $0x4000  }
0xdf: {  	[sflag:s14] =	ssyncset.done $0x0  }
0xe0: {  	[sflag:s14] =	ssyncadd.s32 $0xFFFFC000  }
0xe1: {  	_ =	swait.ge [sflag:s14], $0x4000  }
0xe2: {  	[sflag:s14] =	ssyncset.done $0x0  }
0xe3: {  	s31 =	sadd.s32 $0x2000, s26;
	[sflag:s14] =	ssyncadd.s32 $0xFFFFC000  }
0xe4: {  	[hbm4b:s31+s2] =	stream.linear.scatter [tilespmem:s15], [sflag:$0x5], $0x8000, $0x38;
	[tilespmem:$0x10400] =	vst v63  }
0xe5: {  	s24 =	sadd.s32 $0x4000, s24;
	_ =	swait.ge [sflag:s16], $0x4000  }
0xe6: {  	p0 =	sne.s32 s24, $0x200000;
	[sflag:s16] =	ssyncset.done $0x0  }
.Ltmp0:
0xe7: {  	[sflag:s16] =	ssyncadd.s32 $0xFFFFC000;
	(pc) =	sbr.rel @p0 .LBB2_2-.Ltmp0, $4  }
0xe8: {  	s25 =	sadd.s32 $0x1, s25;
	_ =	swait.ge [sflag:s16], $0x4000  }
0xe9: {  	s23 =	sadd.s32 $0x400, s23;
	s21 =	sadd.s32 $0x20000, s21;
	[sflag:s16] =	ssyncset.done $0x0  }
0xea: {  	s22 =	sadd.s32 $0x80, s22;
	s26 =	sadd.s32 $0x3000, s26;
	[sflag:s16] =	ssyncadd.s32 $0xFFFFC000  }
0xeb: {  	[hbm4b:s26+s2] =	stream.linear.scatter [tilespmem:s12], [sflag:$0x6], $0x8000, $0x38;
	[tilespmem:$0x10400] =	vst v63  }
0xec: {  	s20 =	sadd.s32 $0x1, s20  }
0xed: {  	_ =	swait.ge [sflag:s18], $0x8000;
	p0 =	sne.s32 s20, s6  }
.Ltmp1:
0xee: {  	[sflag:s18] =	ssyncset.done $0x0;
	(pc) =	sbr.rel @p0 .LBB2_1-.Ltmp1, $4  }
0xef: {  	[sflag:s18] =	ssyncadd.s32 $0xFFFF8000  }
0xf0: {  	_ =	swait.ge [sflag:s19], $0x8000  }
0xf1: {  	[sflag:s19] =	ssyncset.done $0x0  }
0xf2: {  	[sflag:s19] =	ssyncadd.s32 $0xFFFF8000  }
0xf3: {  	_ =	sfence.sel $0x180000  }
0xf4: {  	[bflag:$0x0] =	sbarrier.arrive $0xFFFF  }
0xf5: {  	p0 =	sne.s32 s1, $0x0;
	_ =	strace $0x90000047  }
0xf6: {  	s0 =	sadd.s32 @!p0 $0x100000, s0;
	[bflag:$0x2] =	sbarrier.arrive $0xFFFF  }
0xf7: {  	[sflag:s0] =	ssyncadd.tile.s32 @!p0 $0x1;
	_ =	shalt  }
.Lfunc_end2:
_tile_overlayer_lowered:
.L_overlay_start_2:
0xf8: {  	(tag) =	ssettag $0x2  }
0xf9: {  	s0 =	rddreg [dreg:$0x0];
	s2 =	stileid.u32  }
0xfa: {  	s1 =	rddreg [dreg:$0x1];
	p0 =	sne.s32 s2, $0x0  }
0xfb: {  	s3 =	rddreg [dreg:$0x2];
	[bflag:$0x3] =	sbarrier.arrive $0xFFFF;
	s2 =	simm.s32 @!p0 $0x1C07  }
0xfc: {  	[timem:s3], [sflag:s2] =	dma.local @!p0 [hbm:s0], s1  }
0xfd: {  	s0 =	simm.s32 @!p0 $0x7  }
0xfe: {  	_ =	swait.ge @!p0 [sflag:s0], s1  }
0xff: {  	s1 =	ssub.s32 @!p0 $0x0, s1;
	[sflag:s0] =	ssyncset.done @!p0 $0x0  }
0x100: {  	[sflag:s0] =	ssyncadd.s32 @!p0 s1  }
0x101: {  	[bflag:$0x3] =	sbarrier.arrive $0xFFFF  }
0x102: {  	_ =	shalt  }

// kernel: sparse-core-data-format-call.cloned.1.call-start
scs
called_computation_lowered:
.L_overlay_start_0:
0x0: {  	s2 =	sld [smem:$0x3FD9]  }
0x1: {  	s3 =	sld [smem:$0x3FFE];
	_ =	sdelay $0x1  }
0x2: {  	s1 =	srdreg.scid  }
0x3: {  	s0 =	sand.u32 $0x1, s1  }
0x4: {  	s18 =	sshll.u32 s0, $0xA;
	s2 =	sadd.s32 s3, s2  }
0x5: {  	s2 =	sadd.s32 s2, s18  }
0x6: {  	[smem:$0x3FC6] =	sst s2  }
0x7: {  	_ = 	snop  }
0x8: {  	s2 =	sld [smem:$0x3FD0];
	(tm) =	ssettm $0x1  }
0x9: {  	s19 =	sld [smem:$0x3FFB];
	_ =	sdelay $0x3  }
0xa: {  	_ =	strace s19  }
0xb: {  	s3 =	sld [smem:$0x3FFC];
	_ =	sdelay $0x3  }
0xc: {  	_ =	strace s3  }
0xd: {  	s3 =	sld [smem:$0x3FFD];
	_ =	sdelay $0x3  }
0xe: {  	_ =	strace s3  }
0xf: {  	_ =	strace $0x8FFFFFFF  }
0x10: {  	s20 =	sld [smem:$0x3FDB];
	_ =	sdelay $0x1  }
0x11: {  	s4 =	simm.s32 $_scs_section_size  }
0x12: {  	s5 =	simm.s32 $_size__tile_overlayer_lowered;
	s6 =	simm.s32 $_tile_overlayer_lowered  }
0x13: {  	s23 =	simm.s32 $0x1BFF;
	s22 =	sshll.u32 s6, $0x1;
	s3 =	sadd.s32 s4, s20  }
0x14: {  	s7 =	simm.s32 $0x0;
	s21 =	sshll.u32 s5, $0x1;
	s5 =	sadd.s32 s22, s3  }
0x15: {  	[timem:s7], [sflag:s23] =	dma.local [hbm:s5], s21  }
0x16: {  	_ =	swait.ge [sflag:s23], s21  }
0x17: {  	s4 =	ssub.s32 $0x0, s21;
	[sflag:s23] =	ssyncset.done $0x0  }
0x18: {  	[sflag:s23] =	ssyncadd.s32 s4;
	_ =	sdelay $0x1  }
0x19: {  	s24 =	simm.s32 $0x1B8B  }
0x1a: {  	_ =	swait.ge [sflag:s24], $0x1  }
0x1b: {  	[sflag:s24] =	ssyncset.done $0x0  }
0x1c: {  	s26 =	simm.s32 $0x1B8E;
	s25 =	sld [smem:$0x3FFE];
	[sflag:s24] =	ssyncadd.s32 $0xFFFFFFFF  }
0x1d: {  	s27 =	simm.s32 $execute0_lowered;
	[smem:$0x3FD2] =	sst s26  }
0x1e: {  	s5 =	sshll.u32 s27, $0x1;
	_ =	strace $0x80000049;
	[dreg:$0x1] =	wrdreg $0xFFFFFFFF  }
0x1f: {  	s28 =	simm.s32 $_size_execute0_lowered;
	s3 =	sadd.s32 s3, s5;
	[dreg:$0x0] =	wrdreg $0x0  }
0x20: {  	s5 =	sshll.u32 s28, $0x1;
	[dreg:$0x2] =	wrdreg s3  }
0x21: {  	[dreg:$0x3] =	wrdreg s5  }
0x22: {  	[dreg:$0x4] =	wrdreg $0xC0  }
0x23: {  	_ =	task [dreg:s7], $0x5FFFF  }
0x24: {  	[dreg:$0x1] =	wrdreg $0xFFFFFFFF  }
0x25: {  	[dreg:$0x0] =	wrdreg $0x60  }
0x26: {  	[dreg:$0x2] =	wrdreg s25  }
0x27: {  	[dreg:$0x3] =	wrdreg s2  }
0x28: {  	[dreg:$0x4] =	wrdreg $0x9  }
0x29: {  	_ =	task.clear_ibuf [dreg:s7], $0x5FFFF;
	_ =	strace $0x90000049  }
0x2a: {  	s29 =	simm.s32 $0x9;
	_ =	strace $0x8000004B  }
0x2b: {  	_ =	swait.ge [sflag:s29], $0x1  }
0x2c: {  	[sflag:s29] =	ssyncadd.s32 $0xFFFFFFFF  }
0x2d: {  	_ =	strace $0x9000004B  }
0x2e: {  	_ =	sfence  }
0x2f: {  	s30 =	sld [smem:$0x0];
	_ =	sdelay $0x2  }
0x30: {  	s31 =	sshll.u32 s1, $0xD;
	s1 =	sshrl.u32 s1, $0x2  }
0x31: {  	s3 =	sand.u32 $0x4000, s31;
	s1 =	sadd.s32 s1, s30  }
0x32: {  	s0 =	sor.u32 s3, s0;
	s1 =	sshll.u32 s1, $0x11  }
0x33: {  	s0 =	sor.u32 s1, s0  }
0x34: {  	s0 =	sadd.s32 $0x8F2B, s0  }
0x35: {  	[sflag:s0] =	ssyncadd.remote.s32 $0x1  }
0x36: {  	_ =	sfence.sel $0xFFFF  }
0x37: {  	[dreg:$0x0] =	wrdreg $0xFFFFFFFF;
	(pc) =	sbr.abs _section_cstart, $3  }
0x38: {  	[dreg:$0x1] =	wrdreg $0xFFFFFFFF  }
0x39: {  	_ =	task.clear_ibuf [dreg:s7], $0x2FFFF;
	_ =	strace $0x9FFFFFFF  }
0x3a: {  	(tm) =	ssettm $0x7FFFFFFF  }
0x3b: {  	_ =	shalt  }
tec
execute0_lowered:
.L_overlay_start_1:
0x0: {  	(tag) =	ssettag $0x1  }
0x1: {  	s0 =	srdreg.scid  }
0x2: {  	s7 =	rddreg [dreg:$0x0];
	s1 =	sshll.u32 s0, $0x4  }
0x3: {  	s3 =	rddreg [dreg:$0x1];
	s0 =	stileid.u32;
	s1 =	sand.u32 $0x10, s1  }
0x4: {  	s6 =	simm.s32 $0x1;
	s31 =	simm.s32 $0x2;
	s1 =	sor.u32 s0, s1  }
0x5: {  	s13 =	simm.s32 $0x0;
	s9 =	simm.s32 $0x4000;
	s2 =	sshll.u32 s1, $0x1  }
0x6: {  	s14 =	simm.s32 $0x0;
	s10 =	simm.s32 $0x0;
	s4 =	ssub.s32 $0x800, s2  }
0x7: {  	s12 =	simm.s32 $0x0;
	s1 =	rddreg [dreg:$0x2];
	s5 =	sand.u32 $0x3E, s4  }
.Ltmp0:
0x8: {  	_ =	strace $0x8000004A;
	p0 =	sne.s32 s5, $0x0;
	(pc) =	sbr.rel .LBB1_1-.Ltmp0, $4  }
0x9: {  	s11 =	smov.u32 s2;
	s8 =	sshrl.u32 s4, $0x6;
	s6 =	simm.s32 @!p0 $0x0  }
0xa: {  	s4 =	sadd.s32 $0x3F000, s7;
	s5 =	simm.s32 $0x1;
	s6 =	sadd.s32 s6, s8  }
0xb: {  	s7 =	sadd.s32 $0x47000, s7;
	[sflag:s5] =	ssyncpa.u1 $0x0;
	s6 =	sshll.u32 s6, $0x4  }
0xc: {  	p0 =	por $0x0, $0x0;
	[sflag:s31] =	ssyncpa.u1 $0x0;
	s8 =	sor.u32 $0x1, s6  }
.LBB1_7:
0xd: {  	s15 =	sadd.s32 $0x80, s10  }
0xe: {  	s13 =	sadd.s32 $0x40, s11;
	s17 =	smov.u32 s11;
	p2 =	sgt.s32 s15, $0x7FF  }
0xf: {  	s17 =	smov.u32 @p2 s13  }
0x10: {  	s15 =	simm.s32 @p2 $0x0;
	p2 =	sgt.s32 s17, $0x7FF  }
0x11: {  	s17 =	smov.u32 @p2 s2;
	p2 =	sne.s32 s12, s8  }
.Ltmp1:
0x12: {  	p1 =	slt.u32 s12, $0x2;
	(pc) =	sbr.rel @!p2 .LBB1_8-.Ltmp1, $4  }
0x13: {  	s16 =	simm.s32 @!p1 $0x2  }
0x14: {  	s14 =	smov.u32 s11;
	p0 =	por !p0, !p0;
	_ =	swait.ge @!p1 [sflag:s16], $0x4000  }
0x15: {  	s13 =	smov.u32 s10;
	[sflag:s16] =	ssyncset.done @!p1 $0x0;
	s10 =	smov.u32 s15  }
0x16: {  	s12 =	sadd.s32 $0x1, s12;
	[sflag:s16] =	ssyncadd.s32 @!p1 $0xFFFFC000;
	s11 =	smov.u32 s17  }
.LBB1_1:
0x17: {  	p1 =	sge.u32 s12, s6  }
0x18: {  	s15 =	sxor.u32 @!p1 $0xFFFFFFFF, s12;
	s16 =	sshll.u32 @!p1 s11, $0xF  }
0x19: {  	s17 =	sshll.u32 @!p1 s10, $0x4;
	s19 =	simm.s32 @!p1 $0x40;
	s20 =	simm.s32 @!p1 $0x80  }
0x1a: {  	s15 =	sshll.u32 @!p1 s15, $0xE;
	s17 =	sand.u32 @!p1 $0x7FF0, s17;
	s18 =	sadd.s32 @!p1 s4, s16  }
0x1b: {  	s16 =	sadd.s32 @!p1 s16, s7;
	s15 =	sand.u32 @!p1 $0x4000, s15;
	s18 =	sadd.s32 @!p1 s17, s18  }
0x1c: {  	[tilespmem:s15], [sflag:$0x1] =	stream.strided.gather @!p1 [hbm4b:s18+s19], $0x2000, s20, s19, $0x38;
	[tilespmem:$0x10100] =	vst v63  }
0x1d: {  	s31 =	sadd.s32 $0xFFFFFFFF, s12;
	s16 =	sadd.s32 @!p1 s17, s16;
	s15 =	sor.u32 @!p1 $0x2000, s15  }
0x1e: {  	[tilespmem:s15], [sflag:$0x1] =	stream.strided.gather @!p1 [hbm4b:s16+s19], $0x2000, s20, s19, $0x38;
	[tilespmem:$0x10100] =	vst v63  }
0x1f: {  	p1 =	sge.u32 s31, s6  }
.Ltmp2:
0x20: {  	_ = 	snop;
	(pc) =	sbr.rel @p1 .LBB1_7-.Ltmp2, $1  }
0x21: {  	_ =	sdelay $0x3  }
0x22: {  	s15 =	simm.s32 $0x1;
	s17 =	sand.u32 $0x1, s12  }
0x23: {  	_ =	swait.ge [sflag:s5], $0x4000;
	s15 =	simm.s32 @!p0 $0x0;
	s17 =	smul.u32 $0x10200, s17  }
0x24: {  	p2 =	por $0x1, $0x1;
	[sflag:s5] =	ssyncset.done $0x0;
	s16 =	smul.u32 $0x10200, s15  }
0x25: {  	s18 =	sshll.u32 s15, $0x10;
	[sflag:s5] =	ssyncadd.s32 $0xFFFFC000;
	s30 =	sshrl.u32 s17, $0x2  }
0x26: {  	s31 =	sshrl.u32 s18, $0x2;
	s18 =	simm.s32 $0x0;
	s16 =	sshrl.u32 s16, $0x2  }
0x27: {  	s15 =	sor.u32 $0x8000, s30;
	s17 =	sadd.s32 $0x20, s31;
	s16 =	sor.u32 $0x8000, s16  }
.LBB1_3:
0x28: {  	s19 =	sshll.u32 s18, $0xD  }
0x29: {  	s19 =	sand.u32 $0x3FFFE000, s19  }
0x2a: {  	s21 =	sadd.s32 s19, s17  }
0x2b: {  	s31 =	smul.u32 $0x8100, s18;
	v3 =	vld [tilespmem:s21+$0x10]  }
0x2c: {  	v1 =	vld [tilespmem:s21+$0xFFFFFFF0]  }
0x2d: {  	s18 =	sshra.s32 s31, $0x2;
	v0 =	vld [tilespmem:s21+$0x0]  }
0x2e: {  	s18 =	sadd.s32 s18, s16;
	v2 =	vld [tilespmem:s21+$0xFFFFFFE0]  }
0x2f: {  	s19 =	sadd.s32 $0x0, s18  }
0x30: {  	p1 =	por p2, p2;
	s20 =	simm.s32 $0x4;
	s21 =	sadd.s32 $0x40, s21;
	[tilespmem:s19+$0x1830 ss:$0x81] =	vst.msk $0xffff, v3  }
.LBB1_4:
0x31: {  	v3 =	vld [tilespmem:s21+$0x10];
	p2 =	sne.s32 s20, $0x1FC;
	[tilespmem:s19+$0x810 ss:$0x81] =	vst.msk $0xffff, v1;
	s22 =	smov.u32 s20;
	s20 =	sadd.s32 $0x4, s20  }
.Ltmp3:
0x32: {  	v1 =	vld [tilespmem:s21+$0xFFFFFFF0];
	[tilespmem:s19+$0x1020 ss:$0x81] =	vst.msk $0xffff, v0;
	(pc) =	sbr.rel @p2 .LBB1_4-.Ltmp3, $4  }
0x33: {  	v0 =	vld [tilespmem:s21+$0x0];
	[tilespmem:s19+$0x0 ss:$0x81] =	vst.msk $0xffff, v2  }
0x34: {  	s19 =	sshra.s32 s22, $0x2;
	v2 =	vld [tilespmem:s21+$0xFFFFFFE0]  }
0x35: {  	s19 =	sadd.s32 s19, s18  }
0x36: {  	s21 =	sadd.s32 $0x40, s21;
	[tilespmem:s19+$0x1830 ss:$0x81] =	vst.msk $0xffff, v3  }
.Ltmp4:
0x37: {  	(pc) =	sbr.rel @p1 .LBB1_3-.Ltmp4, $4  }
0x38: {  	_ = 	snop  }
0x39: {  	[tilespmem:s19+$0x810 ss:$0x81] =	vst.msk $0xffff, v1  }
0x3a: {  	[tilespmem:s19+$0x1020 ss:$0x81] =	vst.msk $0xffff, v0  }
0x3b: {  	s18 =	simm.s32 $0x1;
	p2 =	por $0x0, $0x0;
	[tilespmem:s19+$0x0 ss:$0x81] =	vst.msk $0xffff, v2  }
0x3c: {  	s16 =	sshll.u32 s13, $0x3;
	s17 =	sand.u32 $0x78, s13;
	s14 =	sshll.u32 s14, $0xE  }
.Ltmp5:
0x3d: {  	s30 =	sand.u32 $0x3F00, s13;
	s16 =	sand.u32 $0x400, s16;
	(pc) =	sbr.rel .LBB1_7-.Ltmp5, $4  }
0x3e: {  	s31 =	sand.u32 $0x7, s13;
	s14 =	sadd.s32 s3, s14;
	s16 =	sor.u32 s17, s16  }
0x3f: {  	s13 =	sshll.u32 s31, $0x12;
	s14 =	sadd.s32 s30, s14;
	s16 =	sshrl.u32 s16, $0x3  }
0x40: {  	s13 =	sor.u32 $0x400, s13;
	s14 =	sadd.s32 s16, s14  }
0x41: {  	[hbm4b:s14+s13] =	stream.strided.scatter [tilespmem:s15], [sflag:$0x2], $0x4000, s9, s13, $0x20;
	[tilespmem:$0x10100] =	vst v63  }
.LBB1_8:
0x42: {  	_ =	sfence.sel $0x180000  }
0x43: {  	s2 =	simm.s32 $0x1;
	[bflag:$0x0] =	sbarrier.arrive $0xFFFF  }
0x44: {  	s31 =	simm.s32 $0x2;
	[sflag:s2] =	ssyncpa.u1 $0x1  }
0x45: {  	[sflag:s31] =	ssyncpa.u1 $0x1  }
0x46: {  	p0 =	sne.s32 s0, $0x0;
	_ =	strace $0x9000004A  }
0x47: {  	s0 =	sadd.s32 @!p0 $0x100000, s1;
	[bflag:$0x2] =	sbarrier.arrive $0xFFFF  }
0x48: {  	[sflag:s0] =	ssyncadd.tile.s32 @!p0 $0x1;
	_ =	shalt  }
.Lfunc_end1:
_tile_overlayer_lowered:
.L_overlay_start_2:
0x49: {  	(tag) =	ssettag $0x2  }
0x4a: {  	s0 =	rddreg [dreg:$0x0];
	s2 =	stileid.u32  }
0x4b: {  	s1 =	rddreg [dreg:$0x1];
	p0 =	sne.s32 s2, $0x0  }
0x4c: {  	s3 =	rddreg [dreg:$0x2];
	[bflag:$0x3] =	sbarrier.arrive $0xFFFF;
	s2 =	simm.s32 @!p0 $0x1C01  }
0x4d: {  	[timem:s3], [sflag:s2] =	dma.local @!p0 [hbm:s0], s1  }
0x4e: {  	s0 =	simm.s32 @!p0 $0x1  }
0x4f: {  	_ =	swait.ge @!p0 [sflag:s0], s1  }
0x50: {  	s1 =	ssub.s32 @!p0 $0x0, s1;
	[sflag:s0] =	ssyncset.done @!p0 $0x0  }
0x51: {  	[sflag:s0] =	ssyncadd.s32 @!p0 s1  }
0x52: {  	[bflag:$0x3] =	sbarrier.arrive $0xFFFF  }
0x53: {  	_ =	shalt  }

</sc_bundles>
